<compile_context>
chip_gen: v7x
topology: tpu7x:2x2x1
jax: 0.10.2.dev20260603
libtpu: 0.0.44.dev20260713+nightly
codegen_flags: <defaults>
</compile_context>

<pallas_src>
import functools

import jax
import jax.numpy as jnp
from jax import lax
from jax.experimental import pallas as pl
from jax.experimental.pallas import tpu as pltpu
from jax.experimental.pallas import tpu_sc as plsc

_ROWS, _COLS = 16384, 512
_OUT_COLS = _COLS // 2
_NC, _NS, _L = 2, 16, 16
_NW = _NC * _NS
_RPW = _ROWS // _NW
_CHUNK = 32
_NBUF = 4
_NCHUNK = _RPW // _CHUNK
_NGROUP = _NCHUNK // _NBUF
_JPR = _OUT_COLS // _L


def _body(
    x_hbm, out_hbm,
    in0, in1, in2, in3, out0, out1, out2, out3,
    si0, si1, si2, si3, so0, so1, so2, so3,
):
    wid = lax.axis_index("s") * _NC + lax.axis_index("c")
    lane = lax.iota(jnp.int32, 16)
    row0 = wid * _RPW
    ins, outs = (in0, in1, in2, in3), (out0, out1, out2, out3)
    sis, sos = (si0, si1, si2, si3), (so0, so1, so2, so3)

    for b in range(_NBUF):
        pltpu.async_copy(
            x_hbm.at[pl.ds(row0 + b * _CHUNK, _CHUNK)], ins[b], sis[b]
        )

    def group(g, _):
        for b in range(_NBUF):
            c = _NBUF * g + b
            r0 = row0 + c * _CHUNK
            pltpu.make_async_copy(
                x_hbm.at[pl.ds(r0, _CHUNK)], ins[b], sis[b]
            ).wait()

            @pl.when(g > 0)
            def _():
                pltpu.make_async_copy(
                    outs[b], out_hbm.at[pl.ds(r0, _CHUNK)], sos[b]
                ).wait()

            ib, ob = ins[b], outs[b]

            @plsc.parallel_loop(0, _CHUNK, step=1, unroll=1)
            def _(r):
                rowv = jnp.full((16,), r, jnp.int32)
                for j in range(_JPR):
                    col = 2 * _L * j + 2 * lane
                    v = plsc.load_gather(ib, [rowv, col])
                    ob[r, pl.ds(_L * j, _L)] = v
            pltpu.async_copy(
                outs[b], out_hbm.at[pl.ds(r0, _CHUNK)], sos[b]
            )

            @pl.when(g < _NGROUP - 1)
            def _():
                pltpu.async_copy(
                    x_hbm.at[pl.ds(r0 + _NBUF * _CHUNK, _CHUNK)], ins[b], sis[b]
                )

        return 0

    lax.fori_loop(0, _NGROUP, group, 0)
    for b in range(_NBUF):
        pltpu.make_async_copy(
            outs[b], out_hbm.at[pl.ds(row0, _CHUNK)], sos[b]
        ).wait()


_deinterleave = functools.partial(
    pl.kernel,
    out_type=jax.ShapeDtypeStruct((_ROWS, _OUT_COLS), jnp.float32),
    mesh=plsc.VectorSubcoreMesh(core_axis_name="c", subcore_axis_name="s"),
    scratch_types=(
        [pltpu.VMEM((_CHUNK, _COLS), jnp.float32)] * _NBUF
        + [pltpu.VMEM((_CHUNK, _OUT_COLS), jnp.float32)] * _NBUF
        + [pltpu.SemaphoreType.DMA] * (2 * _NBUF)
    ),
    compiler_params=pltpu.CompilerParams(
        needs_layout_passes=False,
        disable_bounds_checks=True,
        disable_semaphore_checks=True,
        skip_device_barrier=True,
    ),
)(_body)


def kernel(x):
    return _deinterleave(x)

# --- scband reference (transcript-rebuilt; emitter-appended) ---
"""Pipeline reference for scband-static-mask-layer1d-8564164788783 (READ-ONLY COPY).

The authoritative reference and input builder live on the scoring server;
editing this copy changes nothing except your own understanding.
"""

import jax, jax.numpy as jnp
import numpy as np

# Fixed column indices from init_kwargs (256 even indices in [0, 512))
INDS = jnp.asarray(np.arange(0, 512, 2), dtype=jnp.int32)


def setup_inputs(seed: int = 0) -> dict:
    key = jax.random.key(seed)
    x = jax.random.normal(key, (16384, 512), dtype=jnp.float32)
    return {"x": x}


def reference(x):
    # StaticMaskLayer1d.forward: x[:, self.inds]
    return jnp.take(x, INDS, axis=1)

if __name__ == "__main__":
    import jax
    _d = setup_inputs()
    print(jax.jit(kernel)(*tuple(_d.values())))

</pallas_src>

<mosaic_0001>
#map = affine_map<(d0, d1) -> (0, 0)>
module attributes {stable_mosaic.version = 14 : i64} {
  func.func @_body(%arg0: i32, %arg1: i32, %arg2: memref<16384x512xf32, #tpu.memory_space<hbm>>, %arg3: memref<16384x256xf32, #tpu.memory_space<hbm>>, %arg4: memref<32x512xf32, #tpu.memory_space<vmem>>, %arg5: memref<32x512xf32, #tpu.memory_space<vmem>>, %arg6: memref<32x512xf32, #tpu.memory_space<vmem>>, %arg7: memref<32x512xf32, #tpu.memory_space<vmem>>, %arg8: memref<32x256xf32, #tpu.memory_space<vmem>>, %arg9: memref<32x256xf32, #tpu.memory_space<vmem>>, %arg10: memref<32x256xf32, #tpu.memory_space<vmem>>, %arg11: memref<32x256xf32, #tpu.memory_space<vmem>>, %arg12: memref<!tpu.dma_semaphore, #tpu.memory_space<semaphore_mem>>, %arg13: memref<!tpu.dma_semaphore, #tpu.memory_space<semaphore_mem>>, %arg14: memref<!tpu.dma_semaphore, #tpu.memory_space<semaphore_mem>>, %arg15: memref<!tpu.dma_semaphore, #tpu.memory_space<semaphore_mem>>, %arg16: memref<!tpu.dma_semaphore, #tpu.memory_space<semaphore_mem>>, %arg17: memref<!tpu.dma_semaphore, #tpu.memory_space<semaphore_mem>>, %arg18: memref<!tpu.dma_semaphore, #tpu.memory_space<semaphore_mem>>, %arg19: memref<!tpu.dma_semaphore, #tpu.memory_space<semaphore_mem>>) attributes {dimension_semantics = [#tpu.dimension_semantics<core_parallel>, #tpu.dimension_semantics<subcore_parallel>], iteration_bounds = array<i64: 2, 16>, scalar_prefetch = 0 : i64, scratch_operands = 16 : i64, tpu.core_type = #tpu.core_type<sc_vector_subcore>, window_params = [{transform_indices = #map}, {transform_indices = #map}]} {
    %mul3A = arith.constant 2 : i32
    %mul3A_0 = arith.muli %arg1, %mul3A : i32
    %add3A = arith.addi %mul3A_0, %arg0 : i32
    %iota3A = tpu.iota {dimensions = array<i32: 0>} : vector<16xi32>
    %mul3A_1 = arith.constant 512 : i32
    %mul3A_2 = arith.muli %add3A, %mul3A_1 : i32
    %add3A_3 = arith.constant 0 : i32
    %add3A_4 = arith.addi %mul3A_2, %add3A_3 : i32
    %dma_start3A = arith.constant 0 : i32
    %dma_start3A_5 = tpu.memref_slice %arg2[%add3A_4, %dma_start3A] : memref<16384x512xf32, #tpu.memory_space<hbm>> -> memref<32x512xf32, #tpu.memory_space<hbm>>
    %dma_start3A_6 = arith.constant 0 : i32
    %dma_start3A_7 = tpu.memref_slice %arg2[%add3A_4, %dma_start3A_6] : memref<16384x512xf32, #tpu.memory_space<hbm>> -> memref<32x512xf32, #tpu.memory_space<hbm>>
    tpu.enqueue_dma source(%dma_start3A_7 : memref<32x512xf32, #tpu.memory_space<hbm>>) target(%arg4 : memref<32x512xf32, #tpu.memory_space<vmem>>) target_semaphore(%arg12 : memref<!tpu.dma_semaphore, #tpu.memory_space<semaphore_mem>>)
    %add3A_8 = arith.constant 32 : i32
    %add3A_9 = arith.addi %mul3A_2, %add3A_8 : i32
    %dma_start3A_10 = arith.constant 0 : i32
    %dma_start3A_11 = tpu.memref_slice %arg2[%add3A_9, %dma_start3A_10] : memref<16384x512xf32, #tpu.memory_space<hbm>> -> memref<32x512xf32, #tpu.memory_space<hbm>>
    %dma_start3A_12 = arith.constant 0 : i32
    %dma_start3A_13 = tpu.memref_slice %arg2[%add3A_9, %dma_start3A_12] : memref<16384x512xf32, #tpu.memory_space<hbm>> -> memref<32x512xf32, #tpu.memory_space<hbm>>
    tpu.enqueue_dma source(%dma_start3A_13 : memref<32x512xf32, #tpu.memory_space<hbm>>) target(%arg5 : memref<32x512xf32, #tpu.memory_space<vmem>>) target_semaphore(%arg13 : memref<!tpu.dma_semaphore, #tpu.memory_space<semaphore_mem>>)
    %add3A_14 = arith.constant 64 : i32
    %add3A_15 = arith.addi %mul3A_2, %add3A_14 : i32
    %dma_start3A_16 = arith.constant 0 : i32
    %dma_start3A_17 = tpu.memref_slice %arg2[%add3A_15, %dma_start3A_16] : memref<16384x512xf32, #tpu.memory_space<hbm>> -> memref<32x512xf32, #tpu.memory_space<hbm>>
    %dma_start3A_18 = arith.constant 0 : i32
    %dma_start3A_19 = tpu.memref_slice %arg2[%add3A_15, %dma_start3A_18] : memref<16384x512xf32, #tpu.memory_space<hbm>> -> memref<32x512xf32, #tpu.memory_space<hbm>>
    tpu.enqueue_dma source(%dma_start3A_19 : memref<32x512xf32, #tpu.memory_space<hbm>>) target(%arg6 : memref<32x512xf32, #tpu.memory_space<vmem>>) target_semaphore(%arg14 : memref<!tpu.dma_semaphore, #tpu.memory_space<semaphore_mem>>)
    %add3A_20 = arith.constant 96 : i32
    %add3A_21 = arith.addi %mul3A_2, %add3A_20 : i32
    %dma_start3A_22 = arith.constant 0 : i32
    %dma_start3A_23 = tpu.memref_slice %arg2[%add3A_21, %dma_start3A_22] : memref<16384x512xf32, #tpu.memory_space<hbm>> -> memref<32x512xf32, #tpu.memory_space<hbm>>
    %dma_start3A_24 = arith.constant 0 : i32
    %dma_start3A_25 = tpu.memref_slice %arg2[%add3A_21, %dma_start3A_24] : memref<16384x512xf32, #tpu.memory_space<hbm>> -> memref<32x512xf32, #tpu.memory_space<hbm>>
    tpu.enqueue_dma source(%dma_start3A_25 : memref<32x512xf32, #tpu.memory_space<hbm>>) target(%arg7 : memref<32x512xf32, #tpu.memory_space<vmem>>) target_semaphore(%arg15 : memref<!tpu.dma_semaphore, #tpu.memory_space<semaphore_mem>>)
    %scan3A = arith.constant 0 : i32
    %scan3A_26 = arith.constant 0 : i32
    %scan3A_27 = arith.constant 4 : i32
    %scan3A_28 = arith.addi %scan3A_26, %scan3A_27 : i32
    %scan3A_29 = arith.constant 1 : i32
    %scan3A_30 = scf.for %scan3A_47 = %scan3A_26 to %scan3A_28 step %scan3A_29 iter_args(%scan3A_48 = %scan3A) -> (i32)  : i32 {
      %mul3A_49 = arith.constant 4 : i32
      %mul3A_50 = arith.muli %mul3A_49, %scan3A_47 : i32
      %add3A_51 = arith.constant 0 : i32
      %add3A_52 = arith.addi %mul3A_50, %add3A_51 : i32
      %mul3A_53 = arith.constant 32 : i32
      %mul3A_54 = arith.muli %add3A_52, %mul3A_53 : i32
      %add3A_55 = arith.addi %mul3A_2, %mul3A_54 : i32
      %dma_wait3A_56 = arith.constant 0 : i32
      %dma_wait3A_57 = tpu.memref_slice %arg2[%add3A_55, %dma_wait3A_56] : memref<16384x512xf32, #tpu.memory_space<hbm>> -> memref<32x512xf32, #tpu.memory_space<hbm>>
      %dma_wait3A_58 = arith.constant 0 : i32
      %dma_wait3A_59 = tpu.memref_slice %arg2[%add3A_55, %dma_wait3A_58] : memref<16384x512xf32, #tpu.memory_space<hbm>> -> memref<32x512xf32, #tpu.memory_space<hbm>>
      tpu.wait_dma2 semaphore(%arg12 : memref<!tpu.dma_semaphore, #tpu.memory_space<semaphore_mem>>) src(%dma_wait3A_59 : memref<32x512xf32, #tpu.memory_space<hbm>>) dst(%arg4 : memref<32x512xf32, #tpu.memory_space<vmem>>)
      %gt3A = arith.constant 0 : i32
      %gt3A_60 = arith.cmpi sgt, %scan3A_47, %gt3A : i32
      %convert_element_type3A = arith.extui %gt3A_60 : i1 to i32
      %cond3A = arith.constant 0 : i32
      %cond3A_61 = arith.cmpi ne, %convert_element_type3A, %cond3A : i32
      scf.if %cond3A_61 {
        %dma_wait3A_157 = arith.constant 0 : i32
        %dma_wait3A_158 = tpu.memref_slice %arg3[%add3A_55, %dma_wait3A_157] : memref<16384x256xf32, #tpu.memory_space<hbm>> -> memref<32x256xf32, #tpu.memory_space<hbm>>
        %dma_wait3A_159 = arith.constant 0 : i32
        %dma_wait3A_160 = tpu.memref_slice %arg3[%add3A_55, %dma_wait3A_159] : memref<16384x256xf32, #tpu.memory_space<hbm>> -> memref<32x256xf32, #tpu.memory_space<hbm>>
        tpu.wait_dma2 semaphore(%arg16 : memref<!tpu.dma_semaphore, #tpu.memory_space<semaphore_mem>>) src(%arg8 : memref<32x256xf32, #tpu.memory_space<vmem>>) dst(%dma_wait3A_160 : memref<32x256xf32, #tpu.memory_space<hbm>>)
      } else {
      }
      %parallel_loop3A = arith.constant 0 : i32
      %parallel_loop3A_62 = arith.constant 32 : i32
      %parallel_loop3A_63 = arith.constant 1 : i32
      scf.for %parallel_loop3A_157 = %parallel_loop3A to %parallel_loop3A_62 step %parallel_loop3A_63  : i32 {
        %parallel_loop3A_158 = vector.broadcast %parallel_loop3A_157 : i32 to vector<16xi32>
        %parallel_loop3A_159 = arith.constant 2 : i32
        %parallel_loop3A_160 = vector.broadcast %parallel_loop3A_159 : i32 to vector<16xi32>
        %parallel_loop3A_161 = arith.muli %parallel_loop3A_160, %iota3A : vector<16xi32>
        %parallel_loop3A_162 = arith.constant 0 : i32
        %parallel_loop3A_163 = vector.broadcast %parallel_loop3A_162 : i32 to vector<16xi32>
        %parallel_loop3A_164 = arith.addi %parallel_loop3A_163, %parallel_loop3A_161 : vector<16xi32>
        %parallel_loop3A_165 = tpu.vector_load_idx %arg4[%parallel_loop3A_158, %parallel_loop3A_164] : memref<32x512xf32, #tpu.memory_space<vmem>>[vector<16xi32>, vector<16xi32>], vector<16xf32>,
        %parallel_loop3A_166 = arith.index_cast %parallel_loop3A_157 : i32 to index
        %parallel_loop3A_167 = arith.constant 0 : index
        %parallel_loop3A_168 = tpu.vector_load %arg8[%parallel_loop3A_166, %parallel_loop3A_167] {strides = array<i32>} : memref<32x256xf32, #tpu.memory_space<vmem>>, vector<16xf32>,
        tpu.vector_store %arg8[%parallel_loop3A_166, %parallel_loop3A_167], %parallel_loop3A_165 {strides = array<i32>} : memref<32x256xf32, #tpu.memory_space<vmem>>, vector<16xf32>,
        %parallel_loop3A_169 = arith.constant 2 : i32
        %parallel_loop3A_170 = vector.broadcast %parallel_loop3A_169 : i32 to vector<16xi32>
        %parallel_loop3A_171 = arith.muli %parallel_loop3A_170, %iota3A : vector<16xi32>
        %parallel_loop3A_172 = arith.constant 32 : i32
        %parallel_loop3A_173 = vector.broadcast %parallel_loop3A_172 : i32 to vector<16xi32>
        %parallel_loop3A_174 = arith.addi %parallel_loop3A_173, %parallel_loop3A_171 : vector<16xi32>
        %parallel_loop3A_175 = tpu.vector_load_idx %arg4[%parallel_loop3A_158, %parallel_loop3A_174] : memref<32x512xf32, #tpu.memory_space<vmem>>[vector<16xi32>, vector<16xi32>], vector<16xf32>,
        %parallel_loop3A_176 = arith.index_cast %parallel_loop3A_157 : i32 to index
        %parallel_loop3A_177 = arith.constant 16 : index
        %parallel_loop3A_178 = tpu.vector_load %arg8[%parallel_loop3A_176, %parallel_loop3A_177] {strides = array<i32>} : memref<32x256xf32, #tpu.memory_space<vmem>>, vector<16xf32>,
        tpu.vector_store %arg8[%parallel_loop3A_176, %parallel_loop3A_177], %parallel_loop3A_175 {strides = array<i32>} : memref<32x256xf32, #tpu.memory_space<vmem>>, vector<16xf32>,
        %parallel_loop3A_179 = arith.constant 2 : i32
        %parallel_loop3A_180 = vector.broadcast %parallel_loop3A_179 : i32 to vector<16xi32>
        %parallel_loop3A_181 = arith.muli %parallel_loop3A_180, %iota3A : vector<16xi32>
        %parallel_loop3A_182 = arith.constant 64 : i32
        %parallel_loop3A_183 = vector.broadcast %parallel_loop3A_182 : i32 to vector<16xi32>
        %parallel_loop3A_184 = arith.addi %parallel_loop3A_183, %parallel_loop3A_181 : vector<16xi32>
        %parallel_loop3A_185 = tpu.vector_load_idx %arg4[%parallel_loop3A_158, %parallel_loop3A_184] : memref<32x512xf32, #tpu.memory_space<vmem>>[vector<16xi32>, vector<16xi32>], vector<16xf32>,
        %parallel_loop3A_186 = arith.index_cast %parallel_loop3A_157 : i32 to index
        %parallel_loop3A_187 = arith.constant 32 : index
        %parallel_loop3A_188 = tpu.vector_load %arg8[%parallel_loop3A_186, %parallel_loop3A_187] {strides = array<i32>} : memref<32x256xf32, #tpu.memory_space<vmem>>, vector<16xf32>,
        tpu.vector_store %arg8[%parallel_loop3A_186, %parallel_loop3A_187], %parallel_loop3A_185 {strides = array<i32>} : memref<32x256xf32, #tpu.memory_space<vmem>>, vector<16xf32>,
        %parallel_loop3A_189 = arith.constant 2 : i32
        %parallel_loop3A_190 = vector.broadcast %parallel_loop3A_189 : i32 to vector<16xi32>
        %parallel_loop3A_191 = arith.muli %parallel_loop3A_190, %iota3A : vector<16xi32>
        %parallel_loop3A_192 = arith.constant 96 : i32
        %parallel_loop3A_193 = vector.broadcast %parallel_loop3A_192 : i32 to vector<16xi32>
        %parallel_loop3A_194 = arith.addi %parallel_loop3A_193, %parallel_loop3A_191 : vector<16xi32>
        %parallel_loop3A_195 = tpu.vector_load_idx %arg4[%parallel_loop3A_158, %parallel_loop3A_194] : memref<32x512xf32, #tpu.memory_space<vmem>>[vector<16xi32>, vector<16xi32>], vector<16xf32>,
        %parallel_loop3A_196 = arith.index_cast %parallel_loop3A_157 : i32 to index
        %parallel_loop3A_197 = arith.constant 48 : index
        %parallel_loop3A_198 = tpu.vector_load %arg8[%parallel_loop3A_196, %parallel_loop3A_197] {strides = array<i32>} : memref<32x256xf32, #tpu.memory_space<vmem>>, vector<16xf32>,
        tpu.vector_store %arg8[%parallel_loop3A_196, %parallel_loop3A_197], %parallel_loop3A_195 {strides = array<i32>} : memref<32x256xf32, #tpu.memory_space<vmem>>, vector<16xf32>,
        %parallel_loop3A_199 = arith.constant 2 : i32
        %parallel_loop3A_200 = vector.broadcast %parallel_loop3A_199 : i32 to vector<16xi32>
        %parallel_loop3A_201 = arith.muli %parallel_loop3A_200, %iota3A : vector<16xi32>
        %parallel_loop3A_202 = arith.constant 128 : i32
        %parallel_loop3A_203 = vector.broadcast %parallel_loop3A_202 : i32 to vector<16xi32>
        %parallel_loop3A_204 = arith.addi %parallel_loop3A_203, %parallel_loop3A_201 : vector<16xi32>
        %parallel_loop3A_205 = tpu.vector_load_idx %arg4[%parallel_loop3A_158, %parallel_loop3A_204] : memref<32x512xf32, #tpu.memory_space<vmem>>[vector<16xi32>, vector<16xi32>], vector<16xf32>,
        %parallel_loop3A_206 = arith.index_cast %parallel_loop3A_157 : i32 to index
        %parallel_loop3A_207 = arith.constant 64 : index
        %parallel_loop3A_208 = tpu.vector_load %arg8[%parallel_loop3A_206, %parallel_loop3A_207] {strides = array<i32>} : memref<32x256xf32, #tpu.memory_space<vmem>>, vector<16xf32>,
        tpu.vector_store %arg8[%parallel_loop3A_206, %parallel_loop3A_207], %parallel_loop3A_205 {strides = array<i32>} : memref<32x256xf32, #tpu.memory_space<vmem>>, vector<16xf32>,
        %parallel_loop3A_209 = arith.constant 2 : i32
        %parallel_loop3A_210 = vector.broadcast %parallel_loop3A_209 : i32 to vector<16xi32>
        %parallel_loop3A_211 = arith.muli %parallel_loop3A_210, %iota3A : vector<16xi32>
        %parallel_loop3A_212 = arith.constant 160 : i32
        %parallel_loop3A_213 = vector.broadcast %parallel_loop3A_212 : i32 to vector<16xi32>
        %parallel_loop3A_214 = arith.addi %parallel_loop3A_213, %parallel_loop3A_211 : vector<16xi32>
        %parallel_loop3A_215 = tpu.vector_load_idx %arg4[%parallel_loop3A_158, %parallel_loop3A_214] : memref<32x512xf32, #tpu.memory_space<vmem>>[vector<16xi32>, vector<16xi32>], vector<16xf32>,
        %parallel_loop3A_216 = arith.index_cast %parallel_loop3A_157 : i32 to index
        %parallel_loop3A_217 = arith.constant 80 : index
        %parallel_loop3A_218 = tpu.vector_load %arg8[%parallel_loop3A_216, %parallel_loop3A_217] {strides = array<i32>} : memref<32x256xf32, #tpu.memory_space<vmem>>, vector<16xf32>,
        tpu.vector_store %arg8[%parallel_loop3A_216, %parallel_loop3A_217], %parallel_loop3A_215 {strides = array<i32>} : memref<32x256xf32, #tpu.memory_space<vmem>>, vector<16xf32>,
        %parallel_loop3A_219 = arith.constant 2 : i32
        %parallel_loop3A_220 = vector.broadcast %parallel_loop3A_219 : i32 to vector<16xi32>
        %parallel_loop3A_221 = arith.muli %parallel_loop3A_220, %iota3A : vector<16xi32>
        %parallel_loop3A_222 = arith.constant 192 : i32
        %parallel_loop3A_223 = vector.broadcast %parallel_loop3A_222 : i32 to vector<16xi32>
        %parallel_loop3A_224 = arith.addi %parallel_loop3A_223, %parallel_loop3A_221 : vector<16xi32>
        %parallel_loop3A_225 = tpu.vector_load_idx %arg4[%parallel_loop3A_158, %parallel_loop3A_224] : memref<32x512xf32, #tpu.memory_space<vmem>>[vector<16xi32>, vector<16xi32>], vector<16xf32>,
        %parallel_loop3A_226 = arith.index_cast %parallel_loop3A_157 : i32 to index
        %parallel_loop3A_227 = arith.constant 96 : index
        %parallel_loop3A_228 = tpu.vector_load %arg8[%parallel_loop3A_226, %parallel_loop3A_227] {strides = array<i32>} : memref<32x256xf32, #tpu.memory_space<vmem>>, vector<16xf32>,
        tpu.vector_store %arg8[%parallel_loop3A_226, %parallel_loop3A_227], %parallel_loop3A_225 {strides = array<i32>} : memref<32x256xf32, #tpu.memory_space<vmem>>, vector<16xf32>,
        %parallel_loop3A_229 = arith.constant 2 : i32
        %parallel_loop3A_230 = vector.broadcast %parallel_loop3A_229 : i32 to vector<16xi32>
        %parallel_loop3A_231 = arith.muli %parallel_loop3A_230, %iota3A : vector<16xi32>
        %parallel_loop3A_232 = arith.constant 224 : i32
        %parallel_loop3A_233 = vector.broadcast %parallel_loop3A_232 : i32 to vector<16xi32>
        %parallel_loop3A_234 = arith.addi %parallel_loop3A_233, %parallel_loop3A_231 : vector<16xi32>
        %parallel_loop3A_235 = tpu.vector_load_idx %arg4[%parallel_loop3A_158, %parallel_loop3A_234] : memref<32x512xf32, #tpu.memory_space<vmem>>[vector<16xi32>, vector<16xi32>], vector<16xf32>,
        %parallel_loop3A_236 = arith.index_cast %parallel_loop3A_157 : i32 to index
        %parallel_loop3A_237 = arith.constant 112 : index
        %parallel_loop3A_238 = tpu.vector_load %arg8[%parallel_loop3A_236, %parallel_loop3A_237] {strides = array<i32>} : memref<32x256xf32, #tpu.memory_space<vmem>>, vector<16xf32>,
        tpu.vector_store %arg8[%parallel_loop3A_236, %parallel_loop3A_237], %parallel_loop3A_235 {strides = array<i32>} : memref<32x256xf32, #tpu.memory_space<vmem>>, vector<16xf32>,
        %parallel_loop3A_239 = arith.constant 2 : i32
        %parallel_loop3A_240 = vector.broadcast %parallel_loop3A_239 : i32 to vector<16xi32>
        %parallel_loop3A_241 = arith.muli %parallel_loop3A_240, %iota3A : vector<16xi32>
        %parallel_loop3A_242 = arith.constant 256 : i32
        %parallel_loop3A_243 = vector.broadcast %parallel_loop3A_242 : i32 to vector<16xi32>
        %parallel_loop3A_244 = arith.addi %parallel_loop3A_243, %parallel_loop3A_241 : vector<16xi32>
        %parallel_loop3A_245 = tpu.vector_load_idx %arg4[%parallel_loop3A_158, %parallel_loop3A_244] : memref<32x512xf32, #tpu.memory_space<vmem>>[vector<16xi32>, vector<16xi32>], vector<16xf32>,
        %parallel_loop3A_246 = arith.index_cast %parallel_loop3A_157 : i32 to index
        %parallel_loop3A_247 = arith.constant 128 : index
        %parallel_loop3A_248 = tpu.vector_load %arg8[%parallel_loop3A_246, %parallel_loop3A_247] {strides = array<i32>} : memref<32x256xf32, #tpu.memory_space<vmem>>, vector<16xf32>,
        tpu.vector_store %arg8[%parallel_loop3A_246, %parallel_loop3A_247], %parallel_loop3A_245 {strides = array<i32>} : memref<32x256xf32, #tpu.memory_space<vmem>>, vector<16xf32>,
        %parallel_loop3A_249 = arith.constant 2 : i32
        %parallel_loop3A_250 = vector.broadcast %parallel_loop3A_249 : i32 to vector<16xi32>
        %parallel_loop3A_251 = arith.muli %parallel_loop3A_250, %iota3A : vector<16xi32>
        %parallel_loop3A_252 = arith.constant 288 : i32
        %parallel_loop3A_253 = vector.broadcast %parallel_loop3A_252 : i32 to vector<16xi32>
        %parallel_loop3A_254 = arith.addi %parallel_loop3A_253, %parallel_loop3A_251 : vector<16xi32>
        %parallel_loop3A_255 = tpu.vector_load_idx %arg4[%parallel_loop3A_158, %parallel_loop3A_254] : memref<32x512xf32, #tpu.memory_space<vmem>>[vector<16xi32>, vector<16xi32>], vector<16xf32>,
        %parallel_loop3A_256 = arith.index_cast %parallel_loop3A_157 : i32 to index
        %parallel_loop3A_257 = arith.constant 144 : index
        %parallel_loop3A_258 = tpu.vector_load %arg8[%parallel_loop3A_256, %parallel_loop3A_257] {strides = array<i32>} : memref<32x256xf32, #tpu.memory_space<vmem>>, vector<16xf32>,
        tpu.vector_store %arg8[%parallel_loop3A_256, %parallel_loop3A_257], %parallel_loop3A_255 {strides = array<i32>} : memref<32x256xf32, #tpu.memory_space<vmem>>, vector<16xf32>,
        %parallel_loop3A_259 = arith.constant 2 : i32
        %parallel_loop3A_260 = vector.broadcast %parallel_loop3A_259 : i32 to vector<16xi32>
        %parallel_loop3A_261 = arith.muli %parallel_loop3A_260, %iota3A : vector<16xi32>
        %parallel_loop3A_262 = arith.constant 320 : i32
        %parallel_loop3A_263 = vector.broadcast %parallel_loop3A_262 : i32 to vector<16xi32>
        %parallel_loop3A_264 = arith.addi %parallel_loop3A_263, %parallel_loop3A_261 : vector<16xi32>
        %parallel_loop3A_265 = tpu.vector_load_idx %arg4[%parallel_loop3A_158, %parallel_loop3A_264] : memref<32x512xf32, #tpu.memory_space<vmem>>[vector<16xi32>, vector<16xi32>], vector<16xf32>,
        %parallel_loop3A_266 = arith.index_cast %parallel_loop3A_157 : i32 to index
        %parallel_loop3A_267 = arith.constant 160 : index
        %parallel_loop3A_268 = tpu.vector_load %arg8[%parallel_loop3A_266, %parallel_loop3A_267] {strides = array<i32>} : memref<32x256xf32, #tpu.memory_space<vmem>>, vector<16xf32>,
        tpu.vector_store %arg8[%parallel_loop3A_266, %parallel_loop3A_267], %parallel_loop3A_265 {strides = array<i32>} : memref<32x256xf32, #tpu.memory_space<vmem>>, vector<16xf32>,
        %parallel_loop3A_269 = arith.constant 2 : i32
        %parallel_loop3A_270 = vector.broadcast %parallel_loop3A_269 : i32 to vector<16xi32>
        %parallel_loop3A_271 = arith.muli %parallel_loop3A_270, %iota3A : vector<16xi32>
        %parallel_loop3A_272 = arith.constant 352 : i32
        %parallel_loop3A_273 = vector.broadcast %parallel_loop3A_272 : i32 to vector<16xi32>
        %parallel_loop3A_274 = arith.addi %parallel_loop3A_273, %parallel_loop3A_271 : vector<16xi32>
        %parallel_loop3A_275 = tpu.vector_load_idx %arg4[%parallel_loop3A_158, %parallel_loop3A_274] : memref<32x512xf32, #tpu.memory_space<vmem>>[vector<16xi32>, vector<16xi32>], vector<16xf32>,
        %parallel_loop3A_276 = arith.index_cast %parallel_loop3A_157 : i32 to index
        %parallel_loop3A_277 = arith.constant 176 : index
        %parallel_loop3A_278 = tpu.vector_load %arg8[%parallel_loop3A_276, %parallel_loop3A_277] {strides = array<i32>} : memref<32x256xf32, #tpu.memory_space<vmem>>, vector<16xf32>,
        tpu.vector_store %arg8[%parallel_loop3A_276, %parallel_loop3A_277], %parallel_loop3A_275 {strides = array<i32>} : memref<32x256xf32, #tpu.memory_space<vmem>>, vector<16xf32>,
        %parallel_loop3A_279 = arith.constant 2 : i32
        %parallel_loop3A_280 = vector.broadcast %parallel_loop3A_279 : i32 to vector<16xi32>
        %parallel_loop3A_281 = arith.muli %parallel_loop3A_280, %iota3A : vector<16xi32>
        %parallel_loop3A_282 = arith.constant 384 : i32
        %parallel_loop3A_283 = vector.broadcast %parallel_loop3A_282 : i32 to vector<16xi32>
        %parallel_loop3A_284 = arith.addi %parallel_loop3A_283, %parallel_loop3A_281 : vector<16xi32>
        %parallel_loop3A_285 = tpu.vector_load_idx %arg4[%parallel_loop3A_158, %parallel_loop3A_284] : memref<32x512xf32, #tpu.memory_space<vmem>>[vector<16xi32>, vector<16xi32>], vector<16xf32>,
        %parallel_loop3A_286 = arith.index_cast %parallel_loop3A_157 : i32 to index
        %parallel_loop3A_287 = arith.constant 192 : index
        %parallel_loop3A_288 = tpu.vector_load %arg8[%parallel_loop3A_286, %parallel_loop3A_287] {strides = array<i32>} : memref<32x256xf32, #tpu.memory_space<vmem>>, vector<16xf32>,
        tpu.vector_store %arg8[%parallel_loop3A_286, %parallel_loop3A_287], %parallel_loop3A_285 {strides = array<i32>} : memref<32x256xf32, #tpu.memory_space<vmem>>, vector<16xf32>,
        %parallel_loop3A_289 = arith.constant 2 : i32
        %parallel_loop3A_290 = vector.broadcast %parallel_loop3A_289 : i32 to vector<16xi32>
        %parallel_loop3A_291 = arith.muli %parallel_loop3A_290, %iota3A : vector<16xi32>
        %parallel_loop3A_292 = arith.constant 416 : i32
        %parallel_loop3A_293 = vector.broadcast %parallel_loop3A_292 : i32 to vector<16xi32>
        %parallel_loop3A_294 = arith.addi %parallel_loop3A_293, %parallel_loop3A_291 : vector<16xi32>
        %parallel_loop3A_295 = tpu.vector_load_idx %arg4[%parallel_loop3A_158, %parallel_loop3A_294] : memref<32x512xf32, #tpu.memory_space<vmem>>[vector<16xi32>, vector<16xi32>], vector<16xf32>,
        %parallel_loop3A_296 = arith.index_cast %parallel_loop3A_157 : i32 to index
        %parallel_loop3A_297 = arith.constant 208 : index
        %parallel_loop3A_298 = tpu.vector_load %arg8[%parallel_loop3A_296, %parallel_loop3A_297] {strides = array<i32>} : memref<32x256xf32, #tpu.memory_space<vmem>>, vector<16xf32>,
        tpu.vector_store %arg8[%parallel_loop3A_296, %parallel_loop3A_297], %parallel_loop3A_295 {strides = array<i32>} : memref<32x256xf32, #tpu.memory_space<vmem>>, vector<16xf32>,
        %parallel_loop3A_299 = arith.constant 2 : i32
        %parallel_loop3A_300 = vector.broadcast %parallel_loop3A_299 : i32 to vector<16xi32>
        %parallel_loop3A_301 = arith.muli %parallel_loop3A_300, %iota3A : vector<16xi32>
        %parallel_loop3A_302 = arith.constant 448 : i32
        %parallel_loop3A_303 = vector.broadcast %parallel_loop3A_302 : i32 to vector<16xi32>
        %parallel_loop3A_304 = arith.addi %parallel_loop3A_303, %parallel_loop3A_301 : vector<16xi32>
        %parallel_loop3A_305 = tpu.vector_load_idx %arg4[%parallel_loop3A_158, %parallel_loop3A_304] : memref<32x512xf32, #tpu.memory_space<vmem>>[vector<16xi32>, vector<16xi32>], vector<16xf32>,
        %parallel_loop3A_306 = arith.index_cast %parallel_loop3A_157 : i32 to index
        %parallel_loop3A_307 = arith.constant 224 : index
        %parallel_loop3A_308 = tpu.vector_load %arg8[%parallel_loop3A_306, %parallel_loop3A_307] {strides = array<i32>} : memref<32x256xf32, #tpu.memory_space<vmem>>, vector<16xf32>,
        tpu.vector_store %arg8[%parallel_loop3A_306, %parallel_loop3A_307], %parallel_loop3A_305 {strides = array<i32>} : memref<32x256xf32, #tpu.memory_space<vmem>>, vector<16xf32>,
        %parallel_loop3A_309 = arith.constant 2 : i32
        %parallel_loop3A_310 = vector.broadcast %parallel_loop3A_309 : i32 to vector<16xi32>
        %parallel_loop3A_311 = arith.muli %parallel_loop3A_310, %iota3A : vector<16xi32>
        %parallel_loop3A_312 = arith.constant 480 : i32
        %parallel_loop3A_313 = vector.broadcast %parallel_loop3A_312 : i32 to vector<16xi32>
        %parallel_loop3A_314 = arith.addi %parallel_loop3A_313, %parallel_loop3A_311 : vector<16xi32>
        %parallel_loop3A_315 = tpu.vector_load_idx %arg4[%parallel_loop3A_158, %parallel_loop3A_314] : memref<32x512xf32, #tpu.memory_space<vmem>>[vector<16xi32>, vector<16xi32>], vector<16xf32>,
        %parallel_loop3A_316 = arith.index_cast %parallel_loop3A_157 : i32 to index
        %parallel_loop3A_317 = arith.constant 240 : index
        %parallel_loop3A_318 = tpu.vector_load %arg8[%parallel_loop3A_316, %parallel_loop3A_317] {strides = array<i32>} : memref<32x256xf32, #tpu.memory_space<vmem>>, vector<16xf32>,
        tpu.vector_store %arg8[%parallel_loop3A_316, %parallel_loop3A_317], %parallel_loop3A_315 {strides = array<i32>} : memref<32x256xf32, #tpu.memory_space<vmem>>, vector<16xf32>,
      } {sc.loop_unroll_factor = 1 : i64, sc.parallel_access}
      %dma_start3A_64 = arith.constant 0 : i32
      %dma_start3A_65 = tpu.memref_slice %arg3[%add3A_55, %dma_start3A_64] : memref<16384x256xf32, #tpu.memory_space<hbm>> -> memref<32x256xf32, #tpu.memory_space<hbm>>
      %dma_start3A_66 = arith.constant 0 : i32
      %dma_start3A_67 = tpu.memref_slice %arg3[%add3A_55, %dma_start3A_66] : memref<16384x256xf32, #tpu.memory_space<hbm>> -> memref<32x256xf32, #tpu.memory_space<hbm>>
      tpu.enqueue_dma source(%arg8 : memref<32x256xf32, #tpu.memory_space<vmem>>) target(%dma_start3A_67 : memref<32x256xf32, #tpu.memory_space<hbm>>) target_semaphore(%arg16 : memref<!tpu.dma_semaphore, #tpu.memory_space<semaphore_mem>>)
      %lt3A = arith.constant 3 : i32
      %lt3A_68 = arith.cmpi slt, %scan3A_47, %lt3A : i32
      %convert_element_type3A_69 = arith.extui %lt3A_68 : i1 to i32
      %cond3A_70 = arith.constant 0 : i32
      %cond3A_71 = arith.cmpi ne, %convert_element_type3A_69, %cond3A_70 : i32
      scf.if %cond3A_71 {
        %add3A_157 = arith.constant 128 : i32
        %add3A_158 = arith.addi %add3A_55, %add3A_157 : i32
        %dma_start3A_159 = arith.constant 0 : i32
        %dma_start3A_160 = tpu.memref_slice %arg2[%add3A_158, %dma_start3A_159] : memref<16384x512xf32, #tpu.memory_space<hbm>> -> memref<32x512xf32, #tpu.memory_space<hbm>>
        %dma_start3A_161 = arith.constant 0 : i32
        %dma_start3A_162 = tpu.memref_slice %arg2[%add3A_158, %dma_start3A_161] : memref<16384x512xf32, #tpu.memory_space<hbm>> -> memref<32x512xf32, #tpu.memory_space<hbm>>
        tpu.enqueue_dma source(%dma_start3A_162 : memref<32x512xf32, #tpu.memory_space<hbm>>) target(%arg4 : memref<32x512xf32, #tpu.memory_space<vmem>>) target_semaphore(%arg12 : memref<!tpu.dma_semaphore, #tpu.memory_space<semaphore_mem>>)
      } else {
      }
      %mul3A_72 = arith.constant 4 : i32
      %mul3A_73 = arith.muli %mul3A_72, %scan3A_47 : i32
      %add3A_74 = arith.constant 1 : i32
      %add3A_75 = arith.addi %mul3A_73, %add3A_74 : i32
      %mul3A_76 = arith.constant 32 : i32
      %mul3A_77 = arith.muli %add3A_75, %mul3A_76 : i32
      %add3A_78 = arith.addi %mul3A_2, %mul3A_77 : i32
      %dma_wait3A_79 = arith.constant 0 : i32
      %dma_wait3A_80 = tpu.memref_slice %arg2[%add3A_78, %dma_wait3A_79] : memref<16384x512xf32, #tpu.memory_space<hbm>> -> memref<32x512xf32, #tpu.memory_space<hbm>>
      %dma_wait3A_81 = arith.constant 0 : i32
      %dma_wait3A_82 = tpu.memref_slice %arg2[%add3A_78, %dma_wait3A_81] : memref<16384x512xf32, #tpu.memory_space<hbm>> -> memref<32x512xf32, #tpu.memory_space<hbm>>
      tpu.wait_dma2 semaphore(%arg13 : memref<!tpu.dma_semaphore, #tpu.memory_space<semaphore_mem>>) src(%dma_wait3A_82 : memref<32x512xf32, #tpu.memory_space<hbm>>) dst(%arg5 : memref<32x512xf32, #tpu.memory_space<vmem>>)
      %gt3A_83 = arith.constant 0 : i32
      %gt3A_84 = arith.cmpi sgt, %scan3A_47, %gt3A_83 : i32
      %convert_element_type3A_85 = arith.extui %gt3A_84 : i1 to i32
      %cond3A_86 = arith.constant 0 : i32
      %cond3A_87 = arith.cmpi ne, %convert_element_type3A_85, %cond3A_86 : i32
      scf.if %cond3A_87 {
        %dma_wait3A_157 = arith.constant 0 : i32
        %dma_wait3A_158 = tpu.memref_slice %arg3[%add3A_78, %dma_wait3A_157] : memref<16384x256xf32, #tpu.memory_space<hbm>> -> memref<32x256xf32, #tpu.memory_space<hbm>>
        %dma_wait3A_159 = arith.constant 0 : i32
        %dma_wait3A_160 = tpu.memref_slice %arg3[%add3A_78, %dma_wait3A_159] : memref<16384x256xf32, #tpu.memory_space<hbm>> -> memref<32x256xf32, #tpu.memory_space<hbm>>
        tpu.wait_dma2 semaphore(%arg17 : memref<!tpu.dma_semaphore, #tpu.memory_space<semaphore_mem>>) src(%arg9 : memref<32x256xf32, #tpu.memory_space<vmem>>) dst(%dma_wait3A_160 : memref<32x256xf32, #tpu.memory_space<hbm>>)
      } else {
      }
      %parallel_loop3A_88 = arith.constant 0 : i32
      %parallel_loop3A_89 = arith.constant 32 : i32
      %parallel_loop3A_90 = arith.constant 1 : i32
      scf.for %parallel_loop3A_157 = %parallel_loop3A_88 to %parallel_loop3A_89 step %parallel_loop3A_90  : i32 {
        %parallel_loop3A_158 = vector.broadcast %parallel_loop3A_157 : i32 to vector<16xi32>
        %parallel_loop3A_159 = arith.constant 2 : i32
        %parallel_loop3A_160 = vector.broadcast %parallel_loop3A_159 : i32 to vector<16xi32>
        %parallel_loop3A_161 = arith.muli %parallel_loop3A_160, %iota3A : vector<16xi32>
        %parallel_loop3A_162 = arith.constant 0 : i32
        %parallel_loop3A_163 = vector.broadcast %parallel_loop3A_162 : i32 to vector<16xi32>
        %parallel_loop3A_164 = arith.addi %parallel_loop3A_163, %parallel_loop3A_161 : vector<16xi32>
        %parallel_loop3A_165 = tpu.vector_load_idx %arg5[%parallel_loop3A_158, %parallel_loop3A_164] : memref<32x512xf32, #tpu.memory_space<vmem>>[vector<16xi32>, vector<16xi32>], vector<16xf32>,
        %parallel_loop3A_166 = arith.index_cast %parallel_loop3A_157 : i32 to index
        %parallel_loop3A_167 = arith.constant 0 : index
        %parallel_loop3A_168 = tpu.vector_load %arg9[%parallel_loop3A_166, %parallel_loop3A_167] {strides = array<i32>} : memref<32x256xf32, #tpu.memory_space<vmem>>, vector<16xf32>,
        tpu.vector_store %arg9[%parallel_loop3A_166, %parallel_loop3A_167], %parallel_loop3A_165 {strides = array<i32>} : memref<32x256xf32, #tpu.memory_space<vmem>>, vector<16xf32>,
        %parallel_loop3A_169 = arith.constant 2 : i32
        %parallel_loop3A_170 = vector.broadcast %parallel_loop3A_169 : i32 to vector<16xi32>
        %parallel_loop3A_171 = arith.muli %parallel_loop3A_170, %iota3A : vector<16xi32>
        %parallel_loop3A_172 = arith.constant 32 : i32
        %parallel_loop3A_173 = vector.broadcast %parallel_loop3A_172 : i32 to vector<16xi32>
        %parallel_loop3A_174 = arith.addi %parallel_loop3A_173, %parallel_loop3A_171 : vector<16xi32>
        %parallel_loop3A_175 = tpu.vector_load_idx %arg5[%parallel_loop3A_158, %parallel_loop3A_174] : memref<32x512xf32, #tpu.memory_space<vmem>>[vector<16xi32>, vector<16xi32>], vector<16xf32>,
        %parallel_loop3A_176 = arith.index_cast %parallel_loop3A_157 : i32 to index
        %parallel_loop3A_177 = arith.constant 16 : index
        %parallel_loop3A_178 = tpu.vector_load %arg9[%parallel_loop3A_176, %parallel_loop3A_177] {strides = array<i32>} : memref<32x256xf32, #tpu.memory_space<vmem>>, vector<16xf32>,
        tpu.vector_store %arg9[%parallel_loop3A_176, %parallel_loop3A_177], %parallel_loop3A_175 {strides = array<i32>} : memref<32x256xf32, #tpu.memory_space<vmem>>, vector<16xf32>,
        %parallel_loop3A_179 = arith.constant 2 : i32
        %parallel_loop3A_180 = vector.broadcast %parallel_loop3A_179 : i32 to vector<16xi32>
        %parallel_loop3A_181 = arith.muli %parallel_loop3A_180, %iota3A : vector<16xi32>
        %parallel_loop3A_182 = arith.constant 64 : i32
        %parallel_loop3A_183 = vector.broadcast %parallel_loop3A_182 : i32 to vector<16xi32>
        %parallel_loop3A_184 = arith.addi %parallel_loop3A_183, %parallel_loop3A_181 : vector<16xi32>
        %parallel_loop3A_185 = tpu.vector_load_idx %arg5[%parallel_loop3A_158, %parallel_loop3A_184] : memref<32x512xf32, #tpu.memory_space<vmem>>[vector<16xi32>, vector<16xi32>], vector<16xf32>,
        %parallel_loop3A_186 = arith.index_cast %parallel_loop3A_157 : i32 to index
        %parallel_loop3A_187 = arith.constant 32 : index
        %parallel_loop3A_188 = tpu.vector_load %arg9[%parallel_loop3A_186, %parallel_loop3A_187] {strides = array<i32>} : memref<32x256xf32, #tpu.memory_space<vmem>>, vector<16xf32>,
        tpu.vector_store %arg9[%parallel_loop3A_186, %parallel_loop3A_187], %parallel_loop3A_185 {strides = array<i32>} : memref<32x256xf32, #tpu.memory_space<vmem>>, vector<16xf32>,
        %parallel_loop3A_189 = arith.constant 2 : i32
        %parallel_loop3A_190 = vector.broadcast %parallel_loop3A_189 : i32 to vector<16xi32>
        %parallel_loop3A_191 = arith.muli %parallel_loop3A_190, %iota3A : vector<16xi32>
        %parallel_loop3A_192 = arith.constant 96 : i32
        %parallel_loop3A_193 = vector.broadcast %parallel_loop3A_192 : i32 to vector<16xi32>
        %parallel_loop3A_194 = arith.addi %parallel_loop3A_193, %parallel_loop3A_191 : vector<16xi32>
        %parallel_loop3A_195 = tpu.vector_load_idx %arg5[%parallel_loop3A_158, %parallel_loop3A_194] : memref<32x512xf32, #tpu.memory_space<vmem>>[vector<16xi32>, vector<16xi32>], vector<16xf32>,
        %parallel_loop3A_196 = arith.index_cast %parallel_loop3A_157 : i32 to index
        %parallel_loop3A_197 = arith.constant 48 : index
        %parallel_loop3A_198 = tpu.vector_load %arg9[%parallel_loop3A_196, %parallel_loop3A_197] {strides = array<i32>} : memref<32x256xf32, #tpu.memory_space<vmem>>, vector<16xf32>,
        tpu.vector_store %arg9[%parallel_loop3A_196, %parallel_loop3A_197], %parallel_loop3A_195 {strides = array<i32>} : memref<32x256xf32, #tpu.memory_space<vmem>>, vector<16xf32>,
        %parallel_loop3A_199 = arith.constant 2 : i32
        %parallel_loop3A_200 = vector.broadcast %parallel_loop3A_199 : i32 to vector<16xi32>
        %parallel_loop3A_201 = arith.muli %parallel_loop3A_200, %iota3A : vector<16xi32>
        %parallel_loop3A_202 = arith.constant 128 : i32
        %parallel_loop3A_203 = vector.broadcast %parallel_loop3A_202 : i32 to vector<16xi32>
        %parallel_loop3A_204 = arith.addi %parallel_loop3A_203, %parallel_loop3A_201 : vector<16xi32>
        %parallel_loop3A_205 = tpu.vector_load_idx %arg5[%parallel_loop3A_158, %parallel_loop3A_204] : memref<32x512xf32, #tpu.memory_space<vmem>>[vector<16xi32>, vector<16xi32>], vector<16xf32>,
        %parallel_loop3A_206 = arith.index_cast %parallel_loop3A_157 : i32 to index
        %parallel_loop3A_207 = arith.constant 64 : index
        %parallel_loop3A_208 = tpu.vector_load %arg9[%parallel_loop3A_206, %parallel_loop3A_207] {strides = array<i32>} : memref<32x256xf32, #tpu.memory_space<vmem>>, vector<16xf32>,
        tpu.vector_store %arg9[%parallel_loop3A_206, %parallel_loop3A_207], %parallel_loop3A_205 {strides = array<i32>} : memref<32x256xf32, #tpu.memory_space<vmem>>, vector<16xf32>,
        %parallel_loop3A_209 = arith.constant 2 : i32
        %parallel_loop3A_210 = vector.broadcast %parallel_loop3A_209 : i32 to vector<16xi32>
        %parallel_loop3A_211 = arith.muli %parallel_loop3A_210, %iota3A : vector<16xi32>
        %parallel_loop3A_212 = arith.constant 160 : i32
        %parallel_loop3A_213 = vector.broadcast %parallel_loop3A_212 : i32 to vector<16xi32>
        %parallel_loop3A_214 = arith.addi %parallel_loop3A_213, %parallel_loop3A_211 : vector<16xi32>
        %parallel_loop3A_215 = tpu.vector_load_idx %arg5[%parallel_loop3A_158, %parallel_loop3A_214] : memref<32x512xf32, #tpu.memory_space<vmem>>[vector<16xi32>, vector<16xi32>], vector<16xf32>,
        %parallel_loop3A_216 = arith.index_cast %parallel_loop3A_157 : i32 to index
        %parallel_loop3A_217 = arith.constant 80 : index
        %parallel_loop3A_218 = tpu.vector_load %arg9[%parallel_loop3A_216, %parallel_loop3A_217] {strides = array<i32>} : memref<32x256xf32, #tpu.memory_space<vmem>>, vector<16xf32>,
        tpu.vector_store %arg9[%parallel_loop3A_216, %parallel_loop3A_217], %parallel_loop3A_215 {strides = array<i32>} : memref<32x256xf32, #tpu.memory_space<vmem>>, vector<16xf32>,
        %parallel_loop3A_219 = arith.constant 2 : i32
        %parallel_loop3A_220 = vector.broadcast %parallel_loop3A_219 : i32 to vector<16xi32>
        %parallel_loop3A_221 = arith.muli %parallel_loop3A_220, %iota3A : vector<16xi32>
        %parallel_loop3A_222 = arith.constant 192 : i32
        %parallel_loop3A_223 = vector.broadcast %parallel_loop3A_222 : i32 to vector<16xi32>
        %parallel_loop3A_224 = arith.addi %parallel_loop3A_223, %parallel_loop3A_221 : vector<16xi32>
        %parallel_loop3A_225 = tpu.vector_load_idx %arg5[%parallel_loop3A_158, %parallel_loop3A_224] : memref<32x512xf32, #tpu.memory_space<vmem>>[vector<16xi32>, vector<16xi32>], vector<16xf32>,
        %parallel_loop3A_226 = arith.index_cast %parallel_loop3A_157 : i32 to index
        %parallel_loop3A_227 = arith.constant 96 : index
        %parallel_loop3A_228 = tpu.vector_load %arg9[%parallel_loop3A_226, %parallel_loop3A_227] {strides = array<i32>} : memref<32x256xf32, #tpu.memory_space<vmem>>, vector<16xf32>,
        tpu.vector_store %arg9[%parallel_loop3A_226, %parallel_loop3A_227], %parallel_loop3A_225 {strides = array<i32>} : memref<32x256xf32, #tpu.memory_space<vmem>>, vector<16xf32>,
        %parallel_loop3A_229 = arith.constant 2 : i32
        %parallel_loop3A_230 = vector.broadcast %parallel_loop3A_229 : i32 to vector<16xi32>
        %parallel_loop3A_231 = arith.muli %parallel_loop3A_230, %iota3A : vector<16xi32>
        %parallel_loop3A_232 = arith.constant 224 : i32
        %parallel_loop3A_233 = vector.broadcast %parallel_loop3A_232 : i32 to vector<16xi32>
        %parallel_loop3A_234 = arith.addi %parallel_loop3A_233, %parallel_loop3A_231 : vector<16xi32>
        %parallel_loop3A_235 = tpu.vector_load_idx %arg5[%parallel_loop3A_158, %parallel_loop3A_234] : memref<32x512xf32, #tpu.memory_space<vmem>>[vector<16xi32>, vector<16xi32>], vector<16xf32>,
        %parallel_loop3A_236 = arith.index_cast %parallel_loop3A_157 : i32 to index
        %parallel_loop3A_237 = arith.constant 112 : index
        %parallel_loop3A_238 = tpu.vector_load %arg9[%parallel_loop3A_236, %parallel_loop3A_237] {strides = array<i32>} : memref<32x256xf32, #tpu.memory_space<vmem>>, vector<16xf32>,
        tpu.vector_store %arg9[%parallel_loop3A_236, %parallel_loop3A_237], %parallel_loop3A_235 {strides = array<i32>} : memref<32x256xf32, #tpu.memory_space<vmem>>, vector<16xf32>,
        %parallel_loop3A_239 = arith.constant 2 : i32
        %parallel_loop3A_240 = vector.broadcast %parallel_loop3A_239 : i32 to vector<16xi32>
        %parallel_loop3A_241 = arith.muli %parallel_loop3A_240, %iota3A : vector<16xi32>
        %parallel_loop3A_242 = arith.constant 256 : i32
        %parallel_loop3A_243 = vector.broadcast %parallel_loop3A_242 : i32 to vector<16xi32>
        %parallel_loop3A_244 = arith.addi %parallel_loop3A_243, %parallel_loop3A_241 : vector<16xi32>
        %parallel_loop3A_245 = tpu.vector_load_idx %arg5[%parallel_loop3A_158, %parallel_loop3A_244] : memref<32x512xf32, #tpu.memory_space<vmem>>[vector<16xi32>, vector<16xi32>], vector<16xf32>,
        %parallel_loop3A_246 = arith.index_cast %parallel_loop3A_157 : i32 to index
        %parallel_loop3A_247 = arith.constant 128 : index
        %parallel_loop3A_248 = tpu.vector_load %arg9[%parallel_loop3A_246, %parallel_loop3A_247] {strides = array<i32>} : memref<32x256xf32, #tpu.memory_space<vmem>>, vector<16xf32>,
        tpu.vector_store %arg9[%parallel_loop3A_246, %parallel_loop3A_247], %parallel_loop3A_245 {strides = array<i32>} : memref<32x256xf32, #tpu.memory_space<vmem>>, vector<16xf32>,
        %parallel_loop3A_249 = arith.constant 2 : i32
        %parallel_loop3A_250 = vector.broadcast %parallel_loop3A_249 : i32 to vector<16xi32>
        %parallel_loop3A_251 = arith.muli %parallel_loop3A_250, %iota3A : vector<16xi32>
        %parallel_loop3A_252 = arith.constant 288 : i32
        %parallel_loop3A_253 = vector.broadcast %parallel_loop3A_252 : i32 to vector<16xi32>
        %parallel_loop3A_254 = arith.addi %parallel_loop3A_253, %parallel_loop3A_251 : vector<16xi32>
        %parallel_loop3A_255 = tpu.vector_load_idx %arg5[%parallel_loop3A_158, %parallel_loop3A_254] : memref<32x512xf32, #tpu.memory_space<vmem>>[vector<16xi32>, vector<16xi32>], vector<16xf32>,
        %parallel_loop3A_256 = arith.index_cast %parallel_loop3A_157 : i32 to index
        %parallel_loop3A_257 = arith.constant 144 : index
        %parallel_loop3A_258 = tpu.vector_load %arg9[%parallel_loop3A_256, %parallel_loop3A_257] {strides = array<i32>} : memref<32x256xf32, #tpu.memory_space<vmem>>, vector<16xf32>,
        tpu.vector_store %arg9[%parallel_loop3A_256, %parallel_loop3A_257], %parallel_loop3A_255 {strides = array<i32>} : memref<32x256xf32, #tpu.memory_space<vmem>>, vector<16xf32>,
        %parallel_loop3A_259 = arith.constant 2 : i32
        %parallel_loop3A_260 = vector.broadcast %parallel_loop3A_259 : i32 to vector<16xi32>
        %parallel_loop3A_261 = arith.muli %parallel_loop3A_260, %iota3A : vector<16xi32>
        %parallel_loop3A_262 = arith.constant 320 : i32
        %parallel_loop3A_263 = vector.broadcast %parallel_loop3A_262 : i32 to vector<16xi32>
        %parallel_loop3A_264 = arith.addi %parallel_loop3A_263, %parallel_loop3A_261 : vector<16xi32>
        %parallel_loop3A_265 = tpu.vector_load_idx %arg5[%parallel_loop3A_158, %parallel_loop3A_264] : memref<32x512xf32, #tpu.memory_space<vmem>>[vector<16xi32>, vector<16xi32>], vector<16xf32>,
        %parallel_loop3A_266 = arith.index_cast %parallel_loop3A_157 : i32 to index
        %parallel_loop3A_267 = arith.constant 160 : index
        %parallel_loop3A_268 = tpu.vector_load %arg9[%parallel_loop3A_266, %parallel_loop3A_267] {strides = array<i32>} : memref<32x256xf32, #tpu.memory_space<vmem>>, vector<16xf32>,
        tpu.vector_store %arg9[%parallel_loop3A_266, %parallel_loop3A_267], %parallel_loop3A_265 {strides = array<i32>} : memref<32x256xf32, #tpu.memory_space<vmem>>, vector<16xf32>,
        %parallel_loop3A_269 = arith.constant 2 : i32
        %parallel_loop3A_270 = vector.broadcast %parallel_loop3A_269 : i32 to vector<16xi32>
        %parallel_loop3A_271 = arith.muli %parallel_loop3A_270, %iota3A : vector<16xi32>
        %parallel_loop3A_272 = arith.constant 352 : i32
        %parallel_loop3A_273 = vector.broadcast %parallel_loop3A_272 : i32 to vector<16xi32>
        %parallel_loop3A_274 = arith.addi %parallel_loop3A_273, %parallel_loop3A_271 : vector<16xi32>
        %parallel_loop3A_275 = tpu.vector_load_idx %arg5[%parallel_loop3A_158, %parallel_loop3A_274] : memref<32x512xf32, #tpu.memory_space<vmem>>[vector<16xi32>, vector<16xi32>], vector<16xf32>,
        %parallel_loop3A_276 = arith.index_cast %parallel_loop3A_157 : i32 to index
        %parallel_loop3A_277 = arith.constant 176 : index
        %parallel_loop3A_278 = tpu.vector_load %arg9[%parallel_loop3A_276, %parallel_loop3A_277] {strides = array<i32>} : memref<32x256xf32, #tpu.memory_space<vmem>>, vector<16xf32>,
        tpu.vector_store %arg9[%parallel_loop3A_276, %parallel_loop3A_277], %parallel_loop3A_275 {strides = array<i32>} : memref<32x256xf32, #tpu.memory_space<vmem>>, vector<16xf32>,
        %parallel_loop3A_279 = arith.constant 2 : i32
        %parallel_loop3A_280 = vector.broadcast %parallel_loop3A_279 : i32 to vector<16xi32>
        %parallel_loop3A_281 = arith.muli %parallel_loop3A_280, %iota3A : vector<16xi32>
        %parallel_loop3A_282 = arith.constant 384 : i32
        %parallel_loop3A_283 = vector.broadcast %parallel_loop3A_282 : i32 to vector<16xi32>
        %parallel_loop3A_284 = arith.addi %parallel_loop3A_283, %parallel_loop3A_281 : vector<16xi32>
        %parallel_loop3A_285 = tpu.vector_load_idx %arg5[%parallel_loop3A_158, %parallel_loop3A_284] : memref<32x512xf32, #tpu.memory_space<vmem>>[vector<16xi32>, vector<16xi32>], vector<16xf32>,
        %parallel_loop3A_286 = arith.index_cast %parallel_loop3A_157 : i32 to index
        %parallel_loop3A_287 = arith.constant 192 : index
        %parallel_loop3A_288 = tpu.vector_load %arg9[%parallel_loop3A_286, %parallel_loop3A_287] {strides = array<i32>} : memref<32x256xf32, #tpu.memory_space<vmem>>, vector<16xf32>,
        tpu.vector_store %arg9[%parallel_loop3A_286, %parallel_loop3A_287], %parallel_loop3A_285 {strides = array<i32>} : memref<32x256xf32, #tpu.memory_space<vmem>>, vector<16xf32>,
        %parallel_loop3A_289 = arith.constant 2 : i32
        %parallel_loop3A_290 = vector.broadcast %parallel_loop3A_289 : i32 to vector<16xi32>
        %parallel_loop3A_291 = arith.muli %parallel_loop3A_290, %iota3A : vector<16xi32>
        %parallel_loop3A_292 = arith.constant 416 : i32
        %parallel_loop3A_293 = vector.broadcast %parallel_loop3A_292 : i32 to vector<16xi32>
        %parallel_loop3A_294 = arith.addi %parallel_loop3A_293, %parallel_loop3A_291 : vector<16xi32>
        %parallel_loop3A_295 = tpu.vector_load_idx %arg5[%parallel_loop3A_158, %parallel_loop3A_294] : memref<32x512xf32, #tpu.memory_space<vmem>>[vector<16xi32>, vector<16xi32>], vector<16xf32>,
        %parallel_loop3A_296 = arith.index_cast %parallel_loop3A_157 : i32 to index
        %parallel_loop3A_297 = arith.constant 208 : index
        %parallel_loop3A_298 = tpu.vector_load %arg9[%parallel_loop3A_296, %parallel_loop3A_297] {strides = array<i32>} : memref<32x256xf32, #tpu.memory_space<vmem>>, vector<16xf32>,
        tpu.vector_store %arg9[%parallel_loop3A_296, %parallel_loop3A_297], %parallel_loop3A_295 {strides = array<i32>} : memref<32x256xf32, #tpu.memory_space<vmem>>, vector<16xf32>,
        %parallel_loop3A_299 = arith.constant 2 : i32
        %parallel_loop3A_300 = vector.broadcast %parallel_loop3A_299 : i32 to vector<16xi32>
        %parallel_loop3A_301 = arith.muli %parallel_loop3A_300, %iota3A : vector<16xi32>
        %parallel_loop3A_302 = arith.constant 448 : i32
        %parallel_loop3A_303 = vector.broadcast %parallel_loop3A_302 : i32 to vector<16xi32>
        %parallel_loop3A_304 = arith.addi %parallel_loop3A_303, %parallel_loop3A_301 : vector<16xi32>
        %parallel_loop3A_305 = tpu.vector_load_idx %arg5[%parallel_loop3A_158, %parallel_loop3A_304] : memref<32x512xf32, #tpu.memory_space<vmem>>[vector<16xi32>, vector<16xi32>], vector<16xf32>,
        %parallel_loop3A_306 = arith.index_cast %parallel_loop3A_157 : i32 to index
        %parallel_loop3A_307 = arith.constant 224 : index
        %parallel_loop3A_308 = tpu.vector_load %arg9[%parallel_loop3A_306, %parallel_loop3A_307] {strides = array<i32>} : memref<32x256xf32, #tpu.memory_space<vmem>>, vector<16xf32>,
        tpu.vector_store %arg9[%parallel_loop3A_306, %parallel_loop3A_307], %parallel_loop3A_305 {strides = array<i32>} : memref<32x256xf32, #tpu.memory_space<vmem>>, vector<16xf32>,
        %parallel_loop3A_309 = arith.constant 2 : i32
        %parallel_loop3A_310 = vector.broadcast %parallel_loop3A_309 : i32 to vector<16xi32>
        %parallel_loop3A_311 = arith.muli %parallel_loop3A_310, %iota3A : vector<16xi32>
        %parallel_loop3A_312 = arith.constant 480 : i32
        %parallel_loop3A_313 = vector.broadcast %parallel_loop3A_312 : i32 to vector<16xi32>
        %parallel_loop3A_314 = arith.addi %parallel_loop3A_313, %parallel_loop3A_311 : vector<16xi32>
        %parallel_loop3A_315 = tpu.vector_load_idx %arg5[%parallel_loop3A_158, %parallel_loop3A_314] : memref<32x512xf32, #tpu.memory_space<vmem>>[vector<16xi32>, vector<16xi32>], vector<16xf32>,
        %parallel_loop3A_316 = arith.index_cast %parallel_loop3A_157 : i32 to index
        %parallel_loop3A_317 = arith.constant 240 : index
        %parallel_loop3A_318 = tpu.vector_load %arg9[%parallel_loop3A_316, %parallel_loop3A_317] {strides = array<i32>} : memref<32x256xf32, #tpu.memory_space<vmem>>, vector<16xf32>,
        tpu.vector_store %arg9[%parallel_loop3A_316, %parallel_loop3A_317], %parallel_loop3A_315 {strides = array<i32>} : memref<32x256xf32, #tpu.memory_space<vmem>>, vector<16xf32>,
      } {sc.loop_unroll_factor = 1 : i64, sc.parallel_access}
      %dma_start3A_91 = arith.constant 0 : i32
      %dma_start3A_92 = tpu.memref_slice %arg3[%add3A_78, %dma_start3A_91] : memref<16384x256xf32, #tpu.memory_space<hbm>> -> memref<32x256xf32, #tpu.memory_space<hbm>>
      %dma_start3A_93 = arith.constant 0 : i32
      %dma_start3A_94 = tpu.memref_slice %arg3[%add3A_78, %dma_start3A_93] : memref<16384x256xf32, #tpu.memory_space<hbm>> -> memref<32x256xf32, #tpu.memory_space<hbm>>
      tpu.enqueue_dma source(%arg9 : memref<32x256xf32, #tpu.memory_space<vmem>>) target(%dma_start3A_94 : memref<32x256xf32, #tpu.memory_space<hbm>>) target_semaphore(%arg17 : memref<!tpu.dma_semaphore, #tpu.memory_space<semaphore_mem>>)
      %lt3A_95 = arith.constant 3 : i32
      %lt3A_96 = arith.cmpi slt, %scan3A_47, %lt3A_95 : i32
      %convert_element_type3A_97 = arith.extui %lt3A_96 : i1 to i32
      %cond3A_98 = arith.constant 0 : i32
      %cond3A_99 = arith.cmpi ne, %convert_element_type3A_97, %cond3A_98 : i32
      scf.if %cond3A_99 {
        %add3A_157 = arith.constant 128 : i32
        %add3A_158 = arith.addi %add3A_78, %add3A_157 : i32
        %dma_start3A_159 = arith.constant 0 : i32
        %dma_start3A_160 = tpu.memref_slice %arg2[%add3A_158, %dma_start3A_159] : memref<16384x512xf32, #tpu.memory_space<hbm>> -> memref<32x512xf32, #tpu.memory_space<hbm>>
        %dma_start3A_161 = arith.constant 0 : i32
        %dma_start3A_162 = tpu.memref_slice %arg2[%add3A_158, %dma_start3A_161] : memref<16384x512xf32, #tpu.memory_space<hbm>> -> memref<32x512xf32, #tpu.memory_space<hbm>>
        tpu.enqueue_dma source(%dma_start3A_162 : memref<32x512xf32, #tpu.memory_space<hbm>>) target(%arg5 : memref<32x512xf32, #tpu.memory_space<vmem>>) target_semaphore(%arg13 : memref<!tpu.dma_semaphore, #tpu.memory_space<semaphore_mem>>)
      } else {
      }
      %mul3A_100 = arith.constant 4 : i32
      %mul3A_101 = arith.muli %mul3A_100, %scan3A_47 : i32
      %add3A_102 = arith.constant 2 : i32
      %add3A_103 = arith.addi %mul3A_101, %add3A_102 : i32
      %mul3A_104 = arith.constant 32 : i32
      %mul3A_105 = arith.muli %add3A_103, %mul3A_104 : i32
      %add3A_106 = arith.addi %mul3A_2, %mul3A_105 : i32
      %dma_wait3A_107 = arith.constant 0 : i32
      %dma_wait3A_108 = tpu.memref_slice %arg2[%add3A_106, %dma_wait3A_107] : memref<16384x512xf32, #tpu.memory_space<hbm>> -> memref<32x512xf32, #tpu.memory_space<hbm>>
      %dma_wait3A_109 = arith.constant 0 : i32
      %dma_wait3A_110 = tpu.memref_slice %arg2[%add3A_106, %dma_wait3A_109] : memref<16384x512xf32, #tpu.memory_space<hbm>> -> memref<32x512xf32, #tpu.memory_space<hbm>>
      tpu.wait_dma2 semaphore(%arg14 : memref<!tpu.dma_semaphore, #tpu.memory_space<semaphore_mem>>) src(%dma_wait3A_110 : memref<32x512xf32, #tpu.memory_space<hbm>>) dst(%arg6 : memref<32x512xf32, #tpu.memory_space<vmem>>)
      %gt3A_111 = arith.constant 0 : i32
      %gt3A_112 = arith.cmpi sgt, %scan3A_47, %gt3A_111 : i32
      %convert_element_type3A_113 = arith.extui %gt3A_112 : i1 to i32
      %cond3A_114 = arith.constant 0 : i32
      %cond3A_115 = arith.cmpi ne, %convert_element_type3A_113, %cond3A_114 : i32
      scf.if %cond3A_115 {
        %dma_wait3A_157 = arith.constant 0 : i32
        %dma_wait3A_158 = tpu.memref_slice %arg3[%add3A_106, %dma_wait3A_157] : memref<16384x256xf32, #tpu.memory_space<hbm>> -> memref<32x256xf32, #tpu.memory_space<hbm>>
        %dma_wait3A_159 = arith.constant 0 : i32
        %dma_wait3A_160 = tpu.memref_slice %arg3[%add3A_106, %dma_wait3A_159] : memref<16384x256xf32, #tpu.memory_space<hbm>> -> memref<32x256xf32, #tpu.memory_space<hbm>>
        tpu.wait_dma2 semaphore(%arg18 : memref<!tpu.dma_semaphore, #tpu.memory_space<semaphore_mem>>) src(%arg10 : memref<32x256xf32, #tpu.memory_space<vmem>>) dst(%dma_wait3A_160 : memref<32x256xf32, #tpu.memory_space<hbm>>)
      } else {
      }
      %parallel_loop3A_116 = arith.constant 0 : i32
      %parallel_loop3A_117 = arith.constant 32 : i32
      %parallel_loop3A_118 = arith.constant 1 : i32
      scf.for %parallel_loop3A_157 = %parallel_loop3A_116 to %parallel_loop3A_117 step %parallel_loop3A_118  : i32 {
        %parallel_loop3A_158 = vector.broadcast %parallel_loop3A_157 : i32 to vector<16xi32>
        %parallel_loop3A_159 = arith.constant 2 : i32
        %parallel_loop3A_160 = vector.broadcast %parallel_loop3A_159 : i32 to vector<16xi32>
        %parallel_loop3A_161 = arith.muli %parallel_loop3A_160, %iota3A : vector<16xi32>
        %parallel_loop3A_162 = arith.constant 0 : i32
        %parallel_loop3A_163 = vector.broadcast %parallel_loop3A_162 : i32 to vector<16xi32>
        %parallel_loop3A_164 = arith.addi %parallel_loop3A_163, %parallel_loop3A_161 : vector<16xi32>
        %parallel_loop3A_165 = tpu.vector_load_idx %arg6[%parallel_loop3A_158, %parallel_loop3A_164] : memref<32x512xf32, #tpu.memory_space<vmem>>[vector<16xi32>, vector<16xi32>], vector<16xf32>,
        %parallel_loop3A_166 = arith.index_cast %parallel_loop3A_157 : i32 to index
        %parallel_loop3A_167 = arith.constant 0 : index
        %parallel_loop3A_168 = tpu.vector_load %arg10[%parallel_loop3A_166, %parallel_loop3A_167] {strides = array<i32>} : memref<32x256xf32, #tpu.memory_space<vmem>>, vector<16xf32>,
        tpu.vector_store %arg10[%parallel_loop3A_166, %parallel_loop3A_167], %parallel_loop3A_165 {strides = array<i32>} : memref<32x256xf32, #tpu.memory_space<vmem>>, vector<16xf32>,
        %parallel_loop3A_169 = arith.constant 2 : i32
        %parallel_loop3A_170 = vector.broadcast %parallel_loop3A_169 : i32 to vector<16xi32>
        %parallel_loop3A_171 = arith.muli %parallel_loop3A_170, %iota3A : vector<16xi32>
        %parallel_loop3A_172 = arith.constant 32 : i32
        %parallel_loop3A_173 = vector.broadcast %parallel_loop3A_172 : i32 to vector<16xi32>
        %parallel_loop3A_174 = arith.addi %parallel_loop3A_173, %parallel_loop3A_171 : vector<16xi32>
        %parallel_loop3A_175 = tpu.vector_load_idx %arg6[%parallel_loop3A_158, %parallel_loop3A_174] : memref<32x512xf32, #tpu.memory_space<vmem>>[vector<16xi32>, vector<16xi32>], vector<16xf32>,
        %parallel_loop3A_176 = arith.index_cast %parallel_loop3A_157 : i32 to index
        %parallel_loop3A_177 = arith.constant 16 : index
        %parallel_loop3A_178 = tpu.vector_load %arg10[%parallel_loop3A_176, %parallel_loop3A_177] {strides = array<i32>} : memref<32x256xf32, #tpu.memory_space<vmem>>, vector<16xf32>,
        tpu.vector_store %arg10[%parallel_loop3A_176, %parallel_loop3A_177], %parallel_loop3A_175 {strides = array<i32>} : memref<32x256xf32, #tpu.memory_space<vmem>>, vector<16xf32>,
        %parallel_loop3A_179 = arith.constant 2 : i32
        %parallel_loop3A_180 = vector.broadcast %parallel_loop3A_179 : i32 to vector<16xi32>
        %parallel_loop3A_181 = arith.muli %parallel_loop3A_180, %iota3A : vector<16xi32>
        %parallel_loop3A_182 = arith.constant 64 : i32
        %parallel_loop3A_183 = vector.broadcast %parallel_loop3A_182 : i32 to vector<16xi32>
        %parallel_loop3A_184 = arith.addi %parallel_loop3A_183, %parallel_loop3A_181 : vector<16xi32>
        %parallel_loop3A_185 = tpu.vector_load_idx %arg6[%parallel_loop3A_158, %parallel_loop3A_184] : memref<32x512xf32, #tpu.memory_space<vmem>>[vector<16xi32>, vector<16xi32>], vector<16xf32>,
        %parallel_loop3A_186 = arith.index_cast %parallel_loop3A_157 : i32 to index
        %parallel_loop3A_187 = arith.constant 32 : index
        %parallel_loop3A_188 = tpu.vector_load %arg10[%parallel_loop3A_186, %parallel_loop3A_187] {strides = array<i32>} : memref<32x256xf32, #tpu.memory_space<vmem>>, vector<16xf32>,
        tpu.vector_store %arg10[%parallel_loop3A_186, %parallel_loop3A_187], %parallel_loop3A_185 {strides = array<i32>} : memref<32x256xf32, #tpu.memory_space<vmem>>, vector<16xf32>,
        %parallel_loop3A_189 = arith.constant 2 : i32
        %parallel_loop3A_190 = vector.broadcast %parallel_loop3A_189 : i32 to vector<16xi32>
        %parallel_loop3A_191 = arith.muli %parallel_loop3A_190, %iota3A : vector<16xi32>
        %parallel_loop3A_192 = arith.constant 96 : i32
        %parallel_loop3A_193 = vector.broadcast %parallel_loop3A_192 : i32 to vector<16xi32>
        %parallel_loop3A_194 = arith.addi %parallel_loop3A_193, %parallel_loop3A_191 : vector<16xi32>
        %parallel_loop3A_195 = tpu.vector_load_idx %arg6[%parallel_loop3A_158, %parallel_loop3A_194] : memref<32x512xf32, #tpu.memory_space<vmem>>[vector<16xi32>, vector<16xi32>], vector<16xf32>,
        %parallel_loop3A_196 = arith.index_cast %parallel_loop3A_157 : i32 to index
        %parallel_loop3A_197 = arith.constant 48 : index
        %parallel_loop3A_198 = tpu.vector_load %arg10[%parallel_loop3A_196, %parallel_loop3A_197] {strides = array<i32>} : memref<32x256xf32, #tpu.memory_space<vmem>>, vector<16xf32>,
        tpu.vector_store %arg10[%parallel_loop3A_196, %parallel_loop3A_197], %parallel_loop3A_195 {strides = array<i32>} : memref<32x256xf32, #tpu.memory_space<vmem>>, vector<16xf32>,
        %parallel_loop3A_199 = arith.constant 2 : i32
        %parallel_loop3A_200 = vector.broadcast %parallel_loop3A_199 : i32 to vector<16xi32>
        %parallel_loop3A_201 = arith.muli %parallel_loop3A_200, %iota3A : vector<16xi32>
        %parallel_loop3A_202 = arith.constant 128 : i32
        %parallel_loop3A_203 = vector.broadcast %parallel_loop3A_202 : i32 to vector<16xi32>
        %parallel_loop3A_204 = arith.addi %parallel_loop3A_203, %parallel_loop3A_201 : vector<16xi32>
        %parallel_loop3A_205 = tpu.vector_load_idx %arg6[%parallel_loop3A_158, %parallel_loop3A_204] : memref<32x512xf32, #tpu.memory_space<vmem>>[vector<16xi32>, vector<16xi32>], vector<16xf32>,
        %parallel_loop3A_206 = arith.index_cast %parallel_loop3A_157 : i32 to index
        %parallel_loop3A_207 = arith.constant 64 : index
        %parallel_loop3A_208 = tpu.vector_load %arg10[%parallel_loop3A_206, %parallel_loop3A_207] {strides = array<i32>} : memref<32x256xf32, #tpu.memory_space<vmem>>, vector<16xf32>,
        tpu.vector_store %arg10[%parallel_loop3A_206, %parallel_loop3A_207], %parallel_loop3A_205 {strides = array<i32>} : memref<32x256xf32, #tpu.memory_space<vmem>>, vector<16xf32>,
        %parallel_loop3A_209 = arith.constant 2 : i32
        %parallel_loop3A_210 = vector.broadcast %parallel_loop3A_209 : i32 to vector<16xi32>
        %parallel_loop3A_211 = arith.muli %parallel_loop3A_210, %iota3A : vector<16xi32>
        %parallel_loop3A_212 = arith.constant 160 : i32
        %parallel_loop3A_213 = vector.broadcast %parallel_loop3A_212 : i32 to vector<16xi32>
        %parallel_loop3A_214 = arith.addi %parallel_loop3A_213, %parallel_loop3A_211 : vector<16xi32>
        %parallel_loop3A_215 = tpu.vector_load_idx %arg6[%parallel_loop3A_158, %parallel_loop3A_214] : memref<32x512xf32, #tpu.memory_space<vmem>>[vector<16xi32>, vector<16xi32>], vector<16xf32>,
        %parallel_loop3A_216 = arith.index_cast %parallel_loop3A_157 : i32 to index
        %parallel_loop3A_217 = arith.constant 80 : index
        %parallel_loop3A_218 = tpu.vector_load %arg10[%parallel_loop3A_216, %parallel_loop3A_217] {strides = array<i32>} : memref<32x256xf32, #tpu.memory_space<vmem>>, vector<16xf32>,
        tpu.vector_store %arg10[%parallel_loop3A_216, %parallel_loop3A_217], %parallel_loop3A_215 {strides = array<i32>} : memref<32x256xf32, #tpu.memory_space<vmem>>, vector<16xf32>,
        %parallel_loop3A_219 = arith.constant 2 : i32
        %parallel_loop3A_220 = vector.broadcast %parallel_loop3A_219 : i32 to vector<16xi32>
        %parallel_loop3A_221 = arith.muli %parallel_loop3A_220, %iota3A : vector<16xi32>
        %parallel_loop3A_222 = arith.constant 192 : i32
        %parallel_loop3A_223 = vector.broadcast %parallel_loop3A_222 : i32 to vector<16xi32>
        %parallel_loop3A_224 = arith.addi %parallel_loop3A_223, %parallel_loop3A_221 : vector<16xi32>
        %parallel_loop3A_225 = tpu.vector_load_idx %arg6[%parallel_loop3A_158, %parallel_loop3A_224] : memref<32x512xf32, #tpu.memory_space<vmem>>[vector<16xi32>, vector<16xi32>], vector<16xf32>,
        %parallel_loop3A_226 = arith.index_cast %parallel_loop3A_157 : i32 to index
        %parallel_loop3A_227 = arith.constant 96 : index
        %parallel_loop3A_228 = tpu.vector_load %arg10[%parallel_loop3A_226, %parallel_loop3A_227] {strides = array<i32>} : memref<32x256xf32, #tpu.memory_space<vmem>>, vector<16xf32>,
        tpu.vector_store %arg10[%parallel_loop3A_226, %parallel_loop3A_227], %parallel_loop3A_225 {strides = array<i32>} : memref<32x256xf32, #tpu.memory_space<vmem>>, vector<16xf32>,
        %parallel_loop3A_229 = arith.constant 2 : i32
        %parallel_loop3A_230 = vector.broadcast %parallel_loop3A_229 : i32 to vector<16xi32>
        %parallel_loop3A_231 = arith.muli %parallel_loop3A_230, %iota3A : vector<16xi32>
        %parallel_loop3A_232 = arith.constant 224 : i32
        %parallel_loop3A_233 = vector.broadcast %parallel_loop3A_232 : i32 to vector<16xi32>
        %parallel_loop3A_234 = arith.addi %parallel_loop3A_233, %parallel_loop3A_231 : vector<16xi32>
        %parallel_loop3A_235 = tpu.vector_load_idx %arg6[%parallel_loop3A_158, %parallel_loop3A_234] : memref<32x512xf32, #tpu.memory_space<vmem>>[vector<16xi32>, vector<16xi32>], vector<16xf32>,
        %parallel_loop3A_236 = arith.index_cast %parallel_loop3A_157 : i32 to index
        %parallel_loop3A_237 = arith.constant 112 : index
        %parallel_loop3A_238 = tpu.vector_load %arg10[%parallel_loop3A_236, %parallel_loop3A_237] {strides = array<i32>} : memref<32x256xf32, #tpu.memory_space<vmem>>, vector<16xf32>,
        tpu.vector_store %arg10[%parallel_loop3A_236, %parallel_loop3A_237], %parallel_loop3A_235 {strides = array<i32>} : memref<32x256xf32, #tpu.memory_space<vmem>>, vector<16xf32>,
        %parallel_loop3A_239 = arith.constant 2 : i32
        %parallel_loop3A_240 = vector.broadcast %parallel_loop3A_239 : i32 to vector<16xi32>
        %parallel_loop3A_241 = arith.muli %parallel_loop3A_240, %iota3A : vector<16xi32>
        %parallel_loop3A_242 = arith.constant 256 : i32
        %parallel_loop3A_243 = vector.broadcast %parallel_loop3A_242 : i32 to vector<16xi32>
        %parallel_loop3A_244 = arith.addi %parallel_loop3A_243, %parallel_loop3A_241 : vector<16xi32>
        %parallel_loop3A_245 = tpu.vector_load_idx %arg6[%parallel_loop3A_158, %parallel_loop3A_244] : memref<32x512xf32, #tpu.memory_space<vmem>>[vector<16xi32>, vector<16xi32>], vector<16xf32>,
        %parallel_loop3A_246 = arith.index_cast %parallel_loop3A_157 : i32 to index
        %parallel_loop3A_247 = arith.constant 128 : index
        %parallel_loop3A_248 = tpu.vector_load %arg10[%parallel_loop3A_246, %parallel_loop3A_247] {strides = array<i32>} : memref<32x256xf32, #tpu.memory_space<vmem>>, vector<16xf32>,
        tpu.vector_store %arg10[%parallel_loop3A_246, %parallel_loop3A_247], %parallel_loop3A_245 {strides = array<i32>} : memref<32x256xf32, #tpu.memory_space<vmem>>, vector<16xf32>,
        %parallel_loop3A_249 = arith.constant 2 : i32
        %parallel_loop3A_250 = vector.broadcast %parallel_loop3A_249 : i32 to vector<16xi32>
        %parallel_loop3A_251 = arith.muli %parallel_loop3A_250, %iota3A : vector<16xi32>
        %parallel_loop3A_252 = arith.constant 288 : i32
        %parallel_loop3A_253 = vector.broadcast %parallel_loop3A_252 : i32 to vector<16xi32>
        %parallel_loop3A_254 = arith.addi %parallel_loop3A_253, %parallel_loop3A_251 : vector<16xi32>
        %parallel_loop3A_255 = tpu.vector_load_idx %arg6[%parallel_loop3A_158, %parallel_loop3A_254] : memref<32x512xf32, #tpu.memory_space<vmem>>[vector<16xi32>, vector<16xi32>], vector<16xf32>,
        %parallel_loop3A_256 = arith.index_cast %parallel_loop3A_157 : i32 to index
        %parallel_loop3A_257 = arith.constant 144 : index
        %parallel_loop3A_258 = tpu.vector_load %arg10[%parallel_loop3A_256, %parallel_loop3A_257] {strides = array<i32>} : memref<32x256xf32, #tpu.memory_space<vmem>>, vector<16xf32>,
        tpu.vector_store %arg10[%parallel_loop3A_256, %parallel_loop3A_257], %parallel_loop3A_255 {strides = array<i32>} : memref<32x256xf32, #tpu.memory_space<vmem>>, vector<16xf32>,
        %parallel_loop3A_259 = arith.constant 2 : i32
        %parallel_loop3A_260 = vector.broadcast %parallel_loop3A_259 : i32 to vector<16xi32>
        %parallel_loop3A_261 = arith.muli %parallel_loop3A_260, %iota3A : vector<16xi32>
        %parallel_loop3A_262 = arith.constant 320 : i32
        %parallel_loop3A_263 = vector.broadcast %parallel_loop3A_262 : i32 to vector<16xi32>
        %parallel_loop3A_264 = arith.addi %parallel_loop3A_263, %parallel_loop3A_261 : vector<16xi32>
        %parallel_loop3A_265 = tpu.vector_load_idx %arg6[%parallel_loop3A_158, %parallel_loop3A_264] : memref<32x512xf32, #tpu.memory_space<vmem>>[vector<16xi32>, vector<16xi32>], vector<16xf32>,
        %parallel_loop3A_266 = arith.index_cast %parallel_loop3A_157 : i32 to index
        %parallel_loop3A_267 = arith.constant 160 : index
        %parallel_loop3A_268 = tpu.vector_load %arg10[%parallel_loop3A_266, %parallel_loop3A_267] {strides = array<i32>} : memref<32x256xf32, #tpu.memory_space<vmem>>, vector<16xf32>,
        tpu.vector_store %arg10[%parallel_loop3A_266, %parallel_loop3A_267], %parallel_loop3A_265 {strides = array<i32>} : memref<32x256xf32, #tpu.memory_space<vmem>>, vector<16xf32>,
        %parallel_loop3A_269 = arith.constant 2 : i32
        %parallel_loop3A_270 = vector.broadcast %parallel_loop3A_269 : i32 to vector<16xi32>
        %parallel_loop3A_271 = arith.muli %parallel_loop3A_270, %iota3A : vector<16xi32>
        %parallel_loop3A_272 = arith.constant 352 : i32
        %parallel_loop3A_273 = vector.broadcast %parallel_loop3A_272 : i32 to vector<16xi32>
        %parallel_loop3A_274 = arith.addi %parallel_loop3A_273, %parallel_loop3A_271 : vector<16xi32>
        %parallel_loop3A_275 = tpu.vector_load_idx %arg6[%parallel_loop3A_158, %parallel_loop3A_274] : memref<32x512xf32, #tpu.memory_space<vmem>>[vector<16xi32>, vector<16xi32>], vector<16xf32>,
        %parallel_loop3A_276 = arith.index_cast %parallel_loop3A_157 : i32 to index
        %parallel_loop3A_277 = arith.constant 176 : index
        %parallel_loop3A_278 = tpu.vector_load %arg10[%parallel_loop3A_276, %parallel_loop3A_277] {strides = array<i32>} : memref<32x256xf32, #tpu.memory_space<vmem>>, vector<16xf32>,
        tpu.vector_store %arg10[%parallel_loop3A_276, %parallel_loop3A_277], %parallel_loop3A_275 {strides = array<i32>} : memref<32x256xf32, #tpu.memory_space<vmem>>, vector<16xf32>,
        %parallel_loop3A_279 = arith.constant 2 : i32
        %parallel_loop3A_280 = vector.broadcast %parallel_loop3A_279 : i32 to vector<16xi32>
        %parallel_loop3A_281 = arith.muli %parallel_loop3A_280, %iota3A : vector<16xi32>
        %parallel_loop3A_282 = arith.constant 384 : i32
        %parallel_loop3A_283 = vector.broadcast %parallel_loop3A_282 : i32 to vector<16xi32>
        %parallel_loop3A_284 = arith.addi %parallel_loop3A_283, %parallel_loop3A_281 : vector<16xi32>
        %parallel_loop3A_285 = tpu.vector_load_idx %arg6[%parallel_loop3A_158, %parallel_loop3A_284] : memref<32x512xf32, #tpu.memory_space<vmem>>[vector<16xi32>, vector<16xi32>], vector<16xf32>,
        %parallel_loop3A_286 = arith.index_cast %parallel_loop3A_157 : i32 to index
        %parallel_loop3A_287 = arith.constant 192 : index
        %parallel_loop3A_288 = tpu.vector_load %arg10[%parallel_loop3A_286, %parallel_loop3A_287] {strides = array<i32>} : memref<32x256xf32, #tpu.memory_space<vmem>>, vector<16xf32>,
        tpu.vector_store %arg10[%parallel_loop3A_286, %parallel_loop3A_287], %parallel_loop3A_285 {strides = array<i32>} : memref<32x256xf32, #tpu.memory_space<vmem>>, vector<16xf32>,
        %parallel_loop3A_289 = arith.constant 2 : i32
        %parallel_loop3A_290 = vector.broadcast %parallel_loop3A_289 : i32 to vector<16xi32>
        %parallel_loop3A_291 = arith.muli %parallel_loop3A_290, %iota3A : vector<16xi32>
        %parallel_loop3A_292 = arith.constant 416 : i32
        %parallel_loop3A_293 = vector.broadcast %parallel_loop3A_292 : i32 to vector<16xi32>
        %parallel_loop3A_294 = arith.addi %parallel_loop3A_293, %parallel_loop3A_291 : vector<16xi32>
        %parallel_loop3A_295 = tpu.vector_load_idx %arg6[%parallel_loop3A_158, %parallel_loop3A_294] : memref<32x512xf32, #tpu.memory_space<vmem>>[vector<16xi32>, vector<16xi32>], vector<16xf32>,
        %parallel_loop3A_296 = arith.index_cast %parallel_loop3A_157 : i32 to index
        %parallel_loop3A_297 = arith.constant 208 : index
        %parallel_loop3A_298 = tpu.vector_load %arg10[%parallel_loop3A_296, %parallel_loop3A_297] {strides = array<i32>} : memref<32x256xf32, #tpu.memory_space<vmem>>, vector<16xf32>,
        tpu.vector_store %arg10[%parallel_loop3A_296, %parallel_loop3A_297], %parallel_loop3A_295 {strides = array<i32>} : memref<32x256xf32, #tpu.memory_space<vmem>>, vector<16xf32>,
        %parallel_loop3A_299 = arith.constant 2 : i32
        %parallel_loop3A_300 = vector.broadcast %parallel_loop3A_299 : i32 to vector<16xi32>
        %parallel_loop3A_301 = arith.muli %parallel_loop3A_300, %iota3A : vector<16xi32>
        %parallel_loop3A_302 = arith.constant 448 : i32
        %parallel_loop3A_303 = vector.broadcast %parallel_loop3A_302 : i32 to vector<16xi32>
        %parallel_loop3A_304 = arith.addi %parallel_loop3A_303, %parallel_loop3A_301 : vector<16xi32>
        %parallel_loop3A_305 = tpu.vector_load_idx %arg6[%parallel_loop3A_158, %parallel_loop3A_304] : memref<32x512xf32, #tpu.memory_space<vmem>>[vector<16xi32>, vector<16xi32>], vector<16xf32>,
        %parallel_loop3A_306 = arith.index_cast %parallel_loop3A_157 : i32 to index
        %parallel_loop3A_307 = arith.constant 224 : index
        %parallel_loop3A_308 = tpu.vector_load %arg10[%parallel_loop3A_306, %parallel_loop3A_307] {strides = array<i32>} : memref<32x256xf32, #tpu.memory_space<vmem>>, vector<16xf32>,
        tpu.vector_store %arg10[%parallel_loop3A_306, %parallel_loop3A_307], %parallel_loop3A_305 {strides = array<i32>} : memref<32x256xf32, #tpu.memory_space<vmem>>, vector<16xf32>,
        %parallel_loop3A_309 = arith.constant 2 : i32
        %parallel_loop3A_310 = vector.broadcast %parallel_loop3A_309 : i32 to vector<16xi32>
        %parallel_loop3A_311 = arith.muli %parallel_loop3A_310, %iota3A : vector<16xi32>
        %parallel_loop3A_312 = arith.constant 480 : i32
        %parallel_loop3A_313 = vector.broadcast %parallel_loop3A_312 : i32 to vector<16xi32>
        %parallel_loop3A_314 = arith.addi %parallel_loop3A_313, %parallel_loop3A_311 : vector<16xi32>
        %parallel_loop3A_315 = tpu.vector_load_idx %arg6[%parallel_loop3A_158, %parallel_loop3A_314] : memref<32x512xf32, #tpu.memory_space<vmem>>[vector<16xi32>, vector<16xi32>], vector<16xf32>,
        %parallel_loop3A_316 = arith.index_cast %parallel_loop3A_157 : i32 to index
        %parallel_loop3A_317 = arith.constant 240 : index
        %parallel_loop3A_318 = tpu.vector_load %arg10[%parallel_loop3A_316, %parallel_loop3A_317] {strides = array<i32>} : memref<32x256xf32, #tpu.memory_space<vmem>>, vector<16xf32>,
        tpu.vector_store %arg10[%parallel_loop3A_316, %parallel_loop3A_317], %parallel_loop3A_315 {strides = array<i32>} : memref<32x256xf32, #tpu.memory_space<vmem>>, vector<16xf32>,
      } {sc.loop_unroll_factor = 1 : i64, sc.parallel_access}
      %dma_start3A_119 = arith.constant 0 : i32
      %dma_start3A_120 = tpu.memref_slice %arg3[%add3A_106, %dma_start3A_119] : memref<16384x256xf32, #tpu.memory_space<hbm>> -> memref<32x256xf32, #tpu.memory_space<hbm>>
      %dma_start3A_121 = arith.constant 0 : i32
      %dma_start3A_122 = tpu.memref_slice %arg3[%add3A_106, %dma_start3A_121] : memref<16384x256xf32, #tpu.memory_space<hbm>> -> memref<32x256xf32, #tpu.memory_space<hbm>>
      tpu.enqueue_dma source(%arg10 : memref<32x256xf32, #tpu.memory_space<vmem>>) target(%dma_start3A_122 : memref<32x256xf32, #tpu.memory_space<hbm>>) target_semaphore(%arg18 : memref<!tpu.dma_semaphore, #tpu.memory_space<semaphore_mem>>)
      %lt3A_123 = arith.constant 3 : i32
      %lt3A_124 = arith.cmpi slt, %scan3A_47, %lt3A_123 : i32
      %convert_element_type3A_125 = arith.extui %lt3A_124 : i1 to i32
      %cond3A_126 = arith.constant 0 : i32
      %cond3A_127 = arith.cmpi ne, %convert_element_type3A_125, %cond3A_126 : i32
      scf.if %cond3A_127 {
        %add3A_157 = arith.constant 128 : i32
        %add3A_158 = arith.addi %add3A_106, %add3A_157 : i32
        %dma_start3A_159 = arith.constant 0 : i32
        %dma_start3A_160 = tpu.memref_slice %arg2[%add3A_158, %dma_start3A_159] : memref<16384x512xf32, #tpu.memory_space<hbm>> -> memref<32x512xf32, #tpu.memory_space<hbm>>
        %dma_start3A_161 = arith.constant 0 : i32
        %dma_start3A_162 = tpu.memref_slice %arg2[%add3A_158, %dma_start3A_161] : memref<16384x512xf32, #tpu.memory_space<hbm>> -> memref<32x512xf32, #tpu.memory_space<hbm>>
        tpu.enqueue_dma source(%dma_start3A_162 : memref<32x512xf32, #tpu.memory_space<hbm>>) target(%arg6 : memref<32x512xf32, #tpu.memory_space<vmem>>) target_semaphore(%arg14 : memref<!tpu.dma_semaphore, #tpu.memory_space<semaphore_mem>>)
      } else {
      }
      %mul3A_128 = arith.constant 4 : i32
      %mul3A_129 = arith.muli %mul3A_128, %scan3A_47 : i32
      %add3A_130 = arith.constant 3 : i32
      %add3A_131 = arith.addi %mul3A_129, %add3A_130 : i32
      %mul3A_132 = arith.constant 32 : i32
      %mul3A_133 = arith.muli %add3A_131, %mul3A_132 : i32
      %add3A_134 = arith.addi %mul3A_2, %mul3A_133 : i32
      %dma_wait3A_135 = arith.constant 0 : i32
      %dma_wait3A_136 = tpu.memref_slice %arg2[%add3A_134, %dma_wait3A_135] : memref<16384x512xf32, #tpu.memory_space<hbm>> -> memref<32x512xf32, #tpu.memory_space<hbm>>
      %dma_wait3A_137 = arith.constant 0 : i32
      %dma_wait3A_138 = tpu.memref_slice %arg2[%add3A_134, %dma_wait3A_137] : memref<16384x512xf32, #tpu.memory_space<hbm>> -> memref<32x512xf32, #tpu.memory_space<hbm>>
      tpu.wait_dma2 semaphore(%arg15 : memref<!tpu.dma_semaphore, #tpu.memory_space<semaphore_mem>>) src(%dma_wait3A_138 : memref<32x512xf32, #tpu.memory_space<hbm>>) dst(%arg7 : memref<32x512xf32, #tpu.memory_space<vmem>>)
      %gt3A_139 = arith.constant 0 : i32
      %gt3A_140 = arith.cmpi sgt, %scan3A_47, %gt3A_139 : i32
      %convert_element_type3A_141 = arith.extui %gt3A_140 : i1 to i32
      %cond3A_142 = arith.constant 0 : i32
      %cond3A_143 = arith.cmpi ne, %convert_element_type3A_141, %cond3A_142 : i32
      scf.if %cond3A_143 {
        %dma_wait3A_157 = arith.constant 0 : i32
        %dma_wait3A_158 = tpu.memref_slice %arg3[%add3A_134, %dma_wait3A_157] : memref<16384x256xf32, #tpu.memory_space<hbm>> -> memref<32x256xf32, #tpu.memory_space<hbm>>
        %dma_wait3A_159 = arith.constant 0 : i32
        %dma_wait3A_160 = tpu.memref_slice %arg3[%add3A_134, %dma_wait3A_159] : memref<16384x256xf32, #tpu.memory_space<hbm>> -> memref<32x256xf32, #tpu.memory_space<hbm>>
        tpu.wait_dma2 semaphore(%arg19 : memref<!tpu.dma_semaphore, #tpu.memory_space<semaphore_mem>>) src(%arg11 : memref<32x256xf32, #tpu.memory_space<vmem>>) dst(%dma_wait3A_160 : memref<32x256xf32, #tpu.memory_space<hbm>>)
      } else {
      }
      %parallel_loop3A_144 = arith.constant 0 : i32
      %parallel_loop3A_145 = arith.constant 32 : i32
      %parallel_loop3A_146 = arith.constant 1 : i32
      scf.for %parallel_loop3A_157 = %parallel_loop3A_144 to %parallel_loop3A_145 step %parallel_loop3A_146  : i32 {
        %parallel_loop3A_158 = vector.broadcast %parallel_loop3A_157 : i32 to vector<16xi32>
        %parallel_loop3A_159 = arith.constant 2 : i32
        %parallel_loop3A_160 = vector.broadcast %parallel_loop3A_159 : i32 to vector<16xi32>
        %parallel_loop3A_161 = arith.muli %parallel_loop3A_160, %iota3A : vector<16xi32>
        %parallel_loop3A_162 = arith.constant 0 : i32
        %parallel_loop3A_163 = vector.broadcast %parallel_loop3A_162 : i32 to vector<16xi32>
        %parallel_loop3A_164 = arith.addi %parallel_loop3A_163, %parallel_loop3A_161 : vector<16xi32>
        %parallel_loop3A_165 = tpu.vector_load_idx %arg7[%parallel_loop3A_158, %parallel_loop3A_164] : memref<32x512xf32, #tpu.memory_space<vmem>>[vector<16xi32>, vector<16xi32>], vector<16xf32>,
        %parallel_loop3A_166 = arith.index_cast %parallel_loop3A_157 : i32 to index
        %parallel_loop3A_167 = arith.constant 0 : index
        %parallel_loop3A_168 = tpu.vector_load %arg11[%parallel_loop3A_166, %parallel_loop3A_167] {strides = array<i32>} : memref<32x256xf32, #tpu.memory_space<vmem>>, vector<16xf32>,
        tpu.vector_store %arg11[%parallel_loop3A_166, %parallel_loop3A_167], %parallel_loop3A_165 {strides = array<i32>} : memref<32x256xf32, #tpu.memory_space<vmem>>, vector<16xf32>,
        %parallel_loop3A_169 = arith.constant 2 : i32
        %parallel_loop3A_170 = vector.broadcast %parallel_loop3A_169 : i32 to vector<16xi32>
        %parallel_loop3A_171 = arith.muli %parallel_loop3A_170, %iota3A : vector<16xi32>
        %parallel_loop3A_172 = arith.constant 32 : i32
        %parallel_loop3A_173 = vector.broadcast %parallel_loop3A_172 : i32 to vector<16xi32>
        %parallel_loop3A_174 = arith.addi %parallel_loop3A_173, %parallel_loop3A_171 : vector<16xi32>
        %parallel_loop3A_175 = tpu.vector_load_idx %arg7[%parallel_loop3A_158, %parallel_loop3A_174] : memref<32x512xf32, #tpu.memory_space<vmem>>[vector<16xi32>, vector<16xi32>], vector<16xf32>,
        %parallel_loop3A_176 = arith.index_cast %parallel_loop3A_157 : i32 to index
        %parallel_loop3A_177 = arith.constant 16 : index
        %parallel_loop3A_178 = tpu.vector_load %arg11[%parallel_loop3A_176, %parallel_loop3A_177] {strides = array<i32>} : memref<32x256xf32, #tpu.memory_space<vmem>>, vector<16xf32>,
        tpu.vector_store %arg11[%parallel_loop3A_176, %parallel_loop3A_177], %parallel_loop3A_175 {strides = array<i32>} : memref<32x256xf32, #tpu.memory_space<vmem>>, vector<16xf32>,
        %parallel_loop3A_179 = arith.constant 2 : i32
        %parallel_loop3A_180 = vector.broadcast %parallel_loop3A_179 : i32 to vector<16xi32>
        %parallel_loop3A_181 = arith.muli %parallel_loop3A_180, %iota3A : vector<16xi32>
        %parallel_loop3A_182 = arith.constant 64 : i32
        %parallel_loop3A_183 = vector.broadcast %parallel_loop3A_182 : i32 to vector<16xi32>
        %parallel_loop3A_184 = arith.addi %parallel_loop3A_183, %parallel_loop3A_181 : vector<16xi32>
        %parallel_loop3A_185 = tpu.vector_load_idx %arg7[%parallel_loop3A_158, %parallel_loop3A_184] : memref<32x512xf32, #tpu.memory_space<vmem>>[vector<16xi32>, vector<16xi32>], vector<16xf32>,
        %parallel_loop3A_186 = arith.index_cast %parallel_loop3A_157 : i32 to index
        %parallel_loop3A_187 = arith.constant 32 : index
        %parallel_loop3A_188 = tpu.vector_load %arg11[%parallel_loop3A_186, %parallel_loop3A_187] {strides = array<i32>} : memref<32x256xf32, #tpu.memory_space<vmem>>, vector<16xf32>,
        tpu.vector_store %arg11[%parallel_loop3A_186, %parallel_loop3A_187], %parallel_loop3A_185 {strides = array<i32>} : memref<32x256xf32, #tpu.memory_space<vmem>>, vector<16xf32>,
        %parallel_loop3A_189 = arith.constant 2 : i32
        %parallel_loop3A_190 = vector.broadcast %parallel_loop3A_189 : i32 to vector<16xi32>
        %parallel_loop3A_191 = arith.muli %parallel_loop3A_190, %iota3A : vector<16xi32>
        %parallel_loop3A_192 = arith.constant 96 : i32
        %parallel_loop3A_193 = vector.broadcast %parallel_loop3A_192 : i32 to vector<16xi32>
        %parallel_loop3A_194 = arith.addi %parallel_loop3A_193, %parallel_loop3A_191 : vector<16xi32>
        %parallel_loop3A_195 = tpu.vector_load_idx %arg7[%parallel_loop3A_158, %parallel_loop3A_194] : memref<32x512xf32, #tpu.memory_space<vmem>>[vector<16xi32>, vector<16xi32>], vector<16xf32>,
        %parallel_loop3A_196 = arith.index_cast %parallel_loop3A_157 : i32 to index
        %parallel_loop3A_197 = arith.constant 48 : index
        %parallel_loop3A_198 = tpu.vector_load %arg11[%parallel_loop3A_196, %parallel_loop3A_197] {strides = array<i32>} : memref<32x256xf32, #tpu.memory_space<vmem>>, vector<16xf32>,
        tpu.vector_store %arg11[%parallel_loop3A_196, %parallel_loop3A_197], %parallel_loop3A_195 {strides = array<i32>} : memref<32x256xf32, #tpu.memory_space<vmem>>, vector<16xf32>,
        %parallel_loop3A_199 = arith.constant 2 : i32
        %parallel_loop3A_200 = vector.broadcast %parallel_loop3A_199 : i32 to vector<16xi32>
        %parallel_loop3A_201 = arith.muli %parallel_loop3A_200, %iota3A : vector<16xi32>
        %parallel_loop3A_202 = arith.constant 128 : i32
        %parallel_loop3A_203 = vector.broadcast %parallel_loop3A_202 : i32 to vector<16xi32>
        %parallel_loop3A_204 = arith.addi %parallel_loop3A_203, %parallel_loop3A_201 : vector<16xi32>
        %parallel_loop3A_205 = tpu.vector_load_idx %arg7[%parallel_loop3A_158, %parallel_loop3A_204] : memref<32x512xf32, #tpu.memory_space<vmem>>[vector<16xi32>, vector<16xi32>], vector<16xf32>,
        %parallel_loop3A_206 = arith.index_cast %parallel_loop3A_157 : i32 to index
        %parallel_loop3A_207 = arith.constant 64 : index
        %parallel_loop3A_208 = tpu.vector_load %arg11[%parallel_loop3A_206, %parallel_loop3A_207] {strides = array<i32>} : memref<32x256xf32, #tpu.memory_space<vmem>>, vector<16xf32>,
        tpu.vector_store %arg11[%parallel_loop3A_206, %parallel_loop3A_207], %parallel_loop3A_205 {strides = array<i32>} : memref<32x256xf32, #tpu.memory_space<vmem>>, vector<16xf32>,
        %parallel_loop3A_209 = arith.constant 2 : i32
        %parallel_loop3A_210 = vector.broadcast %parallel_loop3A_209 : i32 to vector<16xi32>
        %parallel_loop3A_211 = arith.muli %parallel_loop3A_210, %iota3A : vector<16xi32>
        %parallel_loop3A_212 = arith.constant 160 : i32
        %parallel_loop3A_213 = vector.broadcast %parallel_loop3A_212 : i32 to vector<16xi32>
        %parallel_loop3A_214 = arith.addi %parallel_loop3A_213, %parallel_loop3A_211 : vector<16xi32>
        %parallel_loop3A_215 = tpu.vector_load_idx %arg7[%parallel_loop3A_158, %parallel_loop3A_214] : memref<32x512xf32, #tpu.memory_space<vmem>>[vector<16xi32>, vector<16xi32>], vector<16xf32>,
        %parallel_loop3A_216 = arith.index_cast %parallel_loop3A_157 : i32 to index
        %parallel_loop3A_217 = arith.constant 80 : index
        %parallel_loop3A_218 = tpu.vector_load %arg11[%parallel_loop3A_216, %parallel_loop3A_217] {strides = array<i32>} : memref<32x256xf32, #tpu.memory_space<vmem>>, vector<16xf32>,
        tpu.vector_store %arg11[%parallel_loop3A_216, %parallel_loop3A_217], %parallel_loop3A_215 {strides = array<i32>} : memref<32x256xf32, #tpu.memory_space<vmem>>, vector<16xf32>,
        %parallel_loop3A_219 = arith.constant 2 : i32
        %parallel_loop3A_220 = vector.broadcast %parallel_loop3A_219 : i32 to vector<16xi32>
        %parallel_loop3A_221 = arith.muli %parallel_loop3A_220, %iota3A : vector<16xi32>
        %parallel_loop3A_222 = arith.constant 192 : i32
        %parallel_loop3A_223 = vector.broadcast %parallel_loop3A_222 : i32 to vector<16xi32>
        %parallel_loop3A_224 = arith.addi %parallel_loop3A_223, %parallel_loop3A_221 : vector<16xi32>
        %parallel_loop3A_225 = tpu.vector_load_idx %arg7[%parallel_loop3A_158, %parallel_loop3A_224] : memref<32x512xf32, #tpu.memory_space<vmem>>[vector<16xi32>, vector<16xi32>], vector<16xf32>,
        %parallel_loop3A_226 = arith.index_cast %parallel_loop3A_157 : i32 to index
        %parallel_loop3A_227 = arith.constant 96 : index
        %parallel_loop3A_228 = tpu.vector_load %arg11[%parallel_loop3A_226, %parallel_loop3A_227] {strides = array<i32>} : memref<32x256xf32, #tpu.memory_space<vmem>>, vector<16xf32>,
        tpu.vector_store %arg11[%parallel_loop3A_226, %parallel_loop3A_227], %parallel_loop3A_225 {strides = array<i32>} : memref<32x256xf32, #tpu.memory_space<vmem>>, vector<16xf32>,
        %parallel_loop3A_229 = arith.constant 2 : i32
        %parallel_loop3A_230 = vector.broadcast %parallel_loop3A_229 : i32 to vector<16xi32>
        %parallel_loop3A_231 = arith.muli %parallel_loop3A_230, %iota3A : vector<16xi32>
        %parallel_loop3A_232 = arith.constant 224 : i32
        %parallel_loop3A_233 = vector.broadcast %parallel_loop3A_232 : i32 to vector<16xi32>
        %parallel_loop3A_234 = arith.addi %parallel_loop3A_233, %parallel_loop3A_231 : vector<16xi32>
        %parallel_loop3A_235 = tpu.vector_load_idx %arg7[%parallel_loop3A_158, %parallel_loop3A_234] : memref<32x512xf32, #tpu.memory_space<vmem>>[vector<16xi32>, vector<16xi32>], vector<16xf32>,
        %parallel_loop3A_236 = arith.index_cast %parallel_loop3A_157 : i32 to index
        %parallel_loop3A_237 = arith.constant 112 : index
        %parallel_loop3A_238 = tpu.vector_load %arg11[%parallel_loop3A_236, %parallel_loop3A_237] {strides = array<i32>} : memref<32x256xf32, #tpu.memory_space<vmem>>, vector<16xf32>,
        tpu.vector_store %arg11[%parallel_loop3A_236, %parallel_loop3A_237], %parallel_loop3A_235 {strides = array<i32>} : memref<32x256xf32, #tpu.memory_space<vmem>>, vector<16xf32>,
        %parallel_loop3A_239 = arith.constant 2 : i32
        %parallel_loop3A_240 = vector.broadcast %parallel_loop3A_239 : i32 to vector<16xi32>
        %parallel_loop3A_241 = arith.muli %parallel_loop3A_240, %iota3A : vector<16xi32>
        %parallel_loop3A_242 = arith.constant 256 : i32
        %parallel_loop3A_243 = vector.broadcast %parallel_loop3A_242 : i32 to vector<16xi32>
        %parallel_loop3A_244 = arith.addi %parallel_loop3A_243, %parallel_loop3A_241 : vector<16xi32>
        %parallel_loop3A_245 = tpu.vector_load_idx %arg7[%parallel_loop3A_158, %parallel_loop3A_244] : memref<32x512xf32, #tpu.memory_space<vmem>>[vector<16xi32>, vector<16xi32>], vector<16xf32>,
        %parallel_loop3A_246 = arith.index_cast %parallel_loop3A_157 : i32 to index
        %parallel_loop3A_247 = arith.constant 128 : index
        %parallel_loop3A_248 = tpu.vector_load %arg11[%parallel_loop3A_246, %parallel_loop3A_247] {strides = array<i32>} : memref<32x256xf32, #tpu.memory_space<vmem>>, vector<16xf32>,
        tpu.vector_store %arg11[%parallel_loop3A_246, %parallel_loop3A_247], %parallel_loop3A_245 {strides = array<i32>} : memref<32x256xf32, #tpu.memory_space<vmem>>, vector<16xf32>,
        %parallel_loop3A_249 = arith.constant 2 : i32
        %parallel_loop3A_250 = vector.broadcast %parallel_loop3A_249 : i32 to vector<16xi32>
        %parallel_loop3A_251 = arith.muli %parallel_loop3A_250, %iota3A : vector<16xi32>
        %parallel_loop3A_252 = arith.constant 288 : i32
        %parallel_loop3A_253 = vector.broadcast %parallel_loop3A_252 : i32 to vector<16xi32>
        %parallel_loop3A_254 = arith.addi %parallel_loop3A_253, %parallel_loop3A_251 : vector<16xi32>
        %parallel_loop3A_255 = tpu.vector_load_idx %arg7[%parallel_loop3A_158, %parallel_loop3A_254] : memref<32x512xf32, #tpu.memory_space<vmem>>[vector<16xi32>, vector<16xi32>], vector<16xf32>,
        %parallel_loop3A_256 = arith.index_cast %parallel_loop3A_157 : i32 to index
        %parallel_loop3A_257 = arith.constant 144 : index
        %parallel_loop3A_258 = tpu.vector_load %arg11[%parallel_loop3A_256, %parallel_loop3A_257] {strides = array<i32>} : memref<32x256xf32, #tpu.memory_space<vmem>>, vector<16xf32>,
        tpu.vector_store %arg11[%parallel_loop3A_256, %parallel_loop3A_257], %parallel_loop3A_255 {strides = array<i32>} : memref<32x256xf32, #tpu.memory_space<vmem>>, vector<16xf32>,
        %parallel_loop3A_259 = arith.constant 2 : i32
        %parallel_loop3A_260 = vector.broadcast %parallel_loop3A_259 : i32 to vector<16xi32>
        %parallel_loop3A_261 = arith.muli %parallel_loop3A_260, %iota3A : vector<16xi32>
        %parallel_loop3A_262 = arith.constant 320 : i32
        %parallel_loop3A_263 = vector.broadcast %parallel_loop3A_262 : i32 to vector<16xi32>
        %parallel_loop3A_264 = arith.addi %parallel_loop3A_263, %parallel_loop3A_261 : vector<16xi32>
        %parallel_loop3A_265 = tpu.vector_load_idx %arg7[%parallel_loop3A_158, %parallel_loop3A_264] : memref<32x512xf32, #tpu.memory_space<vmem>>[vector<16xi32>, vector<16xi32>], vector<16xf32>,
        %parallel_loop3A_266 = arith.index_cast %parallel_loop3A_157 : i32 to index
        %parallel_loop3A_267 = arith.constant 160 : index
        %parallel_loop3A_268 = tpu.vector_load %arg11[%parallel_loop3A_266, %parallel_loop3A_267] {strides = array<i32>} : memref<32x256xf32, #tpu.memory_space<vmem>>, vector<16xf32>,
        tpu.vector_store %arg11[%parallel_loop3A_266, %parallel_loop3A_267], %parallel_loop3A_265 {strides = array<i32>} : memref<32x256xf32, #tpu.memory_space<vmem>>, vector<16xf32>,
        %parallel_loop3A_269 = arith.constant 2 : i32
        %parallel_loop3A_270 = vector.broadcast %parallel_loop3A_269 : i32 to vector<16xi32>
        %parallel_loop3A_271 = arith.muli %parallel_loop3A_270, %iota3A : vector<16xi32>
        %parallel_loop3A_272 = arith.constant 352 : i32
        %parallel_loop3A_273 = vector.broadcast %parallel_loop3A_272 : i32 to vector<16xi32>
        %parallel_loop3A_274 = arith.addi %parallel_loop3A_273, %parallel_loop3A_271 : vector<16xi32>
        %parallel_loop3A_275 = tpu.vector_load_idx %arg7[%parallel_loop3A_158, %parallel_loop3A_274] : memref<32x512xf32, #tpu.memory_space<vmem>>[vector<16xi32>, vector<16xi32>], vector<16xf32>,
        %parallel_loop3A_276 = arith.index_cast %parallel_loop3A_157 : i32 to index
        %parallel_loop3A_277 = arith.constant 176 : index
        %parallel_loop3A_278 = tpu.vector_load %arg11[%parallel_loop3A_276, %parallel_loop3A_277] {strides = array<i32>} : memref<32x256xf32, #tpu.memory_space<vmem>>, vector<16xf32>,
        tpu.vector_store %arg11[%parallel_loop3A_276, %parallel_loop3A_277], %parallel_loop3A_275 {strides = array<i32>} : memref<32x256xf32, #tpu.memory_space<vmem>>, vector<16xf32>,
        %parallel_loop3A_279 = arith.constant 2 : i32
        %parallel_loop3A_280 = vector.broadcast %parallel_loop3A_279 : i32 to vector<16xi32>
        %parallel_loop3A_281 = arith.muli %parallel_loop3A_280, %iota3A : vector<16xi32>
        %parallel_loop3A_282 = arith.constant 384 : i32
        %parallel_loop3A_283 = vector.broadcast %parallel_loop3A_282 : i32 to vector<16xi32>
        %parallel_loop3A_284 = arith.addi %parallel_loop3A_283, %parallel_loop3A_281 : vector<16xi32>
        %parallel_loop3A_285 = tpu.vector_load_idx %arg7[%parallel_loop3A_158, %parallel_loop3A_284] : memref<32x512xf32, #tpu.memory_space<vmem>>[vector<16xi32>, vector<16xi32>], vector<16xf32>,
        %parallel_loop3A_286 = arith.index_cast %parallel_loop3A_157 : i32 to index
        %parallel_loop3A_287 = arith.constant 192 : index
        %parallel_loop3A_288 = tpu.vector_load %arg11[%parallel_loop3A_286, %parallel_loop3A_287] {strides = array<i32>} : memref<32x256xf32, #tpu.memory_space<vmem>>, vector<16xf32>,
        tpu.vector_store %arg11[%parallel_loop3A_286, %parallel_loop3A_287], %parallel_loop3A_285 {strides = array<i32>} : memref<32x256xf32, #tpu.memory_space<vmem>>, vector<16xf32>,
        %parallel_loop3A_289 = arith.constant 2 : i32
        %parallel_loop3A_290 = vector.broadcast %parallel_loop3A_289 : i32 to vector<16xi32>
        %parallel_loop3A_291 = arith.muli %parallel_loop3A_290, %iota3A : vector<16xi32>
        %parallel_loop3A_292 = arith.constant 416 : i32
        %parallel_loop3A_293 = vector.broadcast %parallel_loop3A_292 : i32 to vector<16xi32>
        %parallel_loop3A_294 = arith.addi %parallel_loop3A_293, %parallel_loop3A_291 : vector<16xi32>
        %parallel_loop3A_295 = tpu.vector_load_idx %arg7[%parallel_loop3A_158, %parallel_loop3A_294] : memref<32x512xf32, #tpu.memory_space<vmem>>[vector<16xi32>, vector<16xi32>], vector<16xf32>,
        %parallel_loop3A_296 = arith.index_cast %parallel_loop3A_157 : i32 to index
        %parallel_loop3A_297 = arith.constant 208 : index
        %parallel_loop3A_298 = tpu.vector_load %arg11[%parallel_loop3A_296, %parallel_loop3A_297] {strides = array<i32>} : memref<32x256xf32, #tpu.memory_space<vmem>>, vector<16xf32>,
        tpu.vector_store %arg11[%parallel_loop3A_296, %parallel_loop3A_297], %parallel_loop3A_295 {strides = array<i32>} : memref<32x256xf32, #tpu.memory_space<vmem>>, vector<16xf32>,
        %parallel_loop3A_299 = arith.constant 2 : i32
        %parallel_loop3A_300 = vector.broadcast %parallel_loop3A_299 : i32 to vector<16xi32>
        %parallel_loop3A_301 = arith.muli %parallel_loop3A_300, %iota3A : vector<16xi32>
        %parallel_loop3A_302 = arith.constant 448 : i32
        %parallel_loop3A_303 = vector.broadcast %parallel_loop3A_302 : i32 to vector<16xi32>
        %parallel_loop3A_304 = arith.addi %parallel_loop3A_303, %parallel_loop3A_301 : vector<16xi32>
        %parallel_loop3A_305 = tpu.vector_load_idx %arg7[%parallel_loop3A_158, %parallel_loop3A_304] : memref<32x512xf32, #tpu.memory_space<vmem>>[vector<16xi32>, vector<16xi32>], vector<16xf32>,
        %parallel_loop3A_306 = arith.index_cast %parallel_loop3A_157 : i32 to index
        %parallel_loop3A_307 = arith.constant 224 : index
        %parallel_loop3A_308 = tpu.vector_load %arg11[%parallel_loop3A_306, %parallel_loop3A_307] {strides = array<i32>} : memref<32x256xf32, #tpu.memory_space<vmem>>, vector<16xf32>,
        tpu.vector_store %arg11[%parallel_loop3A_306, %parallel_loop3A_307], %parallel_loop3A_305 {strides = array<i32>} : memref<32x256xf32, #tpu.memory_space<vmem>>, vector<16xf32>,
        %parallel_loop3A_309 = arith.constant 2 : i32
        %parallel_loop3A_310 = vector.broadcast %parallel_loop3A_309 : i32 to vector<16xi32>
        %parallel_loop3A_311 = arith.muli %parallel_loop3A_310, %iota3A : vector<16xi32>
        %parallel_loop3A_312 = arith.constant 480 : i32
        %parallel_loop3A_313 = vector.broadcast %parallel_loop3A_312 : i32 to vector<16xi32>
        %parallel_loop3A_314 = arith.addi %parallel_loop3A_313, %parallel_loop3A_311 : vector<16xi32>
        %parallel_loop3A_315 = tpu.vector_load_idx %arg7[%parallel_loop3A_158, %parallel_loop3A_314] : memref<32x512xf32, #tpu.memory_space<vmem>>[vector<16xi32>, vector<16xi32>], vector<16xf32>,
        %parallel_loop3A_316 = arith.index_cast %parallel_loop3A_157 : i32 to index
        %parallel_loop3A_317 = arith.constant 240 : index
        %parallel_loop3A_318 = tpu.vector_load %arg11[%parallel_loop3A_316, %parallel_loop3A_317] {strides = array<i32>} : memref<32x256xf32, #tpu.memory_space<vmem>>, vector<16xf32>,
        tpu.vector_store %arg11[%parallel_loop3A_316, %parallel_loop3A_317], %parallel_loop3A_315 {strides = array<i32>} : memref<32x256xf32, #tpu.memory_space<vmem>>, vector<16xf32>,
      } {sc.loop_unroll_factor = 1 : i64, sc.parallel_access}
      %dma_start3A_147 = arith.constant 0 : i32
      %dma_start3A_148 = tpu.memref_slice %arg3[%add3A_134, %dma_start3A_147] : memref<16384x256xf32, #tpu.memory_space<hbm>> -> memref<32x256xf32, #tpu.memory_space<hbm>>
      %dma_start3A_149 = arith.constant 0 : i32
      %dma_start3A_150 = tpu.memref_slice %arg3[%add3A_134, %dma_start3A_149] : memref<16384x256xf32, #tpu.memory_space<hbm>> -> memref<32x256xf32, #tpu.memory_space<hbm>>
      tpu.enqueue_dma source(%arg11 : memref<32x256xf32, #tpu.memory_space<vmem>>) target(%dma_start3A_150 : memref<32x256xf32, #tpu.memory_space<hbm>>) target_semaphore(%arg19 : memref<!tpu.dma_semaphore, #tpu.memory_space<semaphore_mem>>)
      %lt3A_151 = arith.constant 3 : i32
      %lt3A_152 = arith.cmpi slt, %scan3A_47, %lt3A_151 : i32
      %convert_element_type3A_153 = arith.extui %lt3A_152 : i1 to i32
      %cond3A_154 = arith.constant 0 : i32
      %cond3A_155 = arith.cmpi ne, %convert_element_type3A_153, %cond3A_154 : i32
      scf.if %cond3A_155 {
        %add3A_157 = arith.constant 128 : i32
        %add3A_158 = arith.addi %add3A_134, %add3A_157 : i32
        %dma_start3A_159 = arith.constant 0 : i32
        %dma_start3A_160 = tpu.memref_slice %arg2[%add3A_158, %dma_start3A_159] : memref<16384x512xf32, #tpu.memory_space<hbm>> -> memref<32x512xf32, #tpu.memory_space<hbm>>
        %dma_start3A_161 = arith.constant 0 : i32
        %dma_start3A_162 = tpu.memref_slice %arg2[%add3A_158, %dma_start3A_161] : memref<16384x512xf32, #tpu.memory_space<hbm>> -> memref<32x512xf32, #tpu.memory_space<hbm>>
        tpu.enqueue_dma source(%dma_start3A_162 : memref<32x512xf32, #tpu.memory_space<hbm>>) target(%arg7 : memref<32x512xf32, #tpu.memory_space<vmem>>) target_semaphore(%arg15 : memref<!tpu.dma_semaphore, #tpu.memory_space<semaphore_mem>>)
      } else {
      }
      %scan3A_156 = arith.constant 0 : i32
      scf.yield %scan3A_156 : i32
    }
    %scan3A_31 = arith.constant 4 : i32
    %dma_wait3A = arith.constant 0 : i32
    %dma_wait3A_32 = tpu.memref_slice %arg3[%mul3A_2, %dma_wait3A] : memref<16384x256xf32, #tpu.memory_space<hbm>> -> memref<32x256xf32, #tpu.memory_space<hbm>>
    %dma_wait3A_33 = arith.constant 0 : i32
    %dma_wait3A_34 = tpu.memref_slice %arg3[%mul3A_2, %dma_wait3A_33] : memref<16384x256xf32, #tpu.memory_space<hbm>> -> memref<32x256xf32, #tpu.memory_space<hbm>>
    tpu.wait_dma2 semaphore(%arg16 : memref<!tpu.dma_semaphore, #tpu.memory_space<semaphore_mem>>) src(%arg8 : memref<32x256xf32, #tpu.memory_space<vmem>>) dst(%dma_wait3A_34 : memref<32x256xf32, #tpu.memory_space<hbm>>)
    %dma_wait3A_35 = arith.constant 0 : i32
    %dma_wait3A_36 = tpu.memref_slice %arg3[%mul3A_2, %dma_wait3A_35] : memref<16384x256xf32, #tpu.memory_space<hbm>> -> memref<32x256xf32, #tpu.memory_space<hbm>>
    %dma_wait3A_37 = arith.constant 0 : i32
    %dma_wait3A_38 = tpu.memref_slice %arg3[%mul3A_2, %dma_wait3A_37] : memref<16384x256xf32, #tpu.memory_space<hbm>> -> memref<32x256xf32, #tpu.memory_space<hbm>>
    tpu.wait_dma2 semaphore(%arg17 : memref<!tpu.dma_semaphore, #tpu.memory_space<semaphore_mem>>) src(%arg9 : memref<32x256xf32, #tpu.memory_space<vmem>>) dst(%dma_wait3A_38 : memref<32x256xf32, #tpu.memory_space<hbm>>)
    %dma_wait3A_39 = arith.constant 0 : i32
    %dma_wait3A_40 = tpu.memref_slice %arg3[%mul3A_2, %dma_wait3A_39] : memref<16384x256xf32, #tpu.memory_space<hbm>> -> memref<32x256xf32, #tpu.memory_space<hbm>>
    %dma_wait3A_41 = arith.constant 0 : i32
    %dma_wait3A_42 = tpu.memref_slice %arg3[%mul3A_2, %dma_wait3A_41] : memref<16384x256xf32, #tpu.memory_space<hbm>> -> memref<32x256xf32, #tpu.memory_space<hbm>>
    tpu.wait_dma2 semaphore(%arg18 : memref<!tpu.dma_semaphore, #tpu.memory_space<semaphore_mem>>) src(%arg10 : memref<32x256xf32, #tpu.memory_space<vmem>>) dst(%dma_wait3A_42 : memref<32x256xf32, #tpu.memory_space<hbm>>)
    %dma_wait3A_43 = arith.constant 0 : i32
    %dma_wait3A_44 = tpu.memref_slice %arg3[%mul3A_2, %dma_wait3A_43] : memref<16384x256xf32, #tpu.memory_space<hbm>> -> memref<32x256xf32, #tpu.memory_space<hbm>>
    %dma_wait3A_45 = arith.constant 0 : i32
    %dma_wait3A_46 = tpu.memref_slice %arg3[%mul3A_2, %dma_wait3A_45] : memref<16384x256xf32, #tpu.memory_space<hbm>> -> memref<32x256xf32, #tpu.memory_space<hbm>>
    tpu.wait_dma2 semaphore(%arg19 : memref<!tpu.dma_semaphore, #tpu.memory_space<semaphore_mem>>) src(%arg11 : memref<32x256xf32, #tpu.memory_space<vmem>>) dst(%dma_wait3A_46 : memref<32x256xf32, #tpu.memory_space<hbm>>)
    return
  }
}

</mosaic_0001>

<sc_bundles>
// kernel: kernel.3.cloned.1.call-start
scs
__scs_entry_jumppad:
0x0: {  	(pc) =	sbr.rel $0x88, $3  }
0x1: {  	(tag) =	ssettag $0x0;
	lr =	simm.s32 $0x1  }
0x2: {  	[smem:$0x3FA0] =	sst lr;
	_ =	strace $0xD0000000  }
0x3: {  	_ = 	snop  }
0x4: {  	_ = 	snop  }
0x5: {  	_ = 	snop  }
0x6: {  	_ = 	snop  }
0x7: {  	_ = 	snop  }
__scs_overlays_trampoline_lowered:
0x8: {  	[smem:$0x3FAF] =	sst s0  }
0x9: {  	[smem:$0x3FB0] =	sst s1  }
0xa: {  	[smem:$0x3FB1] =	sst s2  }
0xb: {  	[smem:$0x3FB2] =	sst s3  }
0xc: {  	[smem:$0x3FB3] =	sst s4  }
0xd: {  	[smem:$0x3FB4] =	sst s5  }
0xe: {  	[smem:$0x3FB5] =	sst s6  }
0xf: {  	[smem:$0x3FB6] =	sst s7  }
0x10: {  	[smem:$0x3FB7] =	sst s8  }
0x11: {  	[smem:$0x3FB8] =	sst s9;
	s0 =	simm.s32 @!p0 $0x0  }
0x12: {  	s1 =	sld [smem:$0x3F9E];
	s0 =	simm.s32 @p0 $0x1  }
0x13: {  	[smem:$0x3FB9] =	sst s0;
	s0 =	simm.s32 @!p1 $0x0  }
0x14: {  	s2 =	sld [smem:$0x3F9D];
	s0 =	simm.s32 @p1 $0x1  }
0x15: {  	[smem:$0x3FBA] =	sst s0;
	s0 =	simm.s32 @!p2 $0x0  }
0x16: {  	s3 =	sld [smem:$0x3FDB];
	s0 =	simm.s32 @p2 $0x1  }
0x17: {  	s4 =	simm.s32 $0x1BF5;
	[smem:$0x3FBC] =	sst s0  }
0x18: {  	s0 =	sld [smem:$0x3F9F];
	_ =	swait.ge [sflag:s4], $0x0  }
0x19: {  	s7 =	sld [smem:$0x3FA0]  }
0x1a: {  	s8 =	sadd.s32 $0xFFFFE003, lr  }
0x1b: {  	s9 =	sadd.s32 $0xFFFFFEF7, lr;
	s5 =	simm.s32 $0xFFFFFFFF;
	p2 =	slt.u32 s8, $0xFFFFF086  }
0x1c: {  	p1 =	slt.u32 s9, $0xF7A;
	s5 =	simm.s32 @!p2 $0x0  }
0x1d: {  	s5 =	simm.s32 @p1 $0x1;
	p0 =	seq.s32 s7, s2  }
0x1e: {  	s7 =	smul.u32 @!p0 $0xF7A, s2;
	p2 =	seq.s32 @!p0 s5, $0x0  }
0x1f: {  	s9 =	smul.u32 $0xF7A, s1;
	s8 =	simm.s32 @!p0 $0x1BF5;
	p2 =	por !p2, p0  }
0x20: {  	[sflag:s8] =	ssyncset.s32 @!p0 $0xFFFFF086;
	s6 =	sadd.s32 @!p0 s3, s7;
	s7 =	simm.s32 @!p0 $0x108  }
0x21: {  	s3 =	sadd.s32 s3, s9;
	s6 =	sadd.s32 @!p0 $0x88, s6;
	s7 =	simm.s32 @p2 $0x1082  }
0x22: {  	[simem:s7], [sflag:s8] =	dma.local @!p0 [hbm:s6], $0xF7A  }
0x23: {  	s9 =	sor.u32 $0xD0000000, s2;
	s6 =	simm.s32 $0x108;
	_ =	swait.ge @!p0 [sflag:s8], $0x0  }
0x24: {  	s3 =	sadd.s32 $0x88, s3;
	s6 =	simm.s32 @!p1 $0x1082;
	[sflag:s4] =	ssyncset.s32 $0xFFFFF086  }
0x25: {  	[simem:s6], [sflag:s4] =	dma.local [hbm:s3], $0xF7A  }
0x26: {  	[smem:$0x3FA0] =	sst s1;
	(tag) =	ssettag s2;
	_ =	strace s9  }
0x27: {  	s1 =	sld [smem:$0x3FB0]  }
0x28: {  	s2 =	sld [smem:$0x3FB1]  }
0x29: {  	s4 =	sld [smem:$0x3FB3]  }
0x2a: {  	p0 =	seq.s32 s5, $0x0;
	s5 =	sld [smem:$0x3FB4]  }
0x2b: {  	s6 =	sld [smem:$0x3FB5]  }
0x2c: {  	s7 =	sld [smem:$0x3FB6]  }
0x2d: {  	s3 =	simm.s32 $0x108;
	s8 =	sld [smem:$0x3FB7]  }
0x2e: {  	s3 =	simm.s32 @!p0 $0x1082;
	s9 =	sld [smem:$0x3FB8]  }
0x2f: {  	lr =	sadd.s32 s0, s3;
	s0 =	sld [smem:$0x3FAF]  }
0x30: {  	s3 =	sld [smem:$0x3FB2]  }
0x31: {  	[smem:$0x3FBB] =	sst s10  }
0x32: {  	s10 =	sld [smem:$0x3FB9];
	_ =	sdelay $0x3  }
0x33: {  	p0 =	seq.s32 s10, $0x1;
	s10 =	sld [smem:$0x3FBB];
	_ =	sdelay $0x3  }
0x34: {  	[smem:$0x3FBB] =	sst s10  }
0x35: {  	s10 =	sld [smem:$0x3FBA];
	_ =	sdelay $0x3  }
0x36: {  	p1 =	seq.s32 s10, $0x1;
	s10 =	sld [smem:$0x3FBB];
	_ =	sdelay $0x3  }
0x37: {  	[smem:$0x3FBB] =	sst s10  }
0x38: {  	s10 =	sld [smem:$0x3FBC]  }
0x39: {  	_ = 	snop;
	(pc) =	sbr.ind lr, $3  }
0x3a: {  	_ = 	snop  }
0x3b: {  	_ = 	snop  }
0x3c: {  	p2 =	seq.s32 s10, $0x1;
	s10 =	sld [smem:$0x3FBB]  }
0x3d: {  	_ =	shalt  }
0x3e: {  	_ =	shalt  }
0x3f: {  	_ =	shalt  }
0x40: {  	_ =	shalt  }
0x41: {  	_ =	shalt  }
0x42: {  	_ =	shalt  }
0x43: {  	_ =	shalt  }
0x44: {  	_ =	shalt  }
0x45: {  	_ =	shalt  }
0x46: {  	_ =	shalt  }
0x47: {  	_ =	shalt  }
0x48: {  	_ =	shalt  }
0x49: {  	_ =	shalt  }
0x4a: {  	_ =	shalt  }
0x4b: {  	_ =	shalt  }
0x4c: {  	_ =	shalt  }
0x4d: {  	_ =	shalt  }
0x4e: {  	_ =	shalt  }
0x4f: {  	_ =	shalt  }
0x50: {  	_ =	shalt  }
0x51: {  	_ =	shalt  }
0x52: {  	_ =	shalt  }
0x53: {  	_ =	shalt  }
0x54: {  	_ =	shalt  }
0x55: {  	_ =	shalt  }
0x56: {  	_ =	shalt  }
0x57: {  	_ =	shalt  }
0x58: {  	_ =	shalt  }
0x59: {  	_ =	shalt  }
0x5a: {  	_ =	shalt  }
0x5b: {  	_ =	shalt  }
0x5c: {  	_ =	shalt  }
0x5d: {  	_ =	shalt  }
0x5e: {  	_ =	shalt  }
0x5f: {  	_ =	shalt  }
0x60: {  	_ =	shalt  }
0x61: {  	_ =	shalt  }
0x62: {  	_ =	shalt  }
0x63: {  	_ =	shalt  }
0x64: {  	_ =	shalt  }
0x65: {  	_ =	shalt  }
0x66: {  	_ =	shalt  }
0x67: {  	_ =	shalt  }
0x68: {  	_ =	shalt  }
0x69: {  	_ =	shalt  }
0x6a: {  	_ =	shalt  }
0x6b: {  	_ =	shalt  }
0x6c: {  	_ =	shalt  }
0x6d: {  	_ =	shalt  }
0x6e: {  	_ =	shalt  }
0x6f: {  	_ =	shalt  }
0x70: {  	_ =	shalt  }
0x71: {  	_ =	shalt  }
0x72: {  	_ =	shalt  }
0x73: {  	_ =	shalt  }
0x74: {  	_ =	shalt  }
0x75: {  	_ =	shalt  }
0x76: {  	_ =	shalt  }
0x77: {  	_ =	shalt  }
0x78: {  	_ =	shalt  }
0x79: {  	_ =	shalt  }
0x7a: {  	_ =	shalt  }
0x7b: {  	_ =	shalt  }
0x7c: {  	_ =	shalt  }
0x7d: {  	_ =	shalt  }
0x7e: {  	_ =	shalt  }
0x7f: {  	_ =	shalt  }
0x80: {  	_ =	shalt  }
0x81: {  	_ =	shalt  }
0x82: {  	_ =	shalt  }
0x83: {  	_ =	shalt  }
0x84: {  	_ =	shalt  }
0x85: {  	_ =	shalt  }
0x86: {  	_ =	shalt  }
0x87: {  	_ =	shalt  }
.Lfunc_end0:
.L_simem_size_0:
called_computation_lowered:
.L_overlay_start_0:
0x88: {  	s2 =	sld [smem:$0x3FD9]  }
0x89: {  	s3 =	sld [smem:$0x3FFE];
	_ =	sdelay $0x1  }
0x8a: {  	s1 =	srdreg.scid  }
0x8b: {  	s0 =	sand.u32 $0x1, s1  }
0x8c: {  	s18 =	sshll.u32 s0, $0xA;
	s2 =	sadd.s32 s3, s2  }
0x8d: {  	s2 =	sadd.s32 s2, s18  }
0x8e: {  	[smem:$0x3FC7] =	sst s2  }
0x8f: {  	_ = 	snop  }
0x90: {  	s2 =	sld [smem:$0x3FC9]  }
0x91: {  	s19 =	sld [smem:$0x3FD0];
	(tm) =	ssettm $0x1  }
0x92: {  	s4 =	sld [smem:$0x3FFB];
	_ =	sdelay $0x3  }
0x93: {  	_ =	strace s4  }
0x94: {  	s4 =	sld [smem:$0x3FFC];
	_ =	sdelay $0x3  }
0x95: {  	_ =	strace s4  }
0x96: {  	s4 =	sld [smem:$0x3FFD];
	_ =	sdelay $0x3  }
0x97: {  	_ =	strace s4  }
0x98: {  	_ =	strace $0x8FFFFFFF  }
0x99: {  	s20 =	sld [smem:$0x3FDB];
	_ =	sdelay $0x1  }
0x9a: {  	s5 =	simm.s32 $_scs_section_size  }
0x9b: {  	s6 =	simm.s32 $_size__tile_overlayer_lowered;
	s7 =	simm.s32 $_tile_overlayer_lowered  }
0x9c: {  	s23 =	simm.s32 $0x1BFF;
	s22 =	sshll.u32 s7, $0x1;
	s4 =	sadd.s32 s5, s20  }
0x9d: {  	s8 =	simm.s32 $0x0;
	s21 =	sshll.u32 s6, $0x1;
	s6 =	sadd.s32 s22, s4  }
0x9e: {  	[timem:s8], [sflag:s23] =	dma.local [hbm:s6], s21  }
0x9f: {  	_ =	swait.ge [sflag:s23], s21  }
0xa0: {  	s5 =	ssub.s32 $0x0, s21;
	[sflag:s23] =	ssyncset.done $0x0  }
0xa1: {  	[sflag:s23] =	ssyncadd.s32 s5;
	_ =	sdelay $0x1  }
0xa2: {  	s24 =	simm.s32 $0x1B8B  }
0xa3: {  	_ =	swait.ge [sflag:s24], $0x1  }
0xa4: {  	[sflag:s24] =	ssyncset.done $0x0  }
0xa5: {  	s25 =	simm.s32 $0x1B8E;
	[sflag:s24] =	ssyncadd.s32 $0xFFFFFFFF  }
0xa6: {  	s26 =	simm.s32 $execute0_lowered;
	[smem:$0x3FD2] =	sst s25  }
0xa7: {  	s5 =	sshll.u32 s26, $0x1;
	_ =	strace $0x80000046;
	[dreg:$0x1] =	wrdreg $0xFFFFFFFF  }
0xa8: {  	s28 =	simm.s32 $_size_execute0_lowered;
	s4 =	sadd.s32 s4, s5;
	[dreg:$0x0] =	wrdreg $0x0  }
0xa9: {  	s5 =	sshll.u32 s28, $0x1;
	[dreg:$0x2] =	wrdreg s4  }
0xaa: {  	[dreg:$0x3] =	wrdreg s5  }
0xab: {  	[dreg:$0x4] =	wrdreg $0xC0  }
0xac: {  	_ =	task [dreg:s8], $0x5FFFF  }
0xad: {  	[dreg:$0x1] =	wrdreg $0xFFFFFFFF  }
0xae: {  	[dreg:$0x0] =	wrdreg $0x60  }
0xaf: {  	[dreg:$0x2] =	wrdreg s2  }
0xb0: {  	[dreg:$0x3] =	wrdreg s19  }
0xb1: {  	[dreg:$0x4] =	wrdreg $0x9  }
0xb2: {  	_ =	task.clear_ibuf [dreg:s8], $0x5FFFF;
	_ =	strace $0x90000046  }
0xb3: {  	s29 =	simm.s32 $0x9;
	_ =	strace $0x80000048  }
0xb4: {  	_ =	swait.ge [sflag:s29], $0x1  }
0xb5: {  	[sflag:s29] =	ssyncadd.s32 $0xFFFFFFFF  }
0xb6: {  	_ =	strace $0x90000048  }
0xb7: {  	_ =	sfence  }
0xb8: {  	s30 =	sld [smem:$0x0];
	_ =	sdelay $0x2  }
0xb9: {  	s31 =	sshll.u32 s1, $0xD;
	s1 =	sshrl.u32 s1, $0x2  }
0xba: {  	s3 =	sand.u32 $0x4000, s31;
	s1 =	sadd.s32 s1, s30  }
0xbb: {  	s0 =	sor.u32 s3, s0;
	s1 =	sshll.u32 s1, $0x11  }
0xbc: {  	s0 =	sor.u32 s1, s0  }
0xbd: {  	s0 =	sadd.s32 $0x8F2B, s0  }
0xbe: {  	[sflag:s0] =	ssyncadd.remote.s32 $0x1  }
0xbf: {  	_ =	sfence.sel $0xFFFF  }
0xc0: {  	[dreg:$0x0] =	wrdreg $0xFFFFFFFF;
	(pc) =	sbr.abs _section_cstart, $3  }
0xc1: {  	[dreg:$0x1] =	wrdreg $0xFFFFFFFF  }
0xc2: {  	_ =	task.clear_ibuf [dreg:s8], $0x2FFFF;
	_ =	strace $0x9FFFFFFF  }
0xc3: {  	(tm) =	ssettm $0x7FFFFFFF  }
tec
execute0_lowered:
.L_overlay_start_1:
0x0: {  	(tag) =	ssettag $0x1  }
0x1: {  	s0 =	rddreg [dreg:$0x0];
	s1 =	srdreg.scid  }
0x2: {  	s2 =	rddreg [dreg:$0x1];
	s3 =	stileid.u32  }
0x3: {  	s11 =	simm.s32 $0x4000;
	s12 =	simm.s32 $0x8000;
	s13 =	simm.s32 $0xC000  }
0x4: {  	s14 =	simm.s32 $0x1;
	s15 =	simm.s32 $0x10000;
	s16 =	simm.s32 $0x2  }
0x5: {  	s17 =	simm.s32 $0x12000;
	s18 =	simm.s32 $0x3;
	s1 =	sand.u32 $0x1, s1  }
0x6: {  	s19 =	simm.s32 $0x14000;
	s4 =	sshll.u32 s3, $0xA;
	s5 =	sshll.u32 s1, $0x9  }
0x7: {  	v0 =	vlaneseq.u32;
	s3 =	simm.s32 $0x0;
	s1 =	ssub.s32 $0x2, s1;
	s4 =	sor.u32 s5, s4  }
0x8: {  	v0 =	vmul.u32 $0x2, v0;
	[smem:$0x7FF] =	sst s3;
	s28 =	sshrl.u32 s1, $0x1;
	s6 =	sshll.u32 s4, $0x6  }
0x9: {  	_ =	strace $0x80000047;
	s1 =	ssub.s32 s1, s28;
	s29 =	sadd.s32 s0, s6  }
.Ltmp0:
0xa: {  	v1 =	vor.u32 $0x20, v0;
	v2 =	vor.u32 $0x40, v0;
	v3 =	vor.u32 $0x60, v0;
	s31 =	smax.u32 s1, $0x1;
	[dreg:$0x3] =	wrdreg s29;
	(pc) =	sbr.rel .LBB2_1-.Ltmp0, $4  }
0xb: {  	s20 =	simm.s32 $0x4;
	v4 =	vor.u32 $0x400, v0;
	v5 =	vor.u32 $0x420, v0;
	v6 =	vor.u32 $0x440, v0;
	s6 =	sadd.s32 $0x800, s29;
	[dreg:$0x7] =	wrdreg s31  }
0xc: {  	s21 =	simm.s32 $0x16000;
	v7 =	vor.u32 $0x460, v0;
	v8 =	vor.u32 $0x800, v0;
	v9 =	vor.u32 $0x820, v0;
	s30 =	sadd.s32 $0x1000, s29;
	[dreg:$0x4] =	wrdreg s6  }
0xd: {  	s25 =	simm.s32 $0x8;
	v10 =	vor.u32 $0x840, v0;
	v11 =	vor.u32 $0x860, v0;
	v12 =	vor.u32 $0xC00, v0;
	s5 =	sadd.s32 $0x1800, s29;
	[dreg:$0x5] =	wrdreg s30  }
0xe: {  	s26 =	simm.s32 $0x0;
	s9 =	sadd.s32 $0x2000, s0;
	v13 =	vor.u32 $0xC20, v0;
	v14 =	vor.u32 $0xC40, v0;
	v15 =	vor.u32 $0xC60, v0;
	[dreg:$0x6] =	wrdreg s5  }
.LBB2_12:
0xf: {  	s0 =	simm.s32 $0x5  }
0x10: {  	_ =	swait.ge [sflag:s0], $0x2000  }
0x11: {  	[sflag:s0] =	ssyncset.done $0x0  }
0x12: {  	s29 =	simm.s32 $0x6;
	[sflag:s0] =	ssyncadd.s32 $0xFFFFE000  }
0x13: {  	_ =	swait.ge [sflag:s29], $0x2000  }
0x14: {  	[sflag:s29] =	ssyncset.done $0x0  }
0x15: {  	s30 =	simm.s32 $0x7;
	[sflag:s29] =	ssyncadd.s32 $0xFFFFE000  }
0x16: {  	_ =	swait.ge [sflag:s30], $0x2000  }
0x17: {  	[sflag:s30] =	ssyncset.done $0x0  }
0x18: {  	[sflag:s30] =	ssyncadd.s32 $0xFFFFE000  }
0x19: {  	_ =	swait.ge [sflag:s25], $0x2000  }
0x1a: {  	s26 =	sadd.s32 $0x1, s26;
	s31 =	rddreg [dreg:$0x7]  }
0x1b: {  	p0 =	sne.s32 s26, s31  }
.Ltmp1:
0x1c: {  	_ = 	snop;
	(pc) =	sbr.rel @!p0 .LBB2_13-.Ltmp1, $3  }
0x1d: {  	_ =	sdelay $0x1  }
0x1e: {  	[sflag:s25] =	ssyncset.done $0x0  }
0x1f: {  	[sflag:s25] =	ssyncadd.s32 $0xFFFFE000  }
.LBB2_1:
0x20: {  	s0 =	rddreg [dreg:$0x3]  }
0x21: {  	[tilespmem:s3], [sflag:$0x1] =	stream.linear.gather [hbm4b:s0+s3], $0x4000, $0x38;
	[tilespmem:$0x18000] =	vst v63  }
0x22: {  	s29 =	rddreg [dreg:$0x4]  }
0x23: {  	[tilespmem:s11], [sflag:$0x2] =	stream.linear.gather [hbm4b:s29+s3], $0x4000, $0x38;
	[tilespmem:$0x18000] =	vst v63  }
0x24: {  	s30 =	rddreg [dreg:$0x5]  }
0x25: {  	[tilespmem:s12], [sflag:$0x3] =	stream.linear.gather [hbm4b:s30+s3], $0x4000, $0x38;
	[tilespmem:$0x18000] =	vst v63  }
0x26: {  	s31 =	rddreg [dreg:$0x6];
	s28 =	simm.s32 $0x0  }
0x27: {  	[tilespmem:s13], [sflag:$0x4] =	stream.linear.gather [hbm4b:s31+s3], $0x4000, $0x38;
	[tilespmem:$0x18000] =	vst v63  }
.LBB2_2:
0x28: {  	s0 =	simm.s32 $0x0  }
0x29: {  	v16 =	vmov s0  }
0x2a: {  	v17 =	vshll.u32 v16, $0x9;
	v16 =	vshll.u32 v16, $0x7  }
0x2b: {  	v17 =	vand.u32 $0x3000, v17;
	v16 =	vand.u32 $0x380, v16  }
0x2c: {  	_ =	swait.ge [sflag:s14], $0x4000;
	v22 =	vor.u32 v16, v17  }
0x2d: {  	p0 =	seq.s32 s28, $0x0;
	[sflag:s14] =	ssyncset.done $0x0;
	v16 =	vor.u32 v0, v22  }
0x2e: {  	s1 =	simm.s32 @!p0 $0x5;
	[sflag:s14] =	ssyncadd.s32 $0xFFFFC000  }
0x2f: {  	_ =	swait.ge @!p0 [sflag:s1], $0x2000  }
0x30: {  	[sflag:s1] =	ssyncset.done @!p0 $0x0  }
0x31: {  	[sflag:s1] =	ssyncadd.s32 @!p0 $0xFFFFE000  }
0x32: {  	v16 =	vld.idx.msk [tilespmem:v16+s3+$0x0], $0xffff  }
0x33: {  	v17 =	vor.u32 v1, v22;
	_ =	sdelay $0x1  }
0x34: {  	s23 =	sand.u32 $0x1800, s0;
	s0 =	sand.u32 $0x380, s0  }
0x35: {  	s5 =	simm.s32 $0x1;
	s1 =	sor.u32 s0, s23  }
0x36: {  	[tilespmem:s1+$0x10000] =	vst v16;
	v16 =	vmov s5  }
0x37: {  	v17 =	vld.idx.msk [tilespmem:v17+s3+$0x0], $0xffff;
	v18 =	vshll.u32 v16, $0x9;
	v16 =	vshll.u32 v16, $0x7  }
0x38: {  	v19 =	vor.u32 v2, v22;
	v18 =	vand.u32 $0x3000, v18;
	v16 =	vand.u32 $0x380, v16  }
0x39: {  	v18 =	vor.u32 v16, v18  }
0x3a: {  	v16 =	vor.u32 v0, v18;
	_ =	sdelay $0x1  }
0x3b: {  	[tilespmem:s1+$0x10010] =	vst v17  }
0x3c: {  	v17 =	vld.idx.msk [tilespmem:v19+s3+$0x0], $0xffff  }
0x3d: {  	v19 =	vor.u32 v3, v22  }
0x3e: {  	v16 =	vld.idx.msk [tilespmem:v16+s3+$0x0], $0xffff  }
0x3f: {  	v20 =	vor.u32 v1, v18  }
0x40: {  	s24 =	simm.s32 $0x80;
	s6 =	simm.s32 $0x100  }
0x41: {  	s0 =	sand.u32 $0x380, s24;
	s5 =	sand.u32 $0x1800, s6;
	[tilespmem:s1+$0x10020] =	vst v17  }
0x42: {  	s6 =	simm.s32 $0x2;
	s31 =	sor.u32 s0, s5;
	v17 =	vld.idx.msk [tilespmem:v19+s3+$0x0], $0xffff  }
0x43: {  	v19 =	vor.u32 v4, v22;
	[tilespmem:s31+$0x10000] =	vst v16;
	v16 =	vmov s6  }
0x44: {  	v20 =	vld.idx.msk [tilespmem:v20+s3+$0x0], $0xffff;
	v21 =	vshll.u32 v16, $0x9;
	v16 =	vshll.u32 v16, $0x7  }
0x45: {  	v23 =	vor.u32 v2, v18;
	v21 =	vand.u32 $0x3000, v21;
	v16 =	vand.u32 $0x380, v16  }
0x46: {  	v16 =	vor.u32 v16, v21  }
0x47: {  	v21 =	vor.u32 v0, v16;
	[tilespmem:s1+$0x10030] =	vst v17  }
0x48: {  	v17 =	vld.idx.msk [tilespmem:v19+s3+$0x0], $0xffff  }
0x49: {  	v19 =	vor.u32 v5, v22;
	[tilespmem:s31+$0x10010] =	vst v20  }
0x4a: {  	v20 =	vld.idx.msk [tilespmem:v23+s3+$0x0], $0xffff  }
0x4b: {  	v23 =	vor.u32 v3, v18  }
0x4c: {  	v21 =	vld.idx.msk [tilespmem:v21+s3+$0x0], $0xffff  }
0x4d: {  	v24 =	vor.u32 v1, v16;
	[tilespmem:s1+$0x10040] =	vst v17  }
0x4e: {  	s7 =	simm.s32 $0x100;
	s8 =	simm.s32 $0x200;
	v17 =	vld.idx.msk [tilespmem:v19+s3+$0x0], $0xffff  }
0x4f: {  	s10 =	simm.s32 $0x3;
	s5 =	sand.u32 $0x1800, s8;
	s0 =	sand.u32 $0x380, s7;
	v19 =	vor.u32 v6, v22;
	[tilespmem:s31+$0x10020] =	vst v20  }
0x50: {  	s30 =	sor.u32 s0, s5;
	v20 =	vld.idx.msk [tilespmem:v23+s3+$0x0], $0xffff;
	v23 =	vmov s10  }
0x51: {  	[tilespmem:s30+$0x10000] =	vst v21;
	v21 =	vor.u32 v4, v18;
	v25 =	vshll.u32 v23, $0x9;
	v23 =	vshll.u32 v23, $0x7  }
0x52: {  	v24 =	vld.idx.msk [tilespmem:v24+s3+$0x0], $0xffff;
	v25 =	vand.u32 $0x3000, v25;
	v23 =	vand.u32 $0x380, v23  }
0x53: {  	v26 =	vor.u32 v2, v16;
	[tilespmem:s1+$0x10050] =	vst v17;
	v17 =	vor.u32 v23, v25  }
0x54: {  	v19 =	vld.idx.msk [tilespmem:v19+s3+$0x0], $0xffff;
	v23 =	vor.u32 v0, v17  }
0x55: {  	[tilespmem:s31+$0x10030] =	vst v20;
	v20 =	vor.u32 v7, v22  }
0x56: {  	v21 =	vld.idx.msk [tilespmem:v21+s3+$0x0], $0xffff  }
0x57: {  	[tilespmem:s30+$0x10010] =	vst v24;
	v24 =	vor.u32 v5, v18  }
0x58: {  	v25 =	vld.idx.msk [tilespmem:v26+s3+$0x0], $0xffff  }
0x59: {  	v26 =	vor.u32 v3, v16;
	v23 =	vld.idx.msk [tilespmem:v23+s3+$0x0], $0xffff;
	[tilespmem:s1+$0x10060] =	vst v19  }
0x5a: {  	v19 =	vld.idx.msk [tilespmem:v20+s3+$0x0], $0xffff;
	v20 =	vor.u32 v1, v17  }
0x5b: {  	s22 =	simm.s32 $0x180;
	s23 =	simm.s32 $0x300;
	[tilespmem:s31+$0x10040] =	vst v21;
	v21 =	vor.u32 v8, v22  }
0x5c: {  	s5 =	sand.u32 $0x1800, s23;
	s0 =	sand.u32 $0x380, s22;
	v24 =	vld.idx.msk [tilespmem:v24+s3+$0x0], $0xffff  }
0x5d: {  	s24 =	simm.s32 $0x4;
	s0 =	sor.u32 s0, s5;
	[tilespmem:s30+$0x10020] =	vst v25;
	v25 =	vor.u32 v6, v18  }
0x5e: {  	v26 =	vld.idx.msk [tilespmem:v26+s3+$0x0], $0xffff;
	[tilespmem:s0+$0x10000] =	vst v23;
	v23 =	vmov s24  }
0x5f: {  	v27 =	vor.u32 v4, v16;
	v20 =	vld.idx.msk [tilespmem:v20+s3+$0x0], $0xffff;
	[tilespmem:s1+$0x10070] =	vst v19;
	v19 =	vshll.u32 v23, $0x9;
	v23 =	vshll.u32 v23, $0x7  }
0x60: {  	v28 =	vor.u32 v2, v17;
	v21 =	vld.idx.msk [tilespmem:v21+s3+$0x0], $0xffff;
	v19 =	vand.u32 $0x3000, v19;
	v23 =	vand.u32 $0x380, v23  }
0x61: {  	[tilespmem:s31+$0x10050] =	vst v24;
	v19 =	vor.u32 v23, v19;
	v23 =	vor.u32 v9, v22  }
0x62: {  	v24 =	vld.idx.msk [tilespmem:v25+s3+$0x0], $0xffff;
	v25 =	vor.u32 v0, v19  }
0x63: {  	[tilespmem:s30+$0x10030] =	vst v26;
	v26 =	vor.u32 v7, v18  }
0x64: {  	v27 =	vld.idx.msk [tilespmem:v27+s3+$0x0], $0xffff;
	[tilespmem:s0+$0x10010] =	vst v20  }
0x65: {  	v20 =	vld.idx.msk [tilespmem:v28+s3+$0x0], $0xffff;
	v28 =	vor.u32 v5, v16;
	[tilespmem:s1+$0x10400] =	vst v21  }
0x66: {  	v21 =	vld.idx.msk [tilespmem:v23+s3+$0x0], $0xffff;
	v23 =	vor.u32 v3, v17  }
0x67: {  	v25 =	vld.idx.msk [tilespmem:v25+s3+$0x0], $0xffff;
	[tilespmem:s31+$0x10060] =	vst v24;
	v24 =	vor.u32 v10, v22  }
0x68: {  	v29 =	vor.u32 v1, v19;
	v26 =	vld.idx.msk [tilespmem:v26+s3+$0x0], $0xffff  }
0x69: {  	s7 =	simm.s32 $0x200;
	s8 =	simm.s32 $0x400;
	[tilespmem:s30+$0x10040] =	vst v27;
	v27 =	vor.u32 v8, v18  }
0x6a: {  	s5 =	sand.u32 $0x380, s7;
	s6 =	sand.u32 $0x1800, s8;
	v28 =	vld.idx.msk [tilespmem:v28+s3+$0x0], $0xffff;
	[tilespmem:s0+$0x10020] =	vst v20  }
0x6b: {  	s7 =	simm.s32 $0x5;
	s6 =	sor.u32 s5, s6;
	v30 =	vor.u32 v6, v16;
	v23 =	vld.idx.msk [tilespmem:v23+s3+$0x0], $0xffff;
	[tilespmem:s1+$0x10410] =	vst v21  }
0x6c: {  	v20 =	vmov s7;
	[tilespmem:s6+$0x10000] =	vst v25;
	v21 =	vld.idx.msk [tilespmem:v24+s3+$0x0], $0xffff;
	v24 =	vor.u32 v4, v17  }
0x6d: {  	v25 =	vld.idx.msk [tilespmem:v29+s3+$0x0], $0xffff;
	[tilespmem:s31+$0x10070] =	vst v26;
	v26 =	vshll.u32 v20, $0x9;
	v20 =	vshll.u32 v20, $0x7;
	v29 =	vor.u32 v11, v22  }
0x6e: {  	v31 =	vor.u32 v2, v19;
	v27 =	vld.idx.msk [tilespmem:v27+s3+$0x0], $0xffff;
	v26 =	vand.u32 $0x3000, v26;
	v20 =	vand.u32 $0x380, v20  }
0x6f: {  	[tilespmem:s30+$0x10050] =	vst v28;
	v20 =	vor.u32 v20, v26;
	v26 =	vor.u32 v9, v18  }
0x70: {  	v28 =	vld.idx.msk [tilespmem:v30+s3+$0x0], $0xffff;
	v30 =	vor.u32 v0, v20;
	[tilespmem:s0+$0x10030] =	vst v23  }
0x71: {  	v23 =	vld.idx.msk [tilespmem:v24+s3+$0x0], $0xffff;
	v24 =	vor.u32 v7, v16;
	[tilespmem:s1+$0x10420] =	vst v21  }
0x72: {  	[tilespmem:s6+$0x10010] =	vst v25;
	v21 =	vld.idx.msk [tilespmem:v29+s3+$0x0], $0xffff;
	v25 =	vor.u32 v5, v17  }
0x73: {  	v29 =	vld.idx.msk [tilespmem:v31+s3+$0x0], $0xffff;
	[tilespmem:s31+$0x10400] =	vst v27;
	v27 =	vor.u32 v12, v22  }
0x74: {  	v31 =	vor.u32 v3, v19;
	v26 =	vld.idx.msk [tilespmem:v26+s3+$0x0], $0xffff  }
0x75: {  	v30 =	vld.idx.msk [tilespmem:v30+s3+$0x0], $0xffff;
	[tilespmem:s30+$0x10060] =	vst v28;
	v28 =	vor.u32 v10, v18  }
0x76: {  	v32 =	vor.u32 v1, v20;
	v24 =	vld.idx.msk [tilespmem:v24+s3+$0x0], $0xffff;
	[tilespmem:s0+$0x10040] =	vst v23  }
0x77: {  	s22 =	simm.s32 $0x500;
	s10 =	simm.s32 $0x280;
	v23 =	vld.idx.msk [tilespmem:v25+s3+$0x0], $0xffff;
	v25 =	vor.u32 v8, v16;
	[tilespmem:s1+$0x10430] =	vst v21  }
0x78: {  	s5 =	sand.u32 $0x380, s10;
	s7 =	sand.u32 $0x1800, s22;
	[tilespmem:s6+$0x10020] =	vst v29;
	v27 =	vld.idx.msk [tilespmem:v27+s3+$0x0], $0xffff;
	v29 =	vor.u32 v6, v17  }
0x79: {  	s8 =	simm.s32 $0x6;
	s7 =	sor.u32 s5, s7;
	v31 =	vld.idx.msk [tilespmem:v31+s3+$0x0], $0xffff;
	[tilespmem:s31+$0x10410] =	vst v26;
	v26 =	vor.u32 v13, v22  }
0x7a: {  	v21 =	vmov s8;
	[tilespmem:s7+$0x10000] =	vst v30;
	v28 =	vld.idx.msk [tilespmem:v28+s3+$0x0], $0xffff;
	v30 =	vor.u32 v4, v19  }
0x7b: {  	v33 =	vor.u32 v11, v18;
	v32 =	vld.idx.msk [tilespmem:v32+s3+$0x0], $0xffff;
	[tilespmem:s30+$0x10070] =	vst v24;
	v24 =	vshll.u32 v21, $0x9;
	v21 =	vshll.u32 v21, $0x7  }
0x7c: {  	v34 =	vor.u32 v2, v20;
	v25 =	vld.idx.msk [tilespmem:v25+s3+$0x0], $0xffff;
	v24 =	vand.u32 $0x3000, v24;
	v21 =	vand.u32 $0x380, v21;
	[tilespmem:s0+$0x10050] =	vst v23  }
0x7d: {  	v21 =	vor.u32 v21, v24;
	v23 =	vld.idx.msk [tilespmem:v29+s3+$0x0], $0xffff;
	v24 =	vor.u32 v9, v16;
	[tilespmem:s1+$0x10440] =	vst v27  }
0x7e: {  	v27 =	vor.u32 v0, v21;
	[tilespmem:s6+$0x10030] =	vst v31;
	v26 =	vld.idx.msk [tilespmem:v26+s3+$0x0], $0xffff  }
0x7f: {  	v29 =	vld.idx.msk [tilespmem:v30+s3+$0x0], $0xffff;
	v30 =	vor.u32 v7, v17;
	[tilespmem:s31+$0x10420] =	vst v28  }
0x80: {  	v31 =	vor.u32 v14, v22;
	[tilespmem:s7+$0x10010] =	vst v32;
	v28 =	vld.idx.msk [tilespmem:v33+s3+$0x0], $0xffff  }
0x81: {  	v62 =	vor.u32 v5, v19;
	v32 =	vld.idx.msk [tilespmem:v34+s3+$0x0], $0xffff;
	[tilespmem:s30+$0x10400] =	vst v25  }
0x82: {  	v25 =	vor.u32 v12, v18;
	v24 =	vld.idx.msk [tilespmem:v24+s3+$0x0], $0xffff;
	[tilespmem:s0+$0x10060] =	vst v23  }
0x83: {  	v63 =	vor.u32 v3, v20;
	v27 =	vld.idx.msk [tilespmem:v27+s3+$0x0], $0xffff;
	[tilespmem:s1+$0x10450] =	vst v26  }
0x84: {  	v36 =	vor.u32 v10, v16;
	v35 =	vld.idx.msk [tilespmem:v30+s3+$0x0], $0xffff;
	[tilespmem:s6+$0x10040] =	vst v29  }
0x85: {  	v37 =	vor.u32 v1, v21;
	v23 =	vld.idx.msk [tilespmem:v31+s3+$0x0], $0xffff;
	[tilespmem:s31+$0x10430] =	vst v28  }
0x86: {  	s10 =	simm.s32 $0x600;
	s5 =	simm.s32 $0x300;
	v29 =	vld.idx.msk [tilespmem:v62+s3+$0x0], $0xffff;
	v28 =	vor.u32 v8, v17;
	[tilespmem:s7+$0x10020] =	vst v32  }
0x87: {  	s23 =	sand.u32 $0x1800, s10;
	s22 =	sand.u32 $0x380, s5;
	v25 =	vld.idx.msk [tilespmem:v25+s3+$0x0], $0xffff;
	[tilespmem:s30+$0x10410] =	vst v24;
	v24 =	vor.u32 v15, v22  }
0x88: {  	s8 =	sor.u32 s22, s23;
	v30 =	vor.u32 v6, v19;
	v31 =	vld.idx.msk [tilespmem:v63+s3+$0x0], $0xffff  }
0x89: {  	s24 =	sshll.u32 s28, $0x7;
	s23 =	simm.s32 $0x7;
	v26 =	vor.u32 v13, v18;
	[tilespmem:s8+$0x10000] =	vst v27;
	v27 =	vld.idx.msk [tilespmem:v36+s3+$0x0], $0xffff  }
0x8a: {  	s29 =	sor.u32 s4, s24;
	s22 =	simm.s32 $0x8;
	v32 =	vor.u32 v4, v20;
	v22 =	vmov s23;
	v33 =	vld.idx.msk [tilespmem:v37+s3+$0x0], $0xffff;
	[tilespmem:s0+$0x10070] =	vst v35  }
.LBB2_3:
0x8b: {  	p1 =	sne.s32 s22, $0x1F;
	v34 =	vshll.u32 v22, $0x9;
	v22 =	vshll.u32 v22, $0x7;
	v28 =	vld.idx.msk [tilespmem:v28+s3+$0x0], $0xffff;
	v35 =	vor.u32 v11, v16;
	[tilespmem:s1+$0x10460] =	vst v23  }
0x8c: {  	v23 =	vand.u32 $0x3000, v34;
	v22 =	vand.u32 $0x380, v22;
	v34 =	vor.u32 v2, v21;
	[tilespmem:s6+$0x10050] =	vst v29;
	v24 =	vld.idx.msk [tilespmem:v24+s3+$0x0], $0xffff  }
0x8d: {  	v29 =	vor.u32 v9, v17;
	v22 =	vor.u32 v22, v23;
	v23 =	vld.idx.msk [tilespmem:v30+s3+$0x0], $0xffff;
	[tilespmem:s31+$0x10440] =	vst v25  }
0x8e: {  	v25 =	vor.u32 v0, v22;
	[tilespmem:s7+$0x10030] =	vst v31;
	v26 =	vld.idx.msk [tilespmem:v26+s3+$0x0], $0xffff  }
0x8f: {  	v31 =	vor.u32 v7, v19;
	v30 =	vld.idx.msk [tilespmem:v32+s3+$0x0], $0xffff;
	[tilespmem:s30+$0x10420] =	vst v27  }
0x90: {  	v32 =	vor.u32 v14, v18;
	[tilespmem:s8+$0x10010] =	vst v33;
	v27 =	vld.idx.msk [tilespmem:v35+s3+$0x0], $0xffff  }
0x91: {  	v33 =	vld.idx.msk [tilespmem:v34+s3+$0x0], $0xffff;
	v34 =	vor.u32 v5, v20;
	[tilespmem:s0+$0x10400] =	vst v28  }
0x92: {  	v36 =	vor.u32 v12, v16;
	v35 =	vld.idx.msk [tilespmem:v29+s3+$0x0], $0xffff;
	[tilespmem:s1+$0x10470] =	vst v24;
	s1 =	smov.u32 s31;
	s31 =	smov.u32 s30;
	s30 =	smov.u32 s0  }
0x93: {  	v38 =	vor.u32 v3, v21;
	s0 =	smov.u32 s6;
	v37 =	vld.idx.msk [tilespmem:v25+s3+$0x0], $0xffff;
	[tilespmem:s6+$0x10060] =	vst v23;
	s6 =	smov.u32 s7;
	s7 =	smov.u32 s8  }
0x94: {  	v40 =	vor.u32 v10, v17;
	v39 =	vld.idx.msk [tilespmem:v31+s3+$0x0], $0xffff;
	[tilespmem:s1+$0x10450] =	vst v26  }
0x95: {  	v41 =	vor.u32 v1, v22;
	[tilespmem:s6+$0x10040] =	vst v30;
	v23 =	vld.idx.msk [tilespmem:v32+s3+$0x0], $0xffff  }
.Ltmp2:
0x96: {  	s5 =	sadd.s32 $0x80, s5;
	s10 =	sadd.s32 $0x100, s10;
	v28 =	vor.u32 v8, v19;
	v29 =	vld.idx.msk [tilespmem:v34+s3+$0x0], $0xffff;
	[tilespmem:s31+$0x10430] =	vst v27;
	(pc) =	sbr.rel @p1 .LBB2_3-.Ltmp2, $4  }
0x97: {  	s23 =	sand.u32 $0x380, s5;
	v24 =	vor.u32 v15, v18;
	v18 =	vmovc v16;
	v16 =	vmov v17;
	v17 =	vmov v19;
	s8 =	sand.u32 $0x1800, s10;
	[tilespmem:s7+$0x10020] =	vst v33;
	v25 =	vld.idx.msk [tilespmem:v36+s3+$0x0], $0xffff  }
0x98: {  	v19 =	vmovc v20;
	s8 =	sor.u32 s23, s8;
	v30 =	vor.u32 v6, v20;
	v20 =	vmov v21;
	v21 =	vmov v22;
	v31 =	vld.idx.msk [tilespmem:v38+s3+$0x0], $0xffff;
	[tilespmem:s30+$0x10410] =	vst v35  }
0x99: {  	v26 =	vor.u32 v13, v18;
	[tilespmem:s8+$0x10000] =	vst v37;
	v27 =	vld.idx.msk [tilespmem:v40+s3+$0x0], $0xffff  }
0x9a: {  	v22 =	vmov s22;
	s22 =	sadd.s32 $0x1, s22;
	v32 =	vor.u32 v4, v20;
	v33 =	vld.idx.msk [tilespmem:v41+s3+$0x0], $0xffff;
	[tilespmem:s0+$0x10070] =	vst v39  }
0x9b: {  	v34 =	vshll.u32 v22, $0x9;
	v22 =	vshll.u32 v22, $0x7  }
0x9c: {  	v34 =	vand.u32 $0x3000, v34;
	v22 =	vand.u32 $0x380, v22  }
0x9d: {  	v22 =	vor.u32 v22, v34  }
0x9e: {  	v34 =	vor.u32 v0, v22;
	_ =	sdelay $0x4  }
0x9f: {  	v34 =	vld.idx.msk [tilespmem:v34+s3+$0x0], $0xffff  }
0xa0: {  	v35 =	vor.u32 v1, v22  }
0xa1: {  	s5 =	sadd.s32 $0x80, s5;
	s10 =	sadd.s32 $0x100, s10  }
0xa2: {  	s10 =	sand.u32 $0x1800, s10;
	s5 =	sand.u32 $0x380, s5  }
0xa3: {  	s10 =	sor.u32 s5, s10  }
0xa4: {  	[tilespmem:s10+$0x10000] =	vst v34  }
0xa5: {  	v61 =	vor.u32 v2, v21;
	v35 =	vld.idx.msk [tilespmem:v35+s3+$0x0], $0xffff  }
0xa6: {  	v36 =	vor.u32 v2, v22;
	_ =	sdelay $0x2  }
0xa7: {  	[tilespmem:s8+$0x10010] =	vst v33  }
0xa8: {  	v33 =	vld.idx.msk [tilespmem:v61+s3+$0x0], $0xffff;
	[tilespmem:s10+$0x10010] =	vst v35  }
0xa9: {  	v62 =	vor.u32 v3, v21;
	v35 =	vld.idx.msk [tilespmem:v36+s3+$0x0], $0xffff  }
0xaa: {  	v63 =	vor.u32 v3, v22;
	_ =	sdelay $0x2  }
0xab: {  	[tilespmem:s8+$0x10020] =	vst v33  }
0xac: {  	v33 =	vld.idx.msk [tilespmem:v62+s3+$0x0], $0xffff;
	[tilespmem:s10+$0x10020] =	vst v35  }
0xad: {  	v40 =	vor.u32 v4, v21;
	v35 =	vld.idx.msk [tilespmem:v63+s3+$0x0], $0xffff  }
0xae: {  	v41 =	vor.u32 v4, v22;
	_ =	sdelay $0x1  }
0xaf: {  	[tilespmem:s7+$0x10030] =	vst v31  }
0xb0: {  	v31 =	vld.idx.msk [tilespmem:v32+s3+$0x0], $0xffff;
	[tilespmem:s8+$0x10030] =	vst v33  }
0xb1: {  	v42 =	vor.u32 v5, v20;
	v33 =	vld.idx.msk [tilespmem:v40+s3+$0x0], $0xffff;
	[tilespmem:s10+$0x10030] =	vst v35  }
0xb2: {  	v43 =	vor.u32 v5, v21;
	v35 =	vld.idx.msk [tilespmem:v41+s3+$0x0], $0xffff  }
0xb3: {  	v44 =	vor.u32 v5, v22;
	_ =	sdelay $0x1  }
0xb4: {  	[tilespmem:s7+$0x10040] =	vst v31  }
0xb5: {  	v31 =	vld.idx.msk [tilespmem:v42+s3+$0x0], $0xffff;
	[tilespmem:s8+$0x10040] =	vst v33  }
0xb6: {  	v45 =	vor.u32 v6, v20;
	v33 =	vld.idx.msk [tilespmem:v43+s3+$0x0], $0xffff;
	[tilespmem:s10+$0x10040] =	vst v35  }
0xb7: {  	v46 =	vor.u32 v6, v21;
	v35 =	vld.idx.msk [tilespmem:v44+s3+$0x0], $0xffff  }
0xb8: {  	v47 =	vor.u32 v6, v22  }
0xb9: {  	[tilespmem:s6+$0x10050] =	vst v29  }
0xba: {  	v29 =	vld.idx.msk [tilespmem:v30+s3+$0x0], $0xffff;
	[tilespmem:s7+$0x10050] =	vst v31  }
0xbb: {  	v30 =	vor.u32 v7, v19;
	v31 =	vld.idx.msk [tilespmem:v45+s3+$0x0], $0xffff;
	[tilespmem:s8+$0x10050] =	vst v33  }
0xbc: {  	v48 =	vor.u32 v7, v20;
	v33 =	vld.idx.msk [tilespmem:v46+s3+$0x0], $0xffff;
	[tilespmem:s10+$0x10050] =	vst v35  }
0xbd: {  	[tilespmem:s1+$0x10460] =	vst v23;
	v23 =	vor.u32 v7, v21;
	v49 =	vld.idx.msk [tilespmem:v47+s3+$0x0], $0xffff  }
0xbe: {  	[tilespmem:s31+$0x10440] =	vst v25;
	v25 =	vor.u32 v7, v22  }
0xbf: {  	v28 =	vld.idx.msk [tilespmem:v28+s3+$0x0], $0xffff;
	[tilespmem:s6+$0x10060] =	vst v29  }
0xc0: {  	v29 =	vld.idx.msk [tilespmem:v30+s3+$0x0], $0xffff;
	[tilespmem:s7+$0x10060] =	vst v31  }
0xc1: {  	v30 =	vor.u32 v8, v19;
	v31 =	vld.idx.msk [tilespmem:v48+s3+$0x0], $0xffff;
	[tilespmem:s8+$0x10060] =	vst v33  }
0xc2: {  	v50 =	vor.u32 v8, v20;
	v23 =	vld.idx.msk [tilespmem:v23+s3+$0x0], $0xffff;
	[tilespmem:s10+$0x10060] =	vst v49  }
0xc3: {  	[tilespmem:s30+$0x10420] =	vst v27;
	v27 =	vor.u32 v8, v21;
	v25 =	vld.idx.msk [tilespmem:v25+s3+$0x0], $0xffff  }
0xc4: {  	v24 =	vld.idx.msk [tilespmem:v24+s3+$0x0], $0xffff;
	[tilespmem:s0+$0x10400] =	vst v28;
	v28 =	vor.u32 v8, v22  }
0xc5: {  	v26 =	vld.idx.msk [tilespmem:v26+s3+$0x0], $0xffff;
	[tilespmem:s6+$0x10070] =	vst v29;
	v29 =	vor.u32 v9, v17  }
0xc6: {  	v51 =	vor.u32 v11, v16;
	v30 =	vld.idx.msk [tilespmem:v30+s3+$0x0], $0xffff;
	[tilespmem:s7+$0x10070] =	vst v31  }
0xc7: {  	v31 =	vor.u32 v9, v19;
	v32 =	vld.idx.msk [tilespmem:v50+s3+$0x0], $0xffff;
	[tilespmem:s8+$0x10070] =	vst v23  }
0xc8: {  	v23 =	vor.u32 v9, v20;
	v27 =	vld.idx.msk [tilespmem:v27+s3+$0x0], $0xffff;
	[tilespmem:s10+$0x10070] =	vst v25  }
0xc9: {  	[tilespmem:s1+$0x10470] =	vst v24;
	v24 =	vor.u32 v9, v21;
	v25 =	vld.idx.msk [tilespmem:v28+s3+$0x0], $0xffff  }
0xca: {  	[tilespmem:s31+$0x10450] =	vst v26;
	v26 =	vor.u32 v9, v22;
	v29 =	vld.idx.msk [tilespmem:v29+s3+$0x0], $0xffff  }
0xcb: {  	v52 =	vor.u32 v14, v18;
	[tilespmem:s6+$0x10400] =	vst v30;
	v28 =	vld.idx.msk [tilespmem:v51+s3+$0x0], $0xffff  }
0xcc: {  	v30 =	vor.u32 v10, v17;
	v31 =	vld.idx.msk [tilespmem:v31+s3+$0x0], $0xffff;
	[tilespmem:s7+$0x10400] =	vst v32  }
0xcd: {  	v53 =	vor.u32 v10, v19;
	v23 =	vld.idx.msk [tilespmem:v23+s3+$0x0], $0xffff;
	[tilespmem:s8+$0x10400] =	vst v27  }
0xce: {  	v27 =	vor.u32 v10, v20;
	v24 =	vld.idx.msk [tilespmem:v24+s3+$0x0], $0xffff;
	[tilespmem:s10+$0x10400] =	vst v25  }
0xcf: {  	[tilespmem:s0+$0x10410] =	vst v29;
	v25 =	vor.u32 v10, v21;
	v26 =	vld.idx.msk [tilespmem:v26+s3+$0x0], $0xffff  }
0xd0: {  	v29 =	vor.u32 v10, v22;
	[tilespmem:s30+$0x10430] =	vst v28;
	v28 =	vld.idx.msk [tilespmem:v52+s3+$0x0], $0xffff  }
0xd1: {  	v54 =	vor.u32 v12, v16;
	v30 =	vld.idx.msk [tilespmem:v30+s3+$0x0], $0xffff;
	[tilespmem:s6+$0x10410] =	vst v31  }
0xd2: {  	v31 =	vor.u32 v11, v17;
	v32 =	vld.idx.msk [tilespmem:v53+s3+$0x0], $0xffff;
	[tilespmem:s7+$0x10410] =	vst v23  }
0xd3: {  	v23 =	vor.u32 v11, v19;
	v27 =	vld.idx.msk [tilespmem:v27+s3+$0x0], $0xffff;
	[tilespmem:s8+$0x10410] =	vst v24  }
0xd4: {  	v24 =	vor.u32 v11, v20;
	v25 =	vld.idx.msk [tilespmem:v25+s3+$0x0], $0xffff;
	[tilespmem:s10+$0x10410] =	vst v26  }
0xd5: {  	[tilespmem:s31+$0x10460] =	vst v28;
	v26 =	vor.u32 v11, v21;
	v28 =	vld.idx.msk [tilespmem:v29+s3+$0x0], $0xffff  }
0xd6: {  	[tilespmem:s0+$0x10420] =	vst v30;
	v30 =	vor.u32 v11, v22;
	v29 =	vld.idx.msk [tilespmem:v54+s3+$0x0], $0xffff  }
0xd7: {  	v18 =	vor.u32 v15, v18;
	v31 =	vld.idx.msk [tilespmem:v31+s3+$0x0], $0xffff;
	[tilespmem:s6+$0x10420] =	vst v32  }
0xd8: {  	v55 =	vor.u32 v12, v17;
	v23 =	vld.idx.msk [tilespmem:v23+s3+$0x0], $0xffff;
	[tilespmem:s7+$0x10420] =	vst v27  }
0xd9: {  	v27 =	vor.u32 v12, v19;
	v24 =	vld.idx.msk [tilespmem:v24+s3+$0x0], $0xffff;
	[tilespmem:s8+$0x10420] =	vst v25  }
0xda: {  	v25 =	vor.u32 v12, v20;
	v26 =	vld.idx.msk [tilespmem:v26+s3+$0x0], $0xffff;
	[tilespmem:s10+$0x10420] =	vst v28  }
0xdb: {  	[tilespmem:s30+$0x10440] =	vst v29;
	v28 =	vor.u32 v12, v21;
	v29 =	vld.idx.msk [tilespmem:v30+s3+$0x0], $0xffff  }
0xdc: {  	[tilespmem:s0+$0x10430] =	vst v31;
	v18 =	vld.idx.msk [tilespmem:v18+s3+$0x0], $0xffff;
	v30 =	vor.u32 v12, v22  }
0xdd: {  	v31 =	vor.u32 v13, v16;
	v32 =	vld.idx.msk [tilespmem:v55+s3+$0x0], $0xffff;
	[tilespmem:s6+$0x10430] =	vst v23  }
0xde: {  	v23 =	vor.u32 v13, v17;
	v27 =	vld.idx.msk [tilespmem:v27+s3+$0x0], $0xffff;
	[tilespmem:s7+$0x10430] =	vst v24  }
0xdf: {  	v24 =	vor.u32 v13, v19;
	v25 =	vld.idx.msk [tilespmem:v25+s3+$0x0], $0xffff;
	[tilespmem:s8+$0x10430] =	vst v26  }
0xe0: {  	v26 =	vor.u32 v13, v20;
	v28 =	vld.idx.msk [tilespmem:v28+s3+$0x0], $0xffff;
	[tilespmem:s10+$0x10430] =	vst v29  }
0xe1: {  	[tilespmem:s31+$0x10470] =	vst v18;
	v18 =	vor.u32 v13, v21;
	v29 =	vld.idx.msk [tilespmem:v30+s3+$0x0], $0xffff  }
0xe2: {  	[tilespmem:s0+$0x10440] =	vst v32;
	v30 =	vld.idx.msk [tilespmem:v31+s3+$0x0], $0xffff;
	v31 =	vor.u32 v13, v22  }
0xe3: {  	v56 =	vor.u32 v14, v16;
	v23 =	vld.idx.msk [tilespmem:v23+s3+$0x0], $0xffff;
	[tilespmem:s6+$0x10440] =	vst v27  }
0xe4: {  	v27 =	vor.u32 v14, v17;
	v24 =	vld.idx.msk [tilespmem:v24+s3+$0x0], $0xffff;
	[tilespmem:s7+$0x10440] =	vst v25  }
0xe5: {  	v25 =	vor.u32 v14, v19;
	v26 =	vld.idx.msk [tilespmem:v26+s3+$0x0], $0xffff;
	[tilespmem:s8+$0x10440] =	vst v28  }
0xe6: {  	v28 =	vor.u32 v14, v20;
	v18 =	vld.idx.msk [tilespmem:v18+s3+$0x0], $0xffff;
	[tilespmem:s10+$0x10440] =	vst v29  }
0xe7: {  	[tilespmem:s30+$0x10450] =	vst v30;
	v29 =	vor.u32 v14, v21;
	v30 =	vld.idx.msk [tilespmem:v31+s3+$0x0], $0xffff  }
0xe8: {  	[tilespmem:s0+$0x10450] =	vst v23;
	v23 =	vor.u32 v14, v22;
	v31 =	vld.idx.msk [tilespmem:v56+s3+$0x0], $0xffff  }
0xe9: {  	v16 =	vor.u32 v15, v16;
	v27 =	vld.idx.msk [tilespmem:v27+s3+$0x0], $0xffff;
	[tilespmem:s6+$0x10450] =	vst v24  }
0xea: {  	v17 =	vor.u32 v15, v17;
	v24 =	vld.idx.msk [tilespmem:v25+s3+$0x0], $0xffff;
	[tilespmem:s7+$0x10450] =	vst v26  }
0xeb: {  	v19 =	vor.u32 v15, v19;
	v25 =	vld.idx.msk [tilespmem:v28+s3+$0x0], $0xffff;
	[tilespmem:s8+$0x10450] =	vst v18  }
0xec: {  	v18 =	vor.u32 v15, v20;
	v20 =	vld.idx.msk [tilespmem:v29+s3+$0x0], $0xffff;
	[tilespmem:s10+$0x10450] =	vst v30  }
0xed: {  	v21 =	vor.u32 v15, v21;
	[tilespmem:s30+$0x10460] =	vst v31;
	v23 =	vld.idx.msk [tilespmem:v23+s3+$0x0], $0xffff  }
0xee: {  	[tilespmem:s0+$0x10460] =	vst v27;
	v22 =	vor.u32 v15, v22;
	v16 =	vld.idx.msk [tilespmem:v16+s3+$0x0], $0xffff  }
0xef: {  	v17 =	vld.idx.msk [tilespmem:v17+s3+$0x0], $0xffff;
	[tilespmem:s6+$0x10460] =	vst v24  }
0xf0: {  	v19 =	vld.idx.msk [tilespmem:v19+s3+$0x0], $0xffff;
	[tilespmem:s7+$0x10460] =	vst v25  }
0xf1: {  	v18 =	vld.idx.msk [tilespmem:v18+s3+$0x0], $0xffff;
	[tilespmem:s8+$0x10460] =	vst v20  }
0xf2: {  	v20 =	vld.idx.msk [tilespmem:v21+s3+$0x0], $0xffff;
	[tilespmem:s10+$0x10460] =	vst v23  }
0xf3: {  	[tilespmem:s30+$0x10470] =	vst v16;
	v16 =	vld.idx.msk [tilespmem:v22+s3+$0x0], $0xffff  }
0xf4: {  	[tilespmem:s0+$0x10470] =	vst v17  }
0xf5: {  	[tilespmem:s6+$0x10470] =	vst v19  }
0xf6: {  	[tilespmem:s7+$0x10470] =	vst v18  }
0xf7: {  	s23 =	sshll.u32 s29, $0x5;
	p1 =	seq.s32 s28, $0x3;
	[tilespmem:s8+$0x10470] =	vst v20  }
0xf8: {  	s24 =	simm.s32 $0x0;
	s1 =	sshll.u32 @!p1 s29, $0x6;
	s0 =	sadd.s32 s2, s23;
	[tilespmem:s10+$0x10470] =	vst v16  }
0xf9: {  	v16 =	vmov s24;
	[hbm4b:s0+s3] =	stream.linear.scatter [tilespmem:s15], [sflag:$0x5], $0x2000, $0x38;
	[tilespmem:$0x18000] =	vst v63  }
0xfa: {  	s5 =	simm.s32 @!p1 $0x0;
	s1 =	sadd.s32 @!p1 s1, s9;
	v17 =	vshll.u32 v16, $0x9;
	v16 =	vshll.u32 v16, $0x7  }
0xfb: {  	v17 =	vand.u32 $0x3000, v17;
	v16 =	vand.u32 $0x380, v16;
	[tilespmem:s5], [sflag:$0x1] =	stream.linear.gather @!p1 [hbm4b:s1+s5], $0x4000, $0x38;
	[tilespmem:$0x18000] =	vst v63  }
0xfc: {  	v22 =	vor.u32 v16, v17;
	_ =	swait.ge [sflag:s16], $0x4000  }
0xfd: {  	v16 =	vor.u32 v0, v22;
	[sflag:s16] =	ssyncset.done $0x0  }
0xfe: {  	s1 =	simm.s32 @!p0 $0x6;
	[sflag:s16] =	ssyncadd.s32 $0xFFFFC000  }
0xff: {  	_ =	swait.ge @!p0 [sflag:s1], $0x2000  }
0x100: {  	[sflag:s1] =	ssyncset.done @!p0 $0x0  }
0x101: {  	[sflag:s1] =	ssyncadd.s32 @!p0 $0xFFFFE000  }
0x102: {  	v16 =	vld.idx.msk [tilespmem:v16+s11+$0x0], $0xffff  }
0x103: {  	v17 =	vor.u32 v1, v22;
	_ =	sdelay $0x1  }
0x104: {  	s0 =	sand.u32 $0x380, s24;
	s5 =	sand.u32 $0x1800, s24  }
0x105: {  	s6 =	simm.s32 $0x1;
	s1 =	sor.u32 s0, s5  }
0x106: {  	[tilespmem:s1+$0x12000] =	vst v16;
	v16 =	vmov s6  }
0x107: {  	v17 =	vld.idx.msk [tilespmem:v17+s11+$0x0], $0xffff;
	v18 =	vshll.u32 v16, $0x9;
	v16 =	vshll.u32 v16, $0x7  }
0x108: {  	v19 =	vor.u32 v2, v22;
	v18 =	vand.u32 $0x3000, v18;
	v16 =	vand.u32 $0x380, v16  }
0x109: {  	v18 =	vor.u32 v16, v18  }
0x10a: {  	v16 =	vor.u32 v0, v18;
	_ =	sdelay $0x1  }
0x10b: {  	[tilespmem:s1+$0x12010] =	vst v17  }
0x10c: {  	v17 =	vld.idx.msk [tilespmem:v19+s11+$0x0], $0xffff  }
0x10d: {  	v19 =	vor.u32 v3, v22  }
0x10e: {  	v16 =	vld.idx.msk [tilespmem:v16+s11+$0x0], $0xffff  }
0x10f: {  	v20 =	vor.u32 v1, v18  }
0x110: {  	s7 =	simm.s32 $0x80;
	s8 =	simm.s32 $0x100  }
0x111: {  	s5 =	sand.u32 $0x1800, s8;
	s0 =	sand.u32 $0x380, s7;
	[tilespmem:s1+$0x12020] =	vst v17  }
0x112: {  	s10 =	simm.s32 $0x2;
	s31 =	sor.u32 s0, s5;
	v17 =	vld.idx.msk [tilespmem:v19+s11+$0x0], $0xffff  }
0x113: {  	v19 =	vor.u32 v4, v22;
	[tilespmem:s31+$0x12000] =	vst v16;
	v16 =	vmov s10  }
0x114: {  	v20 =	vld.idx.msk [tilespmem:v20+s11+$0x0], $0xffff;
	v21 =	vshll.u32 v16, $0x9;
	v16 =	vshll.u32 v16, $0x7  }
0x115: {  	v23 =	vor.u32 v2, v18;
	v21 =	vand.u32 $0x3000, v21;
	v16 =	vand.u32 $0x380, v16  }
0x116: {  	v16 =	vor.u32 v16, v21  }
0x117: {  	v21 =	vor.u32 v0, v16;
	[tilespmem:s1+$0x12030] =	vst v17  }
0x118: {  	v17 =	vld.idx.msk [tilespmem:v19+s11+$0x0], $0xffff  }
0x119: {  	v19 =	vor.u32 v5, v22;
	[tilespmem:s31+$0x12010] =	vst v20  }
0x11a: {  	v20 =	vld.idx.msk [tilespmem:v23+s11+$0x0], $0xffff  }
0x11b: {  	v23 =	vor.u32 v3, v18  }
0x11c: {  	v21 =	vld.idx.msk [tilespmem:v21+s11+$0x0], $0xffff  }
0x11d: {  	v24 =	vor.u32 v1, v16;
	[tilespmem:s1+$0x12040] =	vst v17  }
0x11e: {  	s22 =	simm.s32 $0x100;
	s23 =	simm.s32 $0x200;
	v17 =	vld.idx.msk [tilespmem:v19+s11+$0x0], $0xffff  }
0x11f: {  	s24 =	simm.s32 $0x3;
	s5 =	sand.u32 $0x1800, s23;
	s0 =	sand.u32 $0x380, s22;
	v19 =	vor.u32 v6, v22;
	[tilespmem:s31+$0x12020] =	vst v20  }
0x120: {  	s30 =	sor.u32 s0, s5;
	v20 =	vld.idx.msk [tilespmem:v23+s11+$0x0], $0xffff;
	v23 =	vmov s24  }
0x121: {  	[tilespmem:s30+$0x12000] =	vst v21;
	v21 =	vor.u32 v4, v18;
	v25 =	vshll.u32 v23, $0x9;
	v23 =	vshll.u32 v23, $0x7  }
0x122: {  	v24 =	vld.idx.msk [tilespmem:v24+s11+$0x0], $0xffff;
	v25 =	vand.u32 $0x3000, v25;
	v23 =	vand.u32 $0x380, v23  }
0x123: {  	v26 =	vor.u32 v2, v16;
	[tilespmem:s1+$0x12050] =	vst v17;
	v17 =	vor.u32 v23, v25  }
0x124: {  	v19 =	vld.idx.msk [tilespmem:v19+s11+$0x0], $0xffff;
	v23 =	vor.u32 v0, v17  }
0x125: {  	[tilespmem:s31+$0x12030] =	vst v20;
	v20 =	vor.u32 v7, v22  }
0x126: {  	v21 =	vld.idx.msk [tilespmem:v21+s11+$0x0], $0xffff  }
0x127: {  	[tilespmem:s30+$0x12010] =	vst v24;
	v24 =	vor.u32 v5, v18  }
0x128: {  	v25 =	vld.idx.msk [tilespmem:v26+s11+$0x0], $0xffff  }
0x129: {  	v26 =	vor.u32 v3, v16;
	v23 =	vld.idx.msk [tilespmem:v23+s11+$0x0], $0xffff;
	[tilespmem:s1+$0x12060] =	vst v19  }
0x12a: {  	v19 =	vld.idx.msk [tilespmem:v20+s11+$0x0], $0xffff;
	v20 =	vor.u32 v1, v17  }
0x12b: {  	s7 =	simm.s32 $0x180;
	s8 =	simm.s32 $0x300;
	[tilespmem:s31+$0x12040] =	vst v21;
	v21 =	vor.u32 v8, v22  }
0x12c: {  	s5 =	sand.u32 $0x1800, s8;
	s0 =	sand.u32 $0x380, s7;
	v24 =	vld.idx.msk [tilespmem:v24+s11+$0x0], $0xffff  }
0x12d: {  	s0 =	sor.u32 s0, s5;
	s10 =	simm.s32 $0x4;
	[tilespmem:s30+$0x12020] =	vst v25;
	v25 =	vor.u32 v6, v18  }
0x12e: {  	v26 =	vld.idx.msk [tilespmem:v26+s11+$0x0], $0xffff;
	[tilespmem:s0+$0x12000] =	vst v23;
	v23 =	vmov s10  }
0x12f: {  	v27 =	vor.u32 v4, v16;
	v20 =	vld.idx.msk [tilespmem:v20+s11+$0x0], $0xffff;
	[tilespmem:s1+$0x12070] =	vst v19;
	v19 =	vshll.u32 v23, $0x9;
	v23 =	vshll.u32 v23, $0x7  }
0x130: {  	v28 =	vor.u32 v2, v17;
	v21 =	vld.idx.msk [tilespmem:v21+s11+$0x0], $0xffff;
	v19 =	vand.u32 $0x3000, v19;
	v23 =	vand.u32 $0x380, v23  }
0x131: {  	[tilespmem:s31+$0x12050] =	vst v24;
	v19 =	vor.u32 v23, v19;
	v23 =	vor.u32 v9, v22  }
0x132: {  	v24 =	vld.idx.msk [tilespmem:v25+s11+$0x0], $0xffff;
	v25 =	vor.u32 v0, v19  }
0x133: {  	[tilespmem:s30+$0x12030] =	vst v26;
	v26 =	vor.u32 v7, v18  }
0x134: {  	v27 =	vld.idx.msk [tilespmem:v27+s11+$0x0], $0xffff;
	[tilespmem:s0+$0x12010] =	vst v20  }
0x135: {  	v20 =	vld.idx.msk [tilespmem:v28+s11+$0x0], $0xffff;
	v28 =	vor.u32 v5, v16;
	[tilespmem:s1+$0x12400] =	vst v21  }
0x136: {  	v21 =	vld.idx.msk [tilespmem:v23+s11+$0x0], $0xffff;
	v23 =	vor.u32 v3, v17  }
0x137: {  	v25 =	vld.idx.msk [tilespmem:v25+s11+$0x0], $0xffff;
	[tilespmem:s31+$0x12060] =	vst v24;
	v24 =	vor.u32 v10, v22  }
0x138: {  	v29 =	vor.u32 v1, v19;
	v26 =	vld.idx.msk [tilespmem:v26+s11+$0x0], $0xffff  }
0x139: {  	s22 =	simm.s32 $0x200;
	s23 =	simm.s32 $0x400;
	[tilespmem:s30+$0x12040] =	vst v27;
	v27 =	vor.u32 v8, v18  }
0x13a: {  	s5 =	sand.u32 $0x380, s22;
	s6 =	sand.u32 $0x1800, s23;
	v28 =	vld.idx.msk [tilespmem:v28+s11+$0x0], $0xffff;
	[tilespmem:s0+$0x12020] =	vst v20  }
0x13b: {  	s6 =	sor.u32 s5, s6;
	v30 =	vor.u32 v6, v16;
	s24 =	simm.s32 $0x5;
	v23 =	vld.idx.msk [tilespmem:v23+s11+$0x0], $0xffff;
	[tilespmem:s1+$0x12410] =	vst v21  }
0x13c: {  	v20 =	vmov s24;
	[tilespmem:s6+$0x12000] =	vst v25;
	v21 =	vld.idx.msk [tilespmem:v24+s11+$0x0], $0xffff;
	v24 =	vor.u32 v4, v17  }
0x13d: {  	v25 =	vld.idx.msk [tilespmem:v29+s11+$0x0], $0xffff;
	[tilespmem:s31+$0x12070] =	vst v26;
	v26 =	vshll.u32 v20, $0x9;
	v20 =	vshll.u32 v20, $0x7;
	v29 =	vor.u32 v11, v22  }
0x13e: {  	v31 =	vor.u32 v2, v19;
	v27 =	vld.idx.msk [tilespmem:v27+s11+$0x0], $0xffff;
	v26 =	vand.u32 $0x3000, v26;
	v20 =	vand.u32 $0x380, v20  }
0x13f: {  	[tilespmem:s30+$0x12050] =	vst v28;
	v20 =	vor.u32 v20, v26;
	v26 =	vor.u32 v9, v18  }
0x140: {  	v28 =	vld.idx.msk [tilespmem:v30+s11+$0x0], $0xffff;
	v30 =	vor.u32 v0, v20;
	[tilespmem:s0+$0x12030] =	vst v23  }
0x141: {  	v23 =	vld.idx.msk [tilespmem:v24+s11+$0x0], $0xffff;
	v24 =	vor.u32 v7, v16;
	[tilespmem:s1+$0x12420] =	vst v21  }
0x142: {  	[tilespmem:s6+$0x12010] =	vst v25;
	v21 =	vld.idx.msk [tilespmem:v29+s11+$0x0], $0xffff;
	v25 =	vor.u32 v5, v17  }
0x143: {  	v29 =	vld.idx.msk [tilespmem:v31+s11+$0x0], $0xffff;
	[tilespmem:s31+$0x12400] =	vst v27;
	v27 =	vor.u32 v12, v22  }
0x144: {  	v31 =	vor.u32 v3, v19;
	v26 =	vld.idx.msk [tilespmem:v26+s11+$0x0], $0xffff  }
0x145: {  	v30 =	vld.idx.msk [tilespmem:v30+s11+$0x0], $0xffff;
	[tilespmem:s30+$0x12060] =	vst v28;
	v28 =	vor.u32 v10, v18  }
0x146: {  	v57 =	vor.u32 v1, v20;
	v24 =	vld.idx.msk [tilespmem:v24+s11+$0x0], $0xffff;
	[tilespmem:s0+$0x12040] =	vst v23  }
0x147: {  	s8 =	simm.s32 $0x280;
	s10 =	simm.s32 $0x500;
	v23 =	vld.idx.msk [tilespmem:v25+s11+$0x0], $0xffff;
	v25 =	vor.u32 v8, v16;
	[tilespmem:s1+$0x12430] =	vst v21  }
0x148: {  	s5 =	sand.u32 $0x380, s8;
	s7 =	sand.u32 $0x1800, s10;
	[tilespmem:s6+$0x12020] =	vst v29;
	v27 =	vld.idx.msk [tilespmem:v27+s11+$0x0], $0xffff;
	v29 =	vor.u32 v6, v17  }
0x149: {  	s22 =	simm.s32 $0x6;
	s7 =	sor.u32 s5, s7;
	v31 =	vld.idx.msk [tilespmem:v31+s11+$0x0], $0xffff;
	[tilespmem:s31+$0x12410] =	vst v26;
	v26 =	vor.u32 v13, v22  }
0x14a: {  	v21 =	vmov s22;
	[tilespmem:s7+$0x12000] =	vst v30;
	v28 =	vld.idx.msk [tilespmem:v28+s11+$0x0], $0xffff;
	v30 =	vor.u32 v4, v19  }
0x14b: {  	v58 =	vor.u32 v11, v18;
	v32 =	vld.idx.msk [tilespmem:v57+s11+$0x0], $0xffff;
	[tilespmem:s30+$0x12070] =	vst v24;
	v24 =	vshll.u32 v21, $0x9;
	v21 =	vshll.u32 v21, $0x7  }
0x14c: {  	v59 =	vor.u32 v2, v20;
	v25 =	vld.idx.msk [tilespmem:v25+s11+$0x0], $0xffff;
	v24 =	vand.u32 $0x3000, v24;
	v21 =	vand.u32 $0x380, v21;
	[tilespmem:s0+$0x12050] =	vst v23  }
0x14d: {  	v21 =	vor.u32 v21, v24;
	v23 =	vld.idx.msk [tilespmem:v29+s11+$0x0], $0xffff;
	v24 =	vor.u32 v9, v16;
	[tilespmem:s1+$0x12440] =	vst v27  }
0x14e: {  	v27 =	vor.u32 v0, v21;
	[tilespmem:s6+$0x12030] =	vst v31;
	v26 =	vld.idx.msk [tilespmem:v26+s11+$0x0], $0xffff  }
0x14f: {  	v29 =	vld.idx.msk [tilespmem:v30+s11+$0x0], $0xffff;
	v30 =	vor.u32 v7, v17;
	[tilespmem:s31+$0x12420] =	vst v28  }
0x150: {  	v31 =	vor.u32 v14, v22;
	[tilespmem:s7+$0x12010] =	vst v32;
	v28 =	vld.idx.msk [tilespmem:v58+s11+$0x0], $0xffff  }
0x151: {  	v60 =	vor.u32 v5, v19;
	v32 =	vld.idx.msk [tilespmem:v59+s11+$0x0], $0xffff;
	[tilespmem:s30+$0x12400] =	vst v25  }
0x152: {  	v25 =	vor.u32 v12, v18;
	v24 =	vld.idx.msk [tilespmem:v24+s11+$0x0], $0xffff;
	[tilespmem:s0+$0x12060] =	vst v23  }
0x153: {  	v61 =	vor.u32 v3, v20;
	v27 =	vld.idx.msk [tilespmem:v27+s11+$0x0], $0xffff;
	[tilespmem:s1+$0x12450] =	vst v26  }
0x154: {  	v63 =	vor.u32 v10, v16;
	v62 =	vld.idx.msk [tilespmem:v30+s11+$0x0], $0xffff;
	[tilespmem:s6+$0x12040] =	vst v29  }
0x155: {  	v37 =	vor.u32 v1, v21;
	v23 =	vld.idx.msk [tilespmem:v31+s11+$0x0], $0xffff;
	[tilespmem:s31+$0x12430] =	vst v28  }
0x156: {  	s5 =	simm.s32 $0x300;
	s22 =	simm.s32 $0x600;
	v29 =	vld.idx.msk [tilespmem:v60+s11+$0x0], $0xffff;
	v28 =	vor.u32 v8, v17;
	[tilespmem:s7+$0x12020] =	vst v32  }
0x157: {  	s24 =	sand.u32 $0x380, s5;
	s23 =	sand.u32 $0x1800, s22;
	v25 =	vld.idx.msk [tilespmem:v25+s11+$0x0], $0xffff;
	[tilespmem:s30+$0x12410] =	vst v24;
	v24 =	vor.u32 v15, v22  }
0x158: {  	s10 =	sor.u32 s24, s23;
	v30 =	vor.u32 v6, v19;
	v31 =	vld.idx.msk [tilespmem:v61+s11+$0x0], $0xffff  }
0x159: {  	s23 =	simm.s32 $0x7;
	v26 =	vor.u32 v13, v18;
	[tilespmem:s10+$0x12000] =	vst v27;
	v27 =	vld.idx.msk [tilespmem:v63+s11+$0x0], $0xffff  }
0x15a: {  	s8 =	sor.u32 $0x20, s29;
	v32 =	vor.u32 v4, v20;
	v22 =	vmov s23;
	s23 =	simm.s32 $0x8;
	v33 =	vld.idx.msk [tilespmem:v37+s11+$0x0], $0xffff;
	[tilespmem:s0+$0x12070] =	vst v62  }
.LBB2_5:
0x15b: {  	p2 =	sne.s32 s23, $0x1F;
	v34 =	vshll.u32 v22, $0x9;
	v22 =	vshll.u32 v22, $0x7;
	v28 =	vld.idx.msk [tilespmem:v28+s11+$0x0], $0xffff;
	v35 =	vor.u32 v11, v16;
	[tilespmem:s1+$0x12460] =	vst v23  }
0x15c: {  	v23 =	vand.u32 $0x3000, v34;
	v22 =	vand.u32 $0x380, v22;
	v34 =	vor.u32 v2, v21;
	[tilespmem:s6+$0x12050] =	vst v29;
	v24 =	vld.idx.msk [tilespmem:v24+s11+$0x0], $0xffff  }
0x15d: {  	v29 =	vor.u32 v9, v17;
	v22 =	vor.u32 v22, v23;
	v23 =	vld.idx.msk [tilespmem:v30+s11+$0x0], $0xffff;
	[tilespmem:s31+$0x12440] =	vst v25  }
0x15e: {  	v25 =	vor.u32 v0, v22;
	[tilespmem:s7+$0x12030] =	vst v31;
	v26 =	vld.idx.msk [tilespmem:v26+s11+$0x0], $0xffff  }
0x15f: {  	v31 =	vor.u32 v7, v19;
	v30 =	vld.idx.msk [tilespmem:v32+s11+$0x0], $0xffff;
	[tilespmem:s30+$0x12420] =	vst v27  }
0x160: {  	v32 =	vor.u32 v14, v18;
	[tilespmem:s10+$0x12010] =	vst v33;
	v27 =	vld.idx.msk [tilespmem:v35+s11+$0x0], $0xffff  }
0x161: {  	v33 =	vld.idx.msk [tilespmem:v34+s11+$0x0], $0xffff;
	v34 =	vor.u32 v5, v20;
	[tilespmem:s0+$0x12400] =	vst v28  }
0x162: {  	v36 =	vor.u32 v12, v16;
	v35 =	vld.idx.msk [tilespmem:v29+s11+$0x0], $0xffff;
	[tilespmem:s1+$0x12470] =	vst v24;
	s1 =	smov.u32 s31;
	s31 =	smov.u32 s30;
	s30 =	smov.u32 s0  }
0x163: {  	v38 =	vor.u32 v3, v21;
	s0 =	smov.u32 s6;
	v37 =	vld.idx.msk [tilespmem:v25+s11+$0x0], $0xffff;
	[tilespmem:s6+$0x12060] =	vst v23;
	s6 =	smov.u32 s7;
	s7 =	smov.u32 s10  }
0x164: {  	v40 =	vor.u32 v10, v17;
	v39 =	vld.idx.msk [tilespmem:v31+s11+$0x0], $0xffff;
	[tilespmem:s1+$0x12450] =	vst v26  }
0x165: {  	v41 =	vor.u32 v1, v22;
	[tilespmem:s6+$0x12040] =	vst v30;
	v23 =	vld.idx.msk [tilespmem:v32+s11+$0x0], $0xffff  }
.Ltmp3:
0x166: {  	s5 =	sadd.s32 $0x80, s5;
	s22 =	sadd.s32 $0x100, s22;
	v28 =	vor.u32 v8, v19;
	v29 =	vld.idx.msk [tilespmem:v34+s11+$0x0], $0xffff;
	[tilespmem:s31+$0x12430] =	vst v27;
	(pc) =	sbr.rel @p2 .LBB2_5-.Ltmp3, $4  }
0x167: {  	s24 =	sand.u32 $0x380, s5;
	v24 =	vor.u32 v15, v18;
	v18 =	vmovc v16;
	v16 =	vmov v17;
	v17 =	vmov v19;
	s10 =	sand.u32 $0x1800, s22;
	[tilespmem:s7+$0x12020] =	vst v33;
	v25 =	vld.idx.msk [tilespmem:v36+s11+$0x0], $0xffff  }
0x168: {  	v19 =	vmovc v20;
	s10 =	sor.u32 s24, s10;
	v30 =	vor.u32 v6, v20;
	v20 =	vmov v21;
	v21 =	vmov v22;
	v31 =	vld.idx.msk [tilespmem:v38+s11+$0x0], $0xffff;
	[tilespmem:s30+$0x12410] =	vst v35  }
0x169: {  	v26 =	vor.u32 v13, v18;
	[tilespmem:s10+$0x12000] =	vst v37;
	v27 =	vld.idx.msk [tilespmem:v40+s11+$0x0], $0xffff  }
0x16a: {  	v22 =	vmov s23;
	s23 =	sadd.s32 $0x1, s23;
	v32 =	vor.u32 v4, v20;
	v33 =	vld.idx.msk [tilespmem:v41+s11+$0x0], $0xffff;
	[tilespmem:s0+$0x12070] =	vst v39  }
0x16b: {  	v34 =	vshll.u32 v22, $0x9;
	v22 =	vshll.u32 v22, $0x7  }
0x16c: {  	v34 =	vand.u32 $0x3000, v34;
	v22 =	vand.u32 $0x380, v22  }
0x16d: {  	v22 =	vor.u32 v22, v34  }
0x16e: {  	v34 =	vor.u32 v0, v22;
	_ =	sdelay $0x4  }
0x16f: {  	v34 =	vld.idx.msk [tilespmem:v34+s11+$0x0], $0xffff  }
0x170: {  	v35 =	vor.u32 v1, v22  }
0x171: {  	s5 =	sadd.s32 $0x80, s5;
	s22 =	sadd.s32 $0x100, s22  }
0x172: {  	s22 =	sand.u32 $0x1800, s22;
	s5 =	sand.u32 $0x380, s5  }
0x173: {  	s5 =	sor.u32 s5, s22  }
0x174: {  	[tilespmem:s5+$0x12000] =	vst v34  }
0x175: {  	v61 =	vor.u32 v2, v21;
	v35 =	vld.idx.msk [tilespmem:v35+s11+$0x0], $0xffff  }
0x176: {  	v36 =	vor.u32 v2, v22;
	_ =	sdelay $0x2  }
0x177: {  	[tilespmem:s10+$0x12010] =	vst v33  }
0x178: {  	v33 =	vld.idx.msk [tilespmem:v61+s11+$0x0], $0xffff;
	[tilespmem:s5+$0x12010] =	vst v35  }
0x179: {  	v62 =	vor.u32 v3, v21;
	v35 =	vld.idx.msk [tilespmem:v36+s11+$0x0], $0xffff  }
0x17a: {  	v63 =	vor.u32 v3, v22;
	_ =	sdelay $0x2  }
0x17b: {  	[tilespmem:s10+$0x12020] =	vst v33  }
0x17c: {  	v33 =	vld.idx.msk [tilespmem:v62+s11+$0x0], $0xffff;
	[tilespmem:s5+$0x12020] =	vst v35  }
0x17d: {  	v40 =	vor.u32 v4, v21;
	v35 =	vld.idx.msk [tilespmem:v63+s11+$0x0], $0xffff  }
0x17e: {  	v41 =	vor.u32 v4, v22;
	_ =	sdelay $0x1  }
0x17f: {  	[tilespmem:s7+$0x12030] =	vst v31  }
0x180: {  	v31 =	vld.idx.msk [tilespmem:v32+s11+$0x0], $0xffff;
	[tilespmem:s10+$0x12030] =	vst v33  }
0x181: {  	v42 =	vor.u32 v5, v20;
	v33 =	vld.idx.msk [tilespmem:v40+s11+$0x0], $0xffff;
	[tilespmem:s5+$0x12030] =	vst v35  }
0x182: {  	v43 =	vor.u32 v5, v21;
	v35 =	vld.idx.msk [tilespmem:v41+s11+$0x0], $0xffff  }
0x183: {  	v44 =	vor.u32 v5, v22;
	_ =	sdelay $0x1  }
0x184: {  	[tilespmem:s7+$0x12040] =	vst v31  }
0x185: {  	v31 =	vld.idx.msk [tilespmem:v42+s11+$0x0], $0xffff;
	[tilespmem:s10+$0x12040] =	vst v33  }
0x186: {  	v45 =	vor.u32 v6, v20;
	v33 =	vld.idx.msk [tilespmem:v43+s11+$0x0], $0xffff;
	[tilespmem:s5+$0x12040] =	vst v35  }
0x187: {  	v46 =	vor.u32 v6, v21;
	v35 =	vld.idx.msk [tilespmem:v44+s11+$0x0], $0xffff  }
0x188: {  	v47 =	vor.u32 v6, v22  }
0x189: {  	[tilespmem:s6+$0x12050] =	vst v29  }
0x18a: {  	v29 =	vld.idx.msk [tilespmem:v30+s11+$0x0], $0xffff;
	[tilespmem:s7+$0x12050] =	vst v31  }
0x18b: {  	v30 =	vor.u32 v7, v19;
	v31 =	vld.idx.msk [tilespmem:v45+s11+$0x0], $0xffff;
	[tilespmem:s10+$0x12050] =	vst v33  }
0x18c: {  	v48 =	vor.u32 v7, v20;
	v33 =	vld.idx.msk [tilespmem:v46+s11+$0x0], $0xffff;
	[tilespmem:s5+$0x12050] =	vst v35  }
0x18d: {  	[tilespmem:s1+$0x12460] =	vst v23;
	v23 =	vor.u32 v7, v21;
	v49 =	vld.idx.msk [tilespmem:v47+s11+$0x0], $0xffff  }
0x18e: {  	[tilespmem:s31+$0x12440] =	vst v25;
	v25 =	vor.u32 v7, v22  }
0x18f: {  	v28 =	vld.idx.msk [tilespmem:v28+s11+$0x0], $0xffff;
	[tilespmem:s6+$0x12060] =	vst v29  }
0x190: {  	v29 =	vld.idx.msk [tilespmem:v30+s11+$0x0], $0xffff;
	[tilespmem:s7+$0x12060] =	vst v31  }
0x191: {  	v30 =	vor.u32 v8, v19;
	v31 =	vld.idx.msk [tilespmem:v48+s11+$0x0], $0xffff;
	[tilespmem:s10+$0x12060] =	vst v33  }
0x192: {  	v50 =	vor.u32 v8, v20;
	v23 =	vld.idx.msk [tilespmem:v23+s11+$0x0], $0xffff;
	[tilespmem:s5+$0x12060] =	vst v49  }
0x193: {  	[tilespmem:s30+$0x12420] =	vst v27;
	v27 =	vor.u32 v8, v21;
	v25 =	vld.idx.msk [tilespmem:v25+s11+$0x0], $0xffff  }
0x194: {  	v24 =	vld.idx.msk [tilespmem:v24+s11+$0x0], $0xffff;
	[tilespmem:s0+$0x12400] =	vst v28;
	v28 =	vor.u32 v8, v22  }
0x195: {  	v26 =	vld.idx.msk [tilespmem:v26+s11+$0x0], $0xffff;
	[tilespmem:s6+$0x12070] =	vst v29;
	v29 =	vor.u32 v9, v17  }
0x196: {  	v51 =	vor.u32 v11, v16;
	v30 =	vld.idx.msk [tilespmem:v30+s11+$0x0], $0xffff;
	[tilespmem:s7+$0x12070] =	vst v31  }
0x197: {  	v31 =	vor.u32 v9, v19;
	v32 =	vld.idx.msk [tilespmem:v50+s11+$0x0], $0xffff;
	[tilespmem:s10+$0x12070] =	vst v23  }
0x198: {  	v23 =	vor.u32 v9, v20;
	v27 =	vld.idx.msk [tilespmem:v27+s11+$0x0], $0xffff;
	[tilespmem:s5+$0x12070] =	vst v25  }
0x199: {  	[tilespmem:s1+$0x12470] =	vst v24;
	v24 =	vor.u32 v9, v21;
	v25 =	vld.idx.msk [tilespmem:v28+s11+$0x0], $0xffff  }
0x19a: {  	[tilespmem:s31+$0x12450] =	vst v26;
	v26 =	vor.u32 v9, v22;
	v29 =	vld.idx.msk [tilespmem:v29+s11+$0x0], $0xffff  }
0x19b: {  	v52 =	vor.u32 v14, v18;
	[tilespmem:s6+$0x12400] =	vst v30;
	v28 =	vld.idx.msk [tilespmem:v51+s11+$0x0], $0xffff  }
0x19c: {  	v30 =	vor.u32 v10, v17;
	v31 =	vld.idx.msk [tilespmem:v31+s11+$0x0], $0xffff;
	[tilespmem:s7+$0x12400] =	vst v32  }
0x19d: {  	v53 =	vor.u32 v10, v19;
	v23 =	vld.idx.msk [tilespmem:v23+s11+$0x0], $0xffff;
	[tilespmem:s10+$0x12400] =	vst v27  }
0x19e: {  	v27 =	vor.u32 v10, v20;
	v24 =	vld.idx.msk [tilespmem:v24+s11+$0x0], $0xffff;
	[tilespmem:s5+$0x12400] =	vst v25  }
0x19f: {  	[tilespmem:s0+$0x12410] =	vst v29;
	v25 =	vor.u32 v10, v21;
	v26 =	vld.idx.msk [tilespmem:v26+s11+$0x0], $0xffff  }
0x1a0: {  	v29 =	vor.u32 v10, v22;
	[tilespmem:s30+$0x12430] =	vst v28;
	v28 =	vld.idx.msk [tilespmem:v52+s11+$0x0], $0xffff  }
0x1a1: {  	v54 =	vor.u32 v12, v16;
	v30 =	vld.idx.msk [tilespmem:v30+s11+$0x0], $0xffff;
	[tilespmem:s6+$0x12410] =	vst v31  }
0x1a2: {  	v31 =	vor.u32 v11, v17;
	v32 =	vld.idx.msk [tilespmem:v53+s11+$0x0], $0xffff;
	[tilespmem:s7+$0x12410] =	vst v23  }
0x1a3: {  	v23 =	vor.u32 v11, v19;
	v27 =	vld.idx.msk [tilespmem:v27+s11+$0x0], $0xffff;
	[tilespmem:s10+$0x12410] =	vst v24  }
0x1a4: {  	v24 =	vor.u32 v11, v20;
	v25 =	vld.idx.msk [tilespmem:v25+s11+$0x0], $0xffff;
	[tilespmem:s5+$0x12410] =	vst v26  }
0x1a5: {  	[tilespmem:s31+$0x12460] =	vst v28;
	v26 =	vor.u32 v11, v21;
	v28 =	vld.idx.msk [tilespmem:v29+s11+$0x0], $0xffff  }
0x1a6: {  	[tilespmem:s0+$0x12420] =	vst v30;
	v30 =	vor.u32 v11, v22;
	v29 =	vld.idx.msk [tilespmem:v54+s11+$0x0], $0xffff  }
0x1a7: {  	v18 =	vor.u32 v15, v18;
	v31 =	vld.idx.msk [tilespmem:v31+s11+$0x0], $0xffff;
	[tilespmem:s6+$0x12420] =	vst v32  }
0x1a8: {  	v55 =	vor.u32 v12, v17;
	v23 =	vld.idx.msk [tilespmem:v23+s11+$0x0], $0xffff;
	[tilespmem:s7+$0x12420] =	vst v27  }
0x1a9: {  	v27 =	vor.u32 v12, v19;
	v24 =	vld.idx.msk [tilespmem:v24+s11+$0x0], $0xffff;
	[tilespmem:s10+$0x12420] =	vst v25  }
0x1aa: {  	v25 =	vor.u32 v12, v20;
	v26 =	vld.idx.msk [tilespmem:v26+s11+$0x0], $0xffff;
	[tilespmem:s5+$0x12420] =	vst v28  }
0x1ab: {  	[tilespmem:s30+$0x12440] =	vst v29;
	v28 =	vor.u32 v12, v21;
	v29 =	vld.idx.msk [tilespmem:v30+s11+$0x0], $0xffff  }
0x1ac: {  	[tilespmem:s0+$0x12430] =	vst v31;
	v18 =	vld.idx.msk [tilespmem:v18+s11+$0x0], $0xffff;
	v30 =	vor.u32 v12, v22  }
0x1ad: {  	v31 =	vor.u32 v13, v16;
	v32 =	vld.idx.msk [tilespmem:v55+s11+$0x0], $0xffff;
	[tilespmem:s6+$0x12430] =	vst v23  }
0x1ae: {  	v23 =	vor.u32 v13, v17;
	v27 =	vld.idx.msk [tilespmem:v27+s11+$0x0], $0xffff;
	[tilespmem:s7+$0x12430] =	vst v24  }
0x1af: {  	v24 =	vor.u32 v13, v19;
	v25 =	vld.idx.msk [tilespmem:v25+s11+$0x0], $0xffff;
	[tilespmem:s10+$0x12430] =	vst v26  }
0x1b0: {  	v26 =	vor.u32 v13, v20;
	v28 =	vld.idx.msk [tilespmem:v28+s11+$0x0], $0xffff;
	[tilespmem:s5+$0x12430] =	vst v29  }
0x1b1: {  	[tilespmem:s31+$0x12470] =	vst v18;
	v18 =	vor.u32 v13, v21;
	v29 =	vld.idx.msk [tilespmem:v30+s11+$0x0], $0xffff  }
0x1b2: {  	[tilespmem:s0+$0x12440] =	vst v32;
	v30 =	vld.idx.msk [tilespmem:v31+s11+$0x0], $0xffff;
	v31 =	vor.u32 v13, v22  }
0x1b3: {  	v56 =	vor.u32 v14, v16;
	v23 =	vld.idx.msk [tilespmem:v23+s11+$0x0], $0xffff;
	[tilespmem:s6+$0x12440] =	vst v27  }
0x1b4: {  	v27 =	vor.u32 v14, v17;
	v24 =	vld.idx.msk [tilespmem:v24+s11+$0x0], $0xffff;
	[tilespmem:s7+$0x12440] =	vst v25  }
0x1b5: {  	v25 =	vor.u32 v14, v19;
	v26 =	vld.idx.msk [tilespmem:v26+s11+$0x0], $0xffff;
	[tilespmem:s10+$0x12440] =	vst v28  }
0x1b6: {  	v28 =	vor.u32 v14, v20;
	v18 =	vld.idx.msk [tilespmem:v18+s11+$0x0], $0xffff;
	[tilespmem:s5+$0x12440] =	vst v29  }
0x1b7: {  	[tilespmem:s30+$0x12450] =	vst v30;
	v29 =	vor.u32 v14, v21;
	v30 =	vld.idx.msk [tilespmem:v31+s11+$0x0], $0xffff  }
0x1b8: {  	[tilespmem:s0+$0x12450] =	vst v23;
	v23 =	vor.u32 v14, v22;
	v31 =	vld.idx.msk [tilespmem:v56+s11+$0x0], $0xffff  }
0x1b9: {  	v16 =	vor.u32 v15, v16;
	v27 =	vld.idx.msk [tilespmem:v27+s11+$0x0], $0xffff;
	[tilespmem:s6+$0x12450] =	vst v24  }
0x1ba: {  	v17 =	vor.u32 v15, v17;
	v24 =	vld.idx.msk [tilespmem:v25+s11+$0x0], $0xffff;
	[tilespmem:s7+$0x12450] =	vst v26  }
0x1bb: {  	v19 =	vor.u32 v15, v19;
	v25 =	vld.idx.msk [tilespmem:v28+s11+$0x0], $0xffff;
	[tilespmem:s10+$0x12450] =	vst v18  }
0x1bc: {  	v18 =	vor.u32 v15, v20;
	v20 =	vld.idx.msk [tilespmem:v29+s11+$0x0], $0xffff;
	[tilespmem:s5+$0x12450] =	vst v30  }
0x1bd: {  	v21 =	vor.u32 v15, v21;
	[tilespmem:s30+$0x12460] =	vst v31;
	v23 =	vld.idx.msk [tilespmem:v23+s11+$0x0], $0xffff  }
0x1be: {  	[tilespmem:s0+$0x12460] =	vst v27;
	v22 =	vor.u32 v15, v22;
	v16 =	vld.idx.msk [tilespmem:v16+s11+$0x0], $0xffff  }
0x1bf: {  	v17 =	vld.idx.msk [tilespmem:v17+s11+$0x0], $0xffff;
	[tilespmem:s6+$0x12460] =	vst v24  }
0x1c0: {  	v19 =	vld.idx.msk [tilespmem:v19+s11+$0x0], $0xffff;
	[tilespmem:s7+$0x12460] =	vst v25  }
0x1c1: {  	v18 =	vld.idx.msk [tilespmem:v18+s11+$0x0], $0xffff;
	[tilespmem:s10+$0x12460] =	vst v20  }
0x1c2: {  	v20 =	vld.idx.msk [tilespmem:v21+s11+$0x0], $0xffff;
	[tilespmem:s5+$0x12460] =	vst v23  }
0x1c3: {  	[tilespmem:s30+$0x12470] =	vst v16;
	v16 =	vld.idx.msk [tilespmem:v22+s11+$0x0], $0xffff  }
0x1c4: {  	[tilespmem:s0+$0x12470] =	vst v17  }
0x1c5: {  	[tilespmem:s6+$0x12470] =	vst v19  }
0x1c6: {  	[tilespmem:s7+$0x12470] =	vst v18  }
0x1c7: {  	s23 =	sshll.u32 s8, $0x5;
	[tilespmem:s10+$0x12470] =	vst v20  }
0x1c8: {  	s24 =	simm.s32 $0x0;
	s1 =	sshll.u32 @!p1 s8, $0x6;
	s0 =	sadd.s32 s2, s23;
	[tilespmem:s5+$0x12470] =	vst v16  }
0x1c9: {  	v16 =	vmov s24;
	[hbm4b:s0+s3] =	stream.linear.scatter [tilespmem:s17], [sflag:$0x6], $0x2000, $0x38;
	[tilespmem:$0x18000] =	vst v63  }
0x1ca: {  	s1 =	sadd.s32 @!p1 s1, s9;
	s6 =	simm.s32 @!p1 $0x4000;
	s5 =	simm.s32 @!p1 $0x0;
	v17 =	vshll.u32 v16, $0x9;
	v16 =	vshll.u32 v16, $0x7  }
0x1cb: {  	v17 =	vand.u32 $0x3000, v17;
	v16 =	vand.u32 $0x380, v16;
	[tilespmem:s6], [sflag:$0x2] =	stream.linear.gather @!p1 [hbm4b:s1+s5], $0x4000, $0x38;
	[tilespmem:$0x18000] =	vst v63  }
0x1cc: {  	v22 =	vor.u32 v16, v17;
	_ =	swait.ge [sflag:s18], $0x4000  }
0x1cd: {  	v16 =	vor.u32 v0, v22;
	[sflag:s18] =	ssyncset.done $0x0  }
0x1ce: {  	s1 =	simm.s32 @!p0 $0x7;
	[sflag:s18] =	ssyncadd.s32 $0xFFFFC000  }
0x1cf: {  	_ =	swait.ge @!p0 [sflag:s1], $0x2000  }
0x1d0: {  	[sflag:s1] =	ssyncset.done @!p0 $0x0  }
0x1d1: {  	[sflag:s1] =	ssyncadd.s32 @!p0 $0xFFFFE000  }
0x1d2: {  	v16 =	vld.idx.msk [tilespmem:v16+s12+$0x0], $0xffff  }
0x1d3: {  	v17 =	vor.u32 v1, v22;
	_ =	sdelay $0x1  }
0x1d4: {  	s0 =	sand.u32 $0x380, s24;
	s5 =	sand.u32 $0x1800, s24  }
0x1d5: {  	s6 =	simm.s32 $0x1;
	s1 =	sor.u32 s0, s5  }
0x1d6: {  	[tilespmem:s1+$0x14000] =	vst v16;
	v16 =	vmov s6  }
0x1d7: {  	v17 =	vld.idx.msk [tilespmem:v17+s12+$0x0], $0xffff;
	v18 =	vshll.u32 v16, $0x9;
	v16 =	vshll.u32 v16, $0x7  }
0x1d8: {  	v19 =	vor.u32 v2, v22;
	v18 =	vand.u32 $0x3000, v18;
	v16 =	vand.u32 $0x380, v16  }
0x1d9: {  	v18 =	vor.u32 v16, v18  }
0x1da: {  	v16 =	vor.u32 v0, v18;
	_ =	sdelay $0x1  }
0x1db: {  	[tilespmem:s1+$0x14010] =	vst v17  }
0x1dc: {  	v17 =	vld.idx.msk [tilespmem:v19+s12+$0x0], $0xffff  }
0x1dd: {  	v19 =	vor.u32 v3, v22  }
0x1de: {  	v16 =	vld.idx.msk [tilespmem:v16+s12+$0x0], $0xffff  }
0x1df: {  	v20 =	vor.u32 v1, v18  }
0x1e0: {  	s8 =	simm.s32 $0x100;
	s7 =	simm.s32 $0x80  }
0x1e1: {  	s5 =	sand.u32 $0x1800, s8;
	s0 =	sand.u32 $0x380, s7;
	[tilespmem:s1+$0x14020] =	vst v17  }
0x1e2: {  	s10 =	simm.s32 $0x2;
	s31 =	sor.u32 s0, s5;
	v17 =	vld.idx.msk [tilespmem:v19+s12+$0x0], $0xffff  }
0x1e3: {  	v19 =	vor.u32 v4, v22;
	[tilespmem:s31+$0x14000] =	vst v16;
	v16 =	vmov s10  }
0x1e4: {  	v20 =	vld.idx.msk [tilespmem:v20+s12+$0x0], $0xffff;
	v21 =	vshll.u32 v16, $0x9;
	v16 =	vshll.u32 v16, $0x7  }
0x1e5: {  	v23 =	vor.u32 v2, v18;
	v21 =	vand.u32 $0x3000, v21;
	v16 =	vand.u32 $0x380, v16  }
0x1e6: {  	v16 =	vor.u32 v16, v21  }
0x1e7: {  	v21 =	vor.u32 v0, v16;
	[tilespmem:s1+$0x14030] =	vst v17  }
0x1e8: {  	v17 =	vld.idx.msk [tilespmem:v19+s12+$0x0], $0xffff  }
0x1e9: {  	v19 =	vor.u32 v5, v22;
	[tilespmem:s31+$0x14010] =	vst v20  }
0x1ea: {  	v20 =	vld.idx.msk [tilespmem:v23+s12+$0x0], $0xffff  }
0x1eb: {  	v23 =	vor.u32 v3, v18  }
0x1ec: {  	v21 =	vld.idx.msk [tilespmem:v21+s12+$0x0], $0xffff  }
0x1ed: {  	v24 =	vor.u32 v1, v16;
	[tilespmem:s1+$0x14040] =	vst v17  }
0x1ee: {  	s22 =	simm.s32 $0x100;
	s23 =	simm.s32 $0x200;
	v17 =	vld.idx.msk [tilespmem:v19+s12+$0x0], $0xffff  }
0x1ef: {  	s24 =	simm.s32 $0x3;
	s5 =	sand.u32 $0x1800, s23;
	s0 =	sand.u32 $0x380, s22;
	v19 =	vor.u32 v6, v22;
	[tilespmem:s31+$0x14020] =	vst v20  }
0x1f0: {  	s30 =	sor.u32 s0, s5;
	v20 =	vld.idx.msk [tilespmem:v23+s12+$0x0], $0xffff;
	v23 =	vmov s24  }
0x1f1: {  	[tilespmem:s30+$0x14000] =	vst v21;
	v21 =	vor.u32 v4, v18;
	v25 =	vshll.u32 v23, $0x9;
	v23 =	vshll.u32 v23, $0x7  }
0x1f2: {  	v24 =	vld.idx.msk [tilespmem:v24+s12+$0x0], $0xffff;
	v25 =	vand.u32 $0x3000, v25;
	v23 =	vand.u32 $0x380, v23  }
0x1f3: {  	v26 =	vor.u32 v2, v16;
	[tilespmem:s1+$0x14050] =	vst v17;
	v17 =	vor.u32 v23, v25  }
0x1f4: {  	v19 =	vld.idx.msk [tilespmem:v19+s12+$0x0], $0xffff;
	v23 =	vor.u32 v0, v17  }
0x1f5: {  	[tilespmem:s31+$0x14030] =	vst v20;
	v20 =	vor.u32 v7, v22  }
0x1f6: {  	v21 =	vld.idx.msk [tilespmem:v21+s12+$0x0], $0xffff  }
0x1f7: {  	[tilespmem:s30+$0x14010] =	vst v24;
	v24 =	vor.u32 v5, v18  }
0x1f8: {  	v25 =	vld.idx.msk [tilespmem:v26+s12+$0x0], $0xffff  }
0x1f9: {  	v26 =	vor.u32 v3, v16;
	v23 =	vld.idx.msk [tilespmem:v23+s12+$0x0], $0xffff;
	[tilespmem:s1+$0x14060] =	vst v19  }
0x1fa: {  	v19 =	vld.idx.msk [tilespmem:v20+s12+$0x0], $0xffff;
	v20 =	vor.u32 v1, v17  }
0x1fb: {  	s7 =	simm.s32 $0x180;
	s8 =	simm.s32 $0x300;
	[tilespmem:s31+$0x14040] =	vst v21;
	v21 =	vor.u32 v8, v22  }
0x1fc: {  	s5 =	sand.u32 $0x1800, s8;
	s0 =	sand.u32 $0x380, s7;
	v24 =	vld.idx.msk [tilespmem:v24+s12+$0x0], $0xffff  }
0x1fd: {  	s0 =	sor.u32 s0, s5;
	s10 =	simm.s32 $0x4;
	[tilespmem:s30+$0x14020] =	vst v25;
	v25 =	vor.u32 v6, v18  }
0x1fe: {  	v26 =	vld.idx.msk [tilespmem:v26+s12+$0x0], $0xffff;
	[tilespmem:s0+$0x14000] =	vst v23;
	v23 =	vmov s10  }
0x1ff: {  	v27 =	vor.u32 v4, v16;
	v20 =	vld.idx.msk [tilespmem:v20+s12+$0x0], $0xffff;
	[tilespmem:s1+$0x14070] =	vst v19;
	v19 =	vshll.u32 v23, $0x9;
	v23 =	vshll.u32 v23, $0x7  }
0x200: {  	v28 =	vor.u32 v2, v17;
	v21 =	vld.idx.msk [tilespmem:v21+s12+$0x0], $0xffff;
	v19 =	vand.u32 $0x3000, v19;
	v23 =	vand.u32 $0x380, v23  }
0x201: {  	[tilespmem:s31+$0x14050] =	vst v24;
	v19 =	vor.u32 v23, v19;
	v23 =	vor.u32 v9, v22  }
0x202: {  	v24 =	vld.idx.msk [tilespmem:v25+s12+$0x0], $0xffff;
	v25 =	vor.u32 v0, v19  }
0x203: {  	[tilespmem:s30+$0x14030] =	vst v26;
	v26 =	vor.u32 v7, v18  }
0x204: {  	v27 =	vld.idx.msk [tilespmem:v27+s12+$0x0], $0xffff;
	[tilespmem:s0+$0x14010] =	vst v20  }
0x205: {  	v20 =	vld.idx.msk [tilespmem:v28+s12+$0x0], $0xffff;
	v28 =	vor.u32 v5, v16;
	[tilespmem:s1+$0x14400] =	vst v21  }
0x206: {  	v21 =	vld.idx.msk [tilespmem:v23+s12+$0x0], $0xffff;
	v23 =	vor.u32 v3, v17  }
0x207: {  	v25 =	vld.idx.msk [tilespmem:v25+s12+$0x0], $0xffff;
	[tilespmem:s31+$0x14060] =	vst v24;
	v24 =	vor.u32 v10, v22  }
0x208: {  	v29 =	vor.u32 v1, v19;
	v26 =	vld.idx.msk [tilespmem:v26+s12+$0x0], $0xffff  }
0x209: {  	s22 =	simm.s32 $0x200;
	s23 =	simm.s32 $0x400;
	[tilespmem:s30+$0x14040] =	vst v27;
	v27 =	vor.u32 v8, v18  }
0x20a: {  	s5 =	sand.u32 $0x380, s22;
	s6 =	sand.u32 $0x1800, s23;
	v28 =	vld.idx.msk [tilespmem:v28+s12+$0x0], $0xffff;
	[tilespmem:s0+$0x14020] =	vst v20  }
0x20b: {  	s6 =	sor.u32 s5, s6;
	v30 =	vor.u32 v6, v16;
	s24 =	simm.s32 $0x5;
	v23 =	vld.idx.msk [tilespmem:v23+s12+$0x0], $0xffff;
	[tilespmem:s1+$0x14410] =	vst v21  }
0x20c: {  	v20 =	vmov s24;
	[tilespmem:s6+$0x14000] =	vst v25;
	v21 =	vld.idx.msk [tilespmem:v24+s12+$0x0], $0xffff;
	v24 =	vor.u32 v4, v17  }
0x20d: {  	v25 =	vld.idx.msk [tilespmem:v29+s12+$0x0], $0xffff;
	[tilespmem:s31+$0x14070] =	vst v26;
	v26 =	vshll.u32 v20, $0x9;
	v20 =	vshll.u32 v20, $0x7;
	v29 =	vor.u32 v11, v22  }
0x20e: {  	v31 =	vor.u32 v2, v19;
	v27 =	vld.idx.msk [tilespmem:v27+s12+$0x0], $0xffff;
	v26 =	vand.u32 $0x3000, v26;
	v20 =	vand.u32 $0x380, v20  }
0x20f: {  	[tilespmem:s30+$0x14050] =	vst v28;
	v20 =	vor.u32 v20, v26;
	v26 =	vor.u32 v9, v18  }
0x210: {  	v28 =	vld.idx.msk [tilespmem:v30+s12+$0x0], $0xffff;
	v30 =	vor.u32 v0, v20;
	[tilespmem:s0+$0x14030] =	vst v23  }
0x211: {  	v23 =	vld.idx.msk [tilespmem:v24+s12+$0x0], $0xffff;
	v24 =	vor.u32 v7, v16;
	[tilespmem:s1+$0x14420] =	vst v21  }
0x212: {  	[tilespmem:s6+$0x14010] =	vst v25;
	v21 =	vld.idx.msk [tilespmem:v29+s12+$0x0], $0xffff;
	v25 =	vor.u32 v5, v17  }
0x213: {  	v29 =	vld.idx.msk [tilespmem:v31+s12+$0x0], $0xffff;
	[tilespmem:s31+$0x14400] =	vst v27;
	v27 =	vor.u32 v12, v22  }
0x214: {  	v31 =	vor.u32 v3, v19;
	v26 =	vld.idx.msk [tilespmem:v26+s12+$0x0], $0xffff  }
0x215: {  	v30 =	vld.idx.msk [tilespmem:v30+s12+$0x0], $0xffff;
	[tilespmem:s30+$0x14060] =	vst v28;
	v28 =	vor.u32 v10, v18  }
0x216: {  	v57 =	vor.u32 v1, v20;
	v24 =	vld.idx.msk [tilespmem:v24+s12+$0x0], $0xffff;
	[tilespmem:s0+$0x14040] =	vst v23  }
0x217: {  	s8 =	simm.s32 $0x280;
	s10 =	simm.s32 $0x500;
	v23 =	vld.idx.msk [tilespmem:v25+s12+$0x0], $0xffff;
	v25 =	vor.u32 v8, v16;
	[tilespmem:s1+$0x14430] =	vst v21  }
0x218: {  	s5 =	sand.u32 $0x380, s8;
	s7 =	sand.u32 $0x1800, s10;
	[tilespmem:s6+$0x14020] =	vst v29;
	v27 =	vld.idx.msk [tilespmem:v27+s12+$0x0], $0xffff;
	v29 =	vor.u32 v6, v17  }
0x219: {  	s22 =	simm.s32 $0x6;
	s7 =	sor.u32 s5, s7;
	v31 =	vld.idx.msk [tilespmem:v31+s12+$0x0], $0xffff;
	[tilespmem:s31+$0x14410] =	vst v26;
	v26 =	vor.u32 v13, v22  }
0x21a: {  	v21 =	vmov s22;
	[tilespmem:s7+$0x14000] =	vst v30;
	v28 =	vld.idx.msk [tilespmem:v28+s12+$0x0], $0xffff;
	v30 =	vor.u32 v4, v19  }
0x21b: {  	v58 =	vor.u32 v11, v18;
	v32 =	vld.idx.msk [tilespmem:v57+s12+$0x0], $0xffff;
	[tilespmem:s30+$0x14070] =	vst v24;
	v24 =	vshll.u32 v21, $0x9;
	v21 =	vshll.u32 v21, $0x7  }
0x21c: {  	v59 =	vor.u32 v2, v20;
	v25 =	vld.idx.msk [tilespmem:v25+s12+$0x0], $0xffff;
	v24 =	vand.u32 $0x3000, v24;
	v21 =	vand.u32 $0x380, v21;
	[tilespmem:s0+$0x14050] =	vst v23  }
0x21d: {  	v21 =	vor.u32 v21, v24;
	v23 =	vld.idx.msk [tilespmem:v29+s12+$0x0], $0xffff;
	v24 =	vor.u32 v9, v16;
	[tilespmem:s1+$0x14440] =	vst v27  }
0x21e: {  	v27 =	vor.u32 v0, v21;
	[tilespmem:s6+$0x14030] =	vst v31;
	v26 =	vld.idx.msk [tilespmem:v26+s12+$0x0], $0xffff  }
0x21f: {  	v29 =	vld.idx.msk [tilespmem:v30+s12+$0x0], $0xffff;
	v30 =	vor.u32 v7, v17;
	[tilespmem:s31+$0x14420] =	vst v28  }
0x220: {  	v31 =	vor.u32 v14, v22;
	[tilespmem:s7+$0x14010] =	vst v32;
	v28 =	vld.idx.msk [tilespmem:v58+s12+$0x0], $0xffff  }
0x221: {  	v60 =	vor.u32 v5, v19;
	v32 =	vld.idx.msk [tilespmem:v59+s12+$0x0], $0xffff;
	[tilespmem:s30+$0x14400] =	vst v25  }
0x222: {  	v25 =	vor.u32 v12, v18;
	v24 =	vld.idx.msk [tilespmem:v24+s12+$0x0], $0xffff;
	[tilespmem:s0+$0x14060] =	vst v23  }
0x223: {  	v61 =	vor.u32 v3, v20;
	v27 =	vld.idx.msk [tilespmem:v27+s12+$0x0], $0xffff;
	[tilespmem:s1+$0x14450] =	vst v26  }
0x224: {  	v63 =	vor.u32 v10, v16;
	v62 =	vld.idx.msk [tilespmem:v30+s12+$0x0], $0xffff;
	[tilespmem:s6+$0x14040] =	vst v29  }
0x225: {  	v37 =	vor.u32 v1, v21;
	v23 =	vld.idx.msk [tilespmem:v31+s12+$0x0], $0xffff;
	[tilespmem:s31+$0x14430] =	vst v28  }
0x226: {  	s5 =	simm.s32 $0x300;
	s22 =	simm.s32 $0x600;
	v29 =	vld.idx.msk [tilespmem:v60+s12+$0x0], $0xffff;
	v28 =	vor.u32 v8, v17;
	[tilespmem:s7+$0x14020] =	vst v32  }
0x227: {  	s24 =	sand.u32 $0x380, s5;
	s23 =	sand.u32 $0x1800, s22;
	v25 =	vld.idx.msk [tilespmem:v25+s12+$0x0], $0xffff;
	[tilespmem:s30+$0x14410] =	vst v24;
	v24 =	vor.u32 v15, v22  }
0x228: {  	s10 =	sor.u32 s24, s23;
	v30 =	vor.u32 v6, v19;
	v31 =	vld.idx.msk [tilespmem:v61+s12+$0x0], $0xffff  }
0x229: {  	s23 =	simm.s32 $0x7;
	v26 =	vor.u32 v13, v18;
	[tilespmem:s10+$0x14000] =	vst v27;
	v27 =	vld.idx.msk [tilespmem:v63+s12+$0x0], $0xffff  }
0x22a: {  	s8 =	sor.u32 $0x40, s29;
	v32 =	vor.u32 v4, v20;
	v22 =	vmov s23;
	s23 =	simm.s32 $0x8;
	v33 =	vld.idx.msk [tilespmem:v37+s12+$0x0], $0xffff;
	[tilespmem:s0+$0x14070] =	vst v62  }
.LBB2_7:
0x22b: {  	p2 =	sne.s32 s23, $0x1F;
	v34 =	vshll.u32 v22, $0x9;
	v22 =	vshll.u32 v22, $0x7;
	v28 =	vld.idx.msk [tilespmem:v28+s12+$0x0], $0xffff;
	v35 =	vor.u32 v11, v16;
	[tilespmem:s1+$0x14460] =	vst v23  }
0x22c: {  	v23 =	vand.u32 $0x3000, v34;
	v22 =	vand.u32 $0x380, v22;
	v34 =	vor.u32 v2, v21;
	[tilespmem:s6+$0x14050] =	vst v29;
	v24 =	vld.idx.msk [tilespmem:v24+s12+$0x0], $0xffff  }
0x22d: {  	v29 =	vor.u32 v9, v17;
	v22 =	vor.u32 v22, v23;
	v23 =	vld.idx.msk [tilespmem:v30+s12+$0x0], $0xffff;
	[tilespmem:s31+$0x14440] =	vst v25  }
0x22e: {  	v25 =	vor.u32 v0, v22;
	[tilespmem:s7+$0x14030] =	vst v31;
	v26 =	vld.idx.msk [tilespmem:v26+s12+$0x0], $0xffff  }
0x22f: {  	v31 =	vor.u32 v7, v19;
	v30 =	vld.idx.msk [tilespmem:v32+s12+$0x0], $0xffff;
	[tilespmem:s30+$0x14420] =	vst v27  }
0x230: {  	v32 =	vor.u32 v14, v18;
	[tilespmem:s10+$0x14010] =	vst v33;
	v27 =	vld.idx.msk [tilespmem:v35+s12+$0x0], $0xffff  }
0x231: {  	v33 =	vld.idx.msk [tilespmem:v34+s12+$0x0], $0xffff;
	v34 =	vor.u32 v5, v20;
	[tilespmem:s0+$0x14400] =	vst v28  }
0x232: {  	v36 =	vor.u32 v12, v16;
	v35 =	vld.idx.msk [tilespmem:v29+s12+$0x0], $0xffff;
	[tilespmem:s1+$0x14470] =	vst v24;
	s1 =	smov.u32 s31;
	s31 =	smov.u32 s30;
	s30 =	smov.u32 s0  }
0x233: {  	v38 =	vor.u32 v3, v21;
	s0 =	smov.u32 s6;
	v37 =	vld.idx.msk [tilespmem:v25+s12+$0x0], $0xffff;
	[tilespmem:s6+$0x14060] =	vst v23;
	s6 =	smov.u32 s7;
	s7 =	smov.u32 s10  }
0x234: {  	v40 =	vor.u32 v10, v17;
	v39 =	vld.idx.msk [tilespmem:v31+s12+$0x0], $0xffff;
	[tilespmem:s1+$0x14450] =	vst v26  }
0x235: {  	v41 =	vor.u32 v1, v22;
	[tilespmem:s6+$0x14040] =	vst v30;
	v23 =	vld.idx.msk [tilespmem:v32+s12+$0x0], $0xffff  }
.Ltmp4:
0x236: {  	s5 =	sadd.s32 $0x80, s5;
	s22 =	sadd.s32 $0x100, s22;
	v28 =	vor.u32 v8, v19;
	v29 =	vld.idx.msk [tilespmem:v34+s12+$0x0], $0xffff;
	[tilespmem:s31+$0x14430] =	vst v27;
	(pc) =	sbr.rel @p2 .LBB2_7-.Ltmp4, $4  }
0x237: {  	s24 =	sand.u32 $0x380, s5;
	v24 =	vor.u32 v15, v18;
	v18 =	vmovc v16;
	v16 =	vmov v17;
	v17 =	vmov v19;
	s10 =	sand.u32 $0x1800, s22;
	[tilespmem:s7+$0x14020] =	vst v33;
	v25 =	vld.idx.msk [tilespmem:v36+s12+$0x0], $0xffff  }
0x238: {  	v19 =	vmovc v20;
	s10 =	sor.u32 s24, s10;
	v30 =	vor.u32 v6, v20;
	v20 =	vmov v21;
	v21 =	vmov v22;
	v31 =	vld.idx.msk [tilespmem:v38+s12+$0x0], $0xffff;
	[tilespmem:s30+$0x14410] =	vst v35  }
0x239: {  	v26 =	vor.u32 v13, v18;
	[tilespmem:s10+$0x14000] =	vst v37;
	v27 =	vld.idx.msk [tilespmem:v40+s12+$0x0], $0xffff  }
0x23a: {  	v22 =	vmov s23;
	s23 =	sadd.s32 $0x1, s23;
	v32 =	vor.u32 v4, v20;
	v33 =	vld.idx.msk [tilespmem:v41+s12+$0x0], $0xffff;
	[tilespmem:s0+$0x14070] =	vst v39  }
0x23b: {  	v34 =	vshll.u32 v22, $0x9;
	v22 =	vshll.u32 v22, $0x7  }
0x23c: {  	v34 =	vand.u32 $0x3000, v34;
	v22 =	vand.u32 $0x380, v22  }
0x23d: {  	v22 =	vor.u32 v22, v34  }
0x23e: {  	v34 =	vor.u32 v0, v22;
	_ =	sdelay $0x4  }
0x23f: {  	v34 =	vld.idx.msk [tilespmem:v34+s12+$0x0], $0xffff  }
0x240: {  	v35 =	vor.u32 v1, v22  }
0x241: {  	s5 =	sadd.s32 $0x80, s5;
	s22 =	sadd.s32 $0x100, s22  }
0x242: {  	s22 =	sand.u32 $0x1800, s22;
	s5 =	sand.u32 $0x380, s5  }
0x243: {  	s5 =	sor.u32 s5, s22  }
0x244: {  	[tilespmem:s5+$0x14000] =	vst v34  }
0x245: {  	v61 =	vor.u32 v2, v21;
	v35 =	vld.idx.msk [tilespmem:v35+s12+$0x0], $0xffff  }
0x246: {  	v36 =	vor.u32 v2, v22;
	_ =	sdelay $0x2  }
0x247: {  	[tilespmem:s10+$0x14010] =	vst v33  }
0x248: {  	v33 =	vld.idx.msk [tilespmem:v61+s12+$0x0], $0xffff;
	[tilespmem:s5+$0x14010] =	vst v35  }
0x249: {  	v62 =	vor.u32 v3, v21;
	v35 =	vld.idx.msk [tilespmem:v36+s12+$0x0], $0xffff  }
0x24a: {  	v63 =	vor.u32 v3, v22;
	_ =	sdelay $0x2  }
0x24b: {  	[tilespmem:s10+$0x14020] =	vst v33  }
0x24c: {  	v33 =	vld.idx.msk [tilespmem:v62+s12+$0x0], $0xffff;
	[tilespmem:s5+$0x14020] =	vst v35  }
0x24d: {  	v40 =	vor.u32 v4, v21;
	v35 =	vld.idx.msk [tilespmem:v63+s12+$0x0], $0xffff  }
0x24e: {  	v41 =	vor.u32 v4, v22;
	_ =	sdelay $0x1  }
0x24f: {  	[tilespmem:s7+$0x14030] =	vst v31  }
0x250: {  	v31 =	vld.idx.msk [tilespmem:v32+s12+$0x0], $0xffff;
	[tilespmem:s10+$0x14030] =	vst v33  }
0x251: {  	v42 =	vor.u32 v5, v20;
	v33 =	vld.idx.msk [tilespmem:v40+s12+$0x0], $0xffff;
	[tilespmem:s5+$0x14030] =	vst v35  }
0x252: {  	v43 =	vor.u32 v5, v21;
	v35 =	vld.idx.msk [tilespmem:v41+s12+$0x0], $0xffff  }
0x253: {  	v44 =	vor.u32 v5, v22;
	_ =	sdelay $0x1  }
0x254: {  	[tilespmem:s7+$0x14040] =	vst v31  }
0x255: {  	v31 =	vld.idx.msk [tilespmem:v42+s12+$0x0], $0xffff;
	[tilespmem:s10+$0x14040] =	vst v33  }
0x256: {  	v45 =	vor.u32 v6, v20;
	v33 =	vld.idx.msk [tilespmem:v43+s12+$0x0], $0xffff;
	[tilespmem:s5+$0x14040] =	vst v35  }
0x257: {  	v46 =	vor.u32 v6, v21;
	v35 =	vld.idx.msk [tilespmem:v44+s12+$0x0], $0xffff  }
0x258: {  	v47 =	vor.u32 v6, v22  }
0x259: {  	[tilespmem:s6+$0x14050] =	vst v29  }
0x25a: {  	v29 =	vld.idx.msk [tilespmem:v30+s12+$0x0], $0xffff;
	[tilespmem:s7+$0x14050] =	vst v31  }
0x25b: {  	v30 =	vor.u32 v7, v19;
	v31 =	vld.idx.msk [tilespmem:v45+s12+$0x0], $0xffff;
	[tilespmem:s10+$0x14050] =	vst v33  }
0x25c: {  	v48 =	vor.u32 v7, v20;
	v33 =	vld.idx.msk [tilespmem:v46+s12+$0x0], $0xffff;
	[tilespmem:s5+$0x14050] =	vst v35  }
0x25d: {  	[tilespmem:s1+$0x14460] =	vst v23;
	v23 =	vor.u32 v7, v21;
	v49 =	vld.idx.msk [tilespmem:v47+s12+$0x0], $0xffff  }
0x25e: {  	[tilespmem:s31+$0x14440] =	vst v25;
	v25 =	vor.u32 v7, v22  }
0x25f: {  	v28 =	vld.idx.msk [tilespmem:v28+s12+$0x0], $0xffff;
	[tilespmem:s6+$0x14060] =	vst v29  }
0x260: {  	v29 =	vld.idx.msk [tilespmem:v30+s12+$0x0], $0xffff;
	[tilespmem:s7+$0x14060] =	vst v31  }
0x261: {  	v30 =	vor.u32 v8, v19;
	v31 =	vld.idx.msk [tilespmem:v48+s12+$0x0], $0xffff;
	[tilespmem:s10+$0x14060] =	vst v33  }
0x262: {  	v50 =	vor.u32 v8, v20;
	v23 =	vld.idx.msk [tilespmem:v23+s12+$0x0], $0xffff;
	[tilespmem:s5+$0x14060] =	vst v49  }
0x263: {  	[tilespmem:s30+$0x14420] =	vst v27;
	v27 =	vor.u32 v8, v21;
	v25 =	vld.idx.msk [tilespmem:v25+s12+$0x0], $0xffff  }
0x264: {  	v24 =	vld.idx.msk [tilespmem:v24+s12+$0x0], $0xffff;
	[tilespmem:s0+$0x14400] =	vst v28;
	v28 =	vor.u32 v8, v22  }
0x265: {  	v26 =	vld.idx.msk [tilespmem:v26+s12+$0x0], $0xffff;
	[tilespmem:s6+$0x14070] =	vst v29;
	v29 =	vor.u32 v9, v17  }
0x266: {  	v51 =	vor.u32 v11, v16;
	v30 =	vld.idx.msk [tilespmem:v30+s12+$0x0], $0xffff;
	[tilespmem:s7+$0x14070] =	vst v31  }
0x267: {  	v31 =	vor.u32 v9, v19;
	v32 =	vld.idx.msk [tilespmem:v50+s12+$0x0], $0xffff;
	[tilespmem:s10+$0x14070] =	vst v23  }
0x268: {  	v23 =	vor.u32 v9, v20;
	v27 =	vld.idx.msk [tilespmem:v27+s12+$0x0], $0xffff;
	[tilespmem:s5+$0x14070] =	vst v25  }
0x269: {  	[tilespmem:s1+$0x14470] =	vst v24;
	v24 =	vor.u32 v9, v21;
	v25 =	vld.idx.msk [tilespmem:v28+s12+$0x0], $0xffff  }
0x26a: {  	[tilespmem:s31+$0x14450] =	vst v26;
	v26 =	vor.u32 v9, v22;
	v29 =	vld.idx.msk [tilespmem:v29+s12+$0x0], $0xffff  }
0x26b: {  	v52 =	vor.u32 v14, v18;
	[tilespmem:s6+$0x14400] =	vst v30;
	v28 =	vld.idx.msk [tilespmem:v51+s12+$0x0], $0xffff  }
0x26c: {  	v30 =	vor.u32 v10, v17;
	v31 =	vld.idx.msk [tilespmem:v31+s12+$0x0], $0xffff;
	[tilespmem:s7+$0x14400] =	vst v32  }
0x26d: {  	v53 =	vor.u32 v10, v19;
	v23 =	vld.idx.msk [tilespmem:v23+s12+$0x0], $0xffff;
	[tilespmem:s10+$0x14400] =	vst v27  }
0x26e: {  	v27 =	vor.u32 v10, v20;
	v24 =	vld.idx.msk [tilespmem:v24+s12+$0x0], $0xffff;
	[tilespmem:s5+$0x14400] =	vst v25  }
0x26f: {  	[tilespmem:s0+$0x14410] =	vst v29;
	v25 =	vor.u32 v10, v21;
	v26 =	vld.idx.msk [tilespmem:v26+s12+$0x0], $0xffff  }
0x270: {  	v29 =	vor.u32 v10, v22;
	[tilespmem:s30+$0x14430] =	vst v28;
	v28 =	vld.idx.msk [tilespmem:v52+s12+$0x0], $0xffff  }
0x271: {  	v54 =	vor.u32 v12, v16;
	v30 =	vld.idx.msk [tilespmem:v30+s12+$0x0], $0xffff;
	[tilespmem:s6+$0x14410] =	vst v31  }
0x272: {  	v31 =	vor.u32 v11, v17;
	v32 =	vld.idx.msk [tilespmem:v53+s12+$0x0], $0xffff;
	[tilespmem:s7+$0x14410] =	vst v23  }
0x273: {  	v23 =	vor.u32 v11, v19;
	v27 =	vld.idx.msk [tilespmem:v27+s12+$0x0], $0xffff;
	[tilespmem:s10+$0x14410] =	vst v24  }
0x274: {  	v24 =	vor.u32 v11, v20;
	v25 =	vld.idx.msk [tilespmem:v25+s12+$0x0], $0xffff;
	[tilespmem:s5+$0x14410] =	vst v26  }
0x275: {  	[tilespmem:s31+$0x14460] =	vst v28;
	v26 =	vor.u32 v11, v21;
	v28 =	vld.idx.msk [tilespmem:v29+s12+$0x0], $0xffff  }
0x276: {  	[tilespmem:s0+$0x14420] =	vst v30;
	v30 =	vor.u32 v11, v22;
	v29 =	vld.idx.msk [tilespmem:v54+s12+$0x0], $0xffff  }
0x277: {  	v18 =	vor.u32 v15, v18;
	v31 =	vld.idx.msk [tilespmem:v31+s12+$0x0], $0xffff;
	[tilespmem:s6+$0x14420] =	vst v32  }
0x278: {  	v55 =	vor.u32 v12, v17;
	v23 =	vld.idx.msk [tilespmem:v23+s12+$0x0], $0xffff;
	[tilespmem:s7+$0x14420] =	vst v27  }
0x279: {  	v27 =	vor.u32 v12, v19;
	v24 =	vld.idx.msk [tilespmem:v24+s12+$0x0], $0xffff;
	[tilespmem:s10+$0x14420] =	vst v25  }
0x27a: {  	v25 =	vor.u32 v12, v20;
	v26 =	vld.idx.msk [tilespmem:v26+s12+$0x0], $0xffff;
	[tilespmem:s5+$0x14420] =	vst v28  }
0x27b: {  	[tilespmem:s30+$0x14440] =	vst v29;
	v28 =	vor.u32 v12, v21;
	v29 =	vld.idx.msk [tilespmem:v30+s12+$0x0], $0xffff  }
0x27c: {  	[tilespmem:s0+$0x14430] =	vst v31;
	v18 =	vld.idx.msk [tilespmem:v18+s12+$0x0], $0xffff;
	v30 =	vor.u32 v12, v22  }
0x27d: {  	v31 =	vor.u32 v13, v16;
	v32 =	vld.idx.msk [tilespmem:v55+s12+$0x0], $0xffff;
	[tilespmem:s6+$0x14430] =	vst v23  }
0x27e: {  	v23 =	vor.u32 v13, v17;
	v27 =	vld.idx.msk [tilespmem:v27+s12+$0x0], $0xffff;
	[tilespmem:s7+$0x14430] =	vst v24  }
0x27f: {  	v24 =	vor.u32 v13, v19;
	v25 =	vld.idx.msk [tilespmem:v25+s12+$0x0], $0xffff;
	[tilespmem:s10+$0x14430] =	vst v26  }
0x280: {  	v26 =	vor.u32 v13, v20;
	v28 =	vld.idx.msk [tilespmem:v28+s12+$0x0], $0xffff;
	[tilespmem:s5+$0x14430] =	vst v29  }
0x281: {  	[tilespmem:s31+$0x14470] =	vst v18;
	v18 =	vor.u32 v13, v21;
	v29 =	vld.idx.msk [tilespmem:v30+s12+$0x0], $0xffff  }
0x282: {  	[tilespmem:s0+$0x14440] =	vst v32;
	v30 =	vld.idx.msk [tilespmem:v31+s12+$0x0], $0xffff;
	v31 =	vor.u32 v13, v22  }
0x283: {  	v56 =	vor.u32 v14, v16;
	v23 =	vld.idx.msk [tilespmem:v23+s12+$0x0], $0xffff;
	[tilespmem:s6+$0x14440] =	vst v27  }
0x284: {  	v27 =	vor.u32 v14, v17;
	v24 =	vld.idx.msk [tilespmem:v24+s12+$0x0], $0xffff;
	[tilespmem:s7+$0x14440] =	vst v25  }
0x285: {  	v25 =	vor.u32 v14, v19;
	v26 =	vld.idx.msk [tilespmem:v26+s12+$0x0], $0xffff;
	[tilespmem:s10+$0x14440] =	vst v28  }
0x286: {  	v28 =	vor.u32 v14, v20;
	v18 =	vld.idx.msk [tilespmem:v18+s12+$0x0], $0xffff;
	[tilespmem:s5+$0x14440] =	vst v29  }
0x287: {  	[tilespmem:s30+$0x14450] =	vst v30;
	v29 =	vor.u32 v14, v21;
	v30 =	vld.idx.msk [tilespmem:v31+s12+$0x0], $0xffff  }
0x288: {  	[tilespmem:s0+$0x14450] =	vst v23;
	v23 =	vor.u32 v14, v22;
	v31 =	vld.idx.msk [tilespmem:v56+s12+$0x0], $0xffff  }
0x289: {  	v16 =	vor.u32 v15, v16;
	v27 =	vld.idx.msk [tilespmem:v27+s12+$0x0], $0xffff;
	[tilespmem:s6+$0x14450] =	vst v24  }
0x28a: {  	v17 =	vor.u32 v15, v17;
	v24 =	vld.idx.msk [tilespmem:v25+s12+$0x0], $0xffff;
	[tilespmem:s7+$0x14450] =	vst v26  }
0x28b: {  	v19 =	vor.u32 v15, v19;
	v25 =	vld.idx.msk [tilespmem:v28+s12+$0x0], $0xffff;
	[tilespmem:s10+$0x14450] =	vst v18  }
0x28c: {  	v18 =	vor.u32 v15, v20;
	v20 =	vld.idx.msk [tilespmem:v29+s12+$0x0], $0xffff;
	[tilespmem:s5+$0x14450] =	vst v30  }
0x28d: {  	v21 =	vor.u32 v15, v21;
	[tilespmem:s30+$0x14460] =	vst v31;
	v23 =	vld.idx.msk [tilespmem:v23+s12+$0x0], $0xffff  }
0x28e: {  	[tilespmem:s0+$0x14460] =	vst v27;
	v22 =	vor.u32 v15, v22;
	v16 =	vld.idx.msk [tilespmem:v16+s12+$0x0], $0xffff  }
0x28f: {  	v17 =	vld.idx.msk [tilespmem:v17+s12+$0x0], $0xffff;
	[tilespmem:s6+$0x14460] =	vst v24  }
0x290: {  	v19 =	vld.idx.msk [tilespmem:v19+s12+$0x0], $0xffff;
	[tilespmem:s7+$0x14460] =	vst v25  }
0x291: {  	v18 =	vld.idx.msk [tilespmem:v18+s12+$0x0], $0xffff;
	[tilespmem:s10+$0x14460] =	vst v20  }
0x292: {  	v20 =	vld.idx.msk [tilespmem:v21+s12+$0x0], $0xffff;
	[tilespmem:s5+$0x14460] =	vst v23  }
0x293: {  	[tilespmem:s30+$0x14470] =	vst v16;
	v16 =	vld.idx.msk [tilespmem:v22+s12+$0x0], $0xffff  }
0x294: {  	[tilespmem:s0+$0x14470] =	vst v17  }
0x295: {  	[tilespmem:s6+$0x14470] =	vst v19  }
0x296: {  	[tilespmem:s7+$0x14470] =	vst v18  }
0x297: {  	s23 =	sshll.u32 s8, $0x5;
	[tilespmem:s10+$0x14470] =	vst v20  }
0x298: {  	s24 =	simm.s32 $0x0;
	s1 =	sshll.u32 @!p1 s8, $0x6;
	s0 =	sadd.s32 s2, s23;
	[tilespmem:s5+$0x14470] =	vst v16  }
0x299: {  	v16 =	vmov s24;
	[hbm4b:s0+s3] =	stream.linear.scatter [tilespmem:s19], [sflag:$0x7], $0x2000, $0x38;
	[tilespmem:$0x18000] =	vst v63  }
0x29a: {  	s1 =	sadd.s32 @!p1 s1, s9;
	s6 =	simm.s32 @!p1 $0x8000;
	s5 =	simm.s32 @!p1 $0x0;
	v17 =	vshll.u32 v16, $0x9;
	v16 =	vshll.u32 v16, $0x7  }
0x29b: {  	v17 =	vand.u32 $0x3000, v17;
	v16 =	vand.u32 $0x380, v16;
	[tilespmem:s6], [sflag:$0x3] =	stream.linear.gather @!p1 [hbm4b:s1+s5], $0x4000, $0x38;
	[tilespmem:$0x18000] =	vst v63  }
0x29c: {  	v22 =	vor.u32 v16, v17;
	_ =	swait.ge [sflag:s20], $0x4000  }
0x29d: {  	v16 =	vor.u32 v0, v22;
	[sflag:s20] =	ssyncset.done $0x0  }
0x29e: {  	s1 =	simm.s32 @!p0 $0x8;
	[sflag:s20] =	ssyncadd.s32 $0xFFFFC000  }
0x29f: {  	_ =	swait.ge @!p0 [sflag:s1], $0x2000  }
0x2a0: {  	[sflag:s1] =	ssyncset.done @!p0 $0x0  }
0x2a1: {  	[sflag:s1] =	ssyncadd.s32 @!p0 $0xFFFFE000  }
0x2a2: {  	v16 =	vld.idx.msk [tilespmem:v16+s13+$0x0], $0xffff  }
0x2a3: {  	v17 =	vor.u32 v1, v22;
	_ =	sdelay $0x1  }
0x2a4: {  	s0 =	sand.u32 $0x380, s24;
	s5 =	sand.u32 $0x1800, s24  }
0x2a5: {  	s6 =	simm.s32 $0x1;
	s1 =	sor.u32 s0, s5  }
0x2a6: {  	[tilespmem:s1+$0x16000] =	vst v16;
	v16 =	vmov s6  }
0x2a7: {  	v17 =	vld.idx.msk [tilespmem:v17+s13+$0x0], $0xffff;
	v18 =	vshll.u32 v16, $0x9;
	v16 =	vshll.u32 v16, $0x7  }
0x2a8: {  	v19 =	vor.u32 v2, v22;
	v18 =	vand.u32 $0x3000, v18;
	v16 =	vand.u32 $0x380, v16  }
0x2a9: {  	v18 =	vor.u32 v16, v18  }
0x2aa: {  	v16 =	vor.u32 v0, v18;
	_ =	sdelay $0x1  }
0x2ab: {  	[tilespmem:s1+$0x16010] =	vst v17  }
0x2ac: {  	v17 =	vld.idx.msk [tilespmem:v19+s13+$0x0], $0xffff  }
0x2ad: {  	v19 =	vor.u32 v3, v22  }
0x2ae: {  	v16 =	vld.idx.msk [tilespmem:v16+s13+$0x0], $0xffff  }
0x2af: {  	v20 =	vor.u32 v1, v18  }
0x2b0: {  	s8 =	simm.s32 $0x100;
	s7 =	simm.s32 $0x80  }
0x2b1: {  	s5 =	sand.u32 $0x1800, s8;
	s0 =	sand.u32 $0x380, s7;
	[tilespmem:s1+$0x16020] =	vst v17  }
0x2b2: {  	s10 =	simm.s32 $0x2;
	s31 =	sor.u32 s0, s5;
	v17 =	vld.idx.msk [tilespmem:v19+s13+$0x0], $0xffff  }
0x2b3: {  	v19 =	vor.u32 v4, v22;
	[tilespmem:s31+$0x16000] =	vst v16;
	v16 =	vmov s10  }
0x2b4: {  	v20 =	vld.idx.msk [tilespmem:v20+s13+$0x0], $0xffff;
	v21 =	vshll.u32 v16, $0x9;
	v16 =	vshll.u32 v16, $0x7  }
0x2b5: {  	v23 =	vor.u32 v2, v18;
	v21 =	vand.u32 $0x3000, v21;
	v16 =	vand.u32 $0x380, v16  }
0x2b6: {  	v16 =	vor.u32 v16, v21  }
0x2b7: {  	v21 =	vor.u32 v0, v16;
	[tilespmem:s1+$0x16030] =	vst v17  }
0x2b8: {  	v17 =	vld.idx.msk [tilespmem:v19+s13+$0x0], $0xffff  }
0x2b9: {  	v19 =	vor.u32 v5, v22;
	[tilespmem:s31+$0x16010] =	vst v20  }
0x2ba: {  	v20 =	vld.idx.msk [tilespmem:v23+s13+$0x0], $0xffff  }
0x2bb: {  	v23 =	vor.u32 v3, v18  }
0x2bc: {  	v21 =	vld.idx.msk [tilespmem:v21+s13+$0x0], $0xffff  }
0x2bd: {  	v24 =	vor.u32 v1, v16;
	[tilespmem:s1+$0x16040] =	vst v17  }
0x2be: {  	s22 =	simm.s32 $0x100;
	s23 =	simm.s32 $0x200;
	v17 =	vld.idx.msk [tilespmem:v19+s13+$0x0], $0xffff  }
0x2bf: {  	s24 =	simm.s32 $0x3;
	s5 =	sand.u32 $0x1800, s23;
	s0 =	sand.u32 $0x380, s22;
	v19 =	vor.u32 v6, v22;
	[tilespmem:s31+$0x16020] =	vst v20  }
0x2c0: {  	s30 =	sor.u32 s0, s5;
	v20 =	vld.idx.msk [tilespmem:v23+s13+$0x0], $0xffff;
	v23 =	vmov s24  }
0x2c1: {  	[tilespmem:s30+$0x16000] =	vst v21;
	v21 =	vor.u32 v4, v18;
	v25 =	vshll.u32 v23, $0x9;
	v23 =	vshll.u32 v23, $0x7  }
0x2c2: {  	v24 =	vld.idx.msk [tilespmem:v24+s13+$0x0], $0xffff;
	v25 =	vand.u32 $0x3000, v25;
	v23 =	vand.u32 $0x380, v23  }
0x2c3: {  	v26 =	vor.u32 v2, v16;
	[tilespmem:s1+$0x16050] =	vst v17;
	v17 =	vor.u32 v23, v25  }
0x2c4: {  	v19 =	vld.idx.msk [tilespmem:v19+s13+$0x0], $0xffff;
	v23 =	vor.u32 v0, v17  }
0x2c5: {  	[tilespmem:s31+$0x16030] =	vst v20;
	v20 =	vor.u32 v7, v22  }
0x2c6: {  	v21 =	vld.idx.msk [tilespmem:v21+s13+$0x0], $0xffff  }
0x2c7: {  	[tilespmem:s30+$0x16010] =	vst v24;
	v24 =	vor.u32 v5, v18  }
0x2c8: {  	v25 =	vld.idx.msk [tilespmem:v26+s13+$0x0], $0xffff  }
0x2c9: {  	v26 =	vor.u32 v3, v16;
	v23 =	vld.idx.msk [tilespmem:v23+s13+$0x0], $0xffff;
	[tilespmem:s1+$0x16060] =	vst v19  }
0x2ca: {  	v19 =	vld.idx.msk [tilespmem:v20+s13+$0x0], $0xffff;
	v20 =	vor.u32 v1, v17  }
0x2cb: {  	s7 =	simm.s32 $0x300;
	s6 =	simm.s32 $0x180;
	[tilespmem:s31+$0x16040] =	vst v21;
	v21 =	vor.u32 v8, v22  }
0x2cc: {  	s5 =	sand.u32 $0x1800, s7;
	s0 =	sand.u32 $0x380, s6;
	v24 =	vld.idx.msk [tilespmem:v24+s13+$0x0], $0xffff  }
0x2cd: {  	s8 =	simm.s32 $0x4;
	s0 =	sor.u32 s0, s5;
	[tilespmem:s30+$0x16020] =	vst v25;
	v25 =	vor.u32 v6, v18  }
0x2ce: {  	v26 =	vld.idx.msk [tilespmem:v26+s13+$0x0], $0xffff;
	[tilespmem:s0+$0x16000] =	vst v23;
	v23 =	vmov s8  }
0x2cf: {  	v27 =	vor.u32 v4, v16;
	v20 =	vld.idx.msk [tilespmem:v20+s13+$0x0], $0xffff;
	[tilespmem:s1+$0x16070] =	vst v19;
	v19 =	vshll.u32 v23, $0x9;
	v23 =	vshll.u32 v23, $0x7  }
0x2d0: {  	v28 =	vor.u32 v2, v17;
	v21 =	vld.idx.msk [tilespmem:v21+s13+$0x0], $0xffff;
	v19 =	vand.u32 $0x3000, v19;
	v23 =	vand.u32 $0x380, v23  }
0x2d1: {  	[tilespmem:s31+$0x16050] =	vst v24;
	v19 =	vor.u32 v23, v19;
	v23 =	vor.u32 v9, v22  }
0x2d2: {  	v24 =	vld.idx.msk [tilespmem:v25+s13+$0x0], $0xffff;
	v25 =	vor.u32 v0, v19  }
0x2d3: {  	[tilespmem:s30+$0x16030] =	vst v26;
	v26 =	vor.u32 v7, v18  }
0x2d4: {  	v27 =	vld.idx.msk [tilespmem:v27+s13+$0x0], $0xffff;
	[tilespmem:s0+$0x16010] =	vst v20  }
0x2d5: {  	v20 =	vld.idx.msk [tilespmem:v28+s13+$0x0], $0xffff;
	v28 =	vor.u32 v5, v16;
	[tilespmem:s1+$0x16400] =	vst v21  }
0x2d6: {  	v21 =	vld.idx.msk [tilespmem:v23+s13+$0x0], $0xffff;
	v23 =	vor.u32 v3, v17  }
0x2d7: {  	v25 =	vld.idx.msk [tilespmem:v25+s13+$0x0], $0xffff;
	[tilespmem:s31+$0x16060] =	vst v24;
	v24 =	vor.u32 v10, v22  }
0x2d8: {  	v29 =	vor.u32 v1, v19;
	v26 =	vld.idx.msk [tilespmem:v26+s13+$0x0], $0xffff  }
0x2d9: {  	s22 =	simm.s32 $0x400;
	s10 =	simm.s32 $0x200;
	[tilespmem:s30+$0x16040] =	vst v27;
	v27 =	vor.u32 v8, v18  }
0x2da: {  	s6 =	sand.u32 $0x1800, s22;
	s5 =	sand.u32 $0x380, s10;
	v28 =	vld.idx.msk [tilespmem:v28+s13+$0x0], $0xffff;
	[tilespmem:s0+$0x16020] =	vst v20  }
0x2db: {  	s23 =	simm.s32 $0x5;
	s6 =	sor.u32 s5, s6;
	v30 =	vor.u32 v6, v16;
	v23 =	vld.idx.msk [tilespmem:v23+s13+$0x0], $0xffff;
	[tilespmem:s1+$0x16410] =	vst v21  }
0x2dc: {  	v20 =	vmov s23;
	[tilespmem:s6+$0x16000] =	vst v25;
	v21 =	vld.idx.msk [tilespmem:v24+s13+$0x0], $0xffff;
	v24 =	vor.u32 v4, v17  }
0x2dd: {  	v25 =	vld.idx.msk [tilespmem:v29+s13+$0x0], $0xffff;
	[tilespmem:s31+$0x16070] =	vst v26;
	v26 =	vshll.u32 v20, $0x9;
	v20 =	vshll.u32 v20, $0x7;
	v29 =	vor.u32 v11, v22  }
0x2de: {  	v31 =	vor.u32 v2, v19;
	v27 =	vld.idx.msk [tilespmem:v27+s13+$0x0], $0xffff;
	v26 =	vand.u32 $0x3000, v26;
	v20 =	vand.u32 $0x380, v20  }
0x2df: {  	[tilespmem:s30+$0x16050] =	vst v28;
	v20 =	vor.u32 v20, v26;
	v26 =	vor.u32 v9, v18  }
0x2e0: {  	v28 =	vld.idx.msk [tilespmem:v30+s13+$0x0], $0xffff;
	v30 =	vor.u32 v0, v20;
	[tilespmem:s0+$0x16030] =	vst v23  }
0x2e1: {  	v23 =	vld.idx.msk [tilespmem:v24+s13+$0x0], $0xffff;
	v24 =	vor.u32 v7, v16;
	[tilespmem:s1+$0x16420] =	vst v21  }
0x2e2: {  	[tilespmem:s6+$0x16010] =	vst v25;
	v21 =	vld.idx.msk [tilespmem:v29+s13+$0x0], $0xffff;
	v25 =	vor.u32 v5, v17  }
0x2e3: {  	v29 =	vld.idx.msk [tilespmem:v31+s13+$0x0], $0xffff;
	[tilespmem:s31+$0x16400] =	vst v27;
	v27 =	vor.u32 v12, v22  }
0x2e4: {  	v31 =	vor.u32 v3, v19;
	v26 =	vld.idx.msk [tilespmem:v26+s13+$0x0], $0xffff  }
0x2e5: {  	v30 =	vld.idx.msk [tilespmem:v30+s13+$0x0], $0xffff;
	[tilespmem:s30+$0x16060] =	vst v28;
	v28 =	vor.u32 v10, v18  }
0x2e6: {  	v57 =	vor.u32 v1, v20;
	v24 =	vld.idx.msk [tilespmem:v24+s13+$0x0], $0xffff;
	[tilespmem:s0+$0x16040] =	vst v23  }
0x2e7: {  	s24 =	simm.s32 $0x280;
	s8 =	simm.s32 $0x500;
	v23 =	vld.idx.msk [tilespmem:v25+s13+$0x0], $0xffff;
	v25 =	vor.u32 v8, v16;
	[tilespmem:s1+$0x16430] =	vst v21  }
0x2e8: {  	s5 =	sand.u32 $0x380, s24;
	s7 =	sand.u32 $0x1800, s8;
	[tilespmem:s6+$0x16020] =	vst v29;
	v27 =	vld.idx.msk [tilespmem:v27+s13+$0x0], $0xffff;
	v29 =	vor.u32 v6, v17  }
0x2e9: {  	s10 =	simm.s32 $0x6;
	s7 =	sor.u32 s5, s7;
	v31 =	vld.idx.msk [tilespmem:v31+s13+$0x0], $0xffff;
	[tilespmem:s31+$0x16410] =	vst v26;
	v26 =	vor.u32 v13, v22  }
0x2ea: {  	v21 =	vmov s10;
	[tilespmem:s7+$0x16000] =	vst v30;
	v28 =	vld.idx.msk [tilespmem:v28+s13+$0x0], $0xffff;
	v30 =	vor.u32 v4, v19  }
0x2eb: {  	v58 =	vor.u32 v11, v18;
	v32 =	vld.idx.msk [tilespmem:v57+s13+$0x0], $0xffff;
	[tilespmem:s30+$0x16070] =	vst v24;
	v24 =	vshll.u32 v21, $0x9;
	v21 =	vshll.u32 v21, $0x7  }
0x2ec: {  	v59 =	vor.u32 v2, v20;
	v25 =	vld.idx.msk [tilespmem:v25+s13+$0x0], $0xffff;
	v24 =	vand.u32 $0x3000, v24;
	v21 =	vand.u32 $0x380, v21;
	[tilespmem:s0+$0x16050] =	vst v23  }
0x2ed: {  	v21 =	vor.u32 v21, v24;
	v23 =	vld.idx.msk [tilespmem:v29+s13+$0x0], $0xffff;
	v24 =	vor.u32 v9, v16;
	[tilespmem:s1+$0x16440] =	vst v27  }
0x2ee: {  	v27 =	vor.u32 v0, v21;
	[tilespmem:s6+$0x16030] =	vst v31;
	v26 =	vld.idx.msk [tilespmem:v26+s13+$0x0], $0xffff  }
0x2ef: {  	v29 =	vld.idx.msk [tilespmem:v30+s13+$0x0], $0xffff;
	v30 =	vor.u32 v7, v17;
	[tilespmem:s31+$0x16420] =	vst v28  }
0x2f0: {  	v31 =	vor.u32 v14, v22;
	[tilespmem:s7+$0x16010] =	vst v32;
	v28 =	vld.idx.msk [tilespmem:v58+s13+$0x0], $0xffff  }
0x2f1: {  	v60 =	vor.u32 v5, v19;
	v32 =	vld.idx.msk [tilespmem:v59+s13+$0x0], $0xffff;
	[tilespmem:s30+$0x16400] =	vst v25  }
0x2f2: {  	v25 =	vor.u32 v12, v18;
	v24 =	vld.idx.msk [tilespmem:v24+s13+$0x0], $0xffff;
	[tilespmem:s0+$0x16060] =	vst v23  }
0x2f3: {  	v61 =	vor.u32 v3, v20;
	v27 =	vld.idx.msk [tilespmem:v27+s13+$0x0], $0xffff;
	[tilespmem:s1+$0x16450] =	vst v26  }
0x2f4: {  	v63 =	vor.u32 v10, v16;
	v62 =	vld.idx.msk [tilespmem:v30+s13+$0x0], $0xffff;
	[tilespmem:s6+$0x16040] =	vst v29  }
0x2f5: {  	v37 =	vor.u32 v1, v21;
	v23 =	vld.idx.msk [tilespmem:v31+s13+$0x0], $0xffff;
	[tilespmem:s31+$0x16430] =	vst v28  }
0x2f6: {  	s5 =	simm.s32 $0x300;
	s10 =	simm.s32 $0x600;
	v29 =	vld.idx.msk [tilespmem:v60+s13+$0x0], $0xffff;
	v28 =	vor.u32 v8, v17;
	[tilespmem:s7+$0x16020] =	vst v32  }
0x2f7: {  	s23 =	sand.u32 $0x380, s5;
	s22 =	sand.u32 $0x1800, s10;
	v25 =	vld.idx.msk [tilespmem:v25+s13+$0x0], $0xffff;
	[tilespmem:s30+$0x16410] =	vst v24;
	v24 =	vor.u32 v15, v22  }
0x2f8: {  	s8 =	sor.u32 s23, s22;
	v30 =	vor.u32 v6, v19;
	v31 =	vld.idx.msk [tilespmem:v61+s13+$0x0], $0xffff  }
0x2f9: {  	s24 =	simm.s32 $0x7;
	v26 =	vor.u32 v13, v18;
	[tilespmem:s8+$0x16000] =	vst v27;
	v27 =	vld.idx.msk [tilespmem:v63+s13+$0x0], $0xffff  }
0x2fa: {  	s29 =	sor.u32 $0x60, s29;
	s22 =	simm.s32 $0x8;
	v32 =	vor.u32 v4, v20;
	v22 =	vmov s24;
	v33 =	vld.idx.msk [tilespmem:v37+s13+$0x0], $0xffff;
	[tilespmem:s0+$0x16070] =	vst v62  }
.LBB2_9:
0x2fb: {  	p0 =	sne.s32 s22, $0x1F;
	v34 =	vshll.u32 v22, $0x9;
	v22 =	vshll.u32 v22, $0x7;
	v28 =	vld.idx.msk [tilespmem:v28+s13+$0x0], $0xffff;
	v35 =	vor.u32 v11, v16;
	[tilespmem:s1+$0x16460] =	vst v23  }
0x2fc: {  	v23 =	vand.u32 $0x3000, v34;
	v22 =	vand.u32 $0x380, v22;
	v34 =	vor.u32 v2, v21;
	[tilespmem:s6+$0x16050] =	vst v29;
	v24 =	vld.idx.msk [tilespmem:v24+s13+$0x0], $0xffff  }
0x2fd: {  	v29 =	vor.u32 v9, v17;
	v22 =	vor.u32 v22, v23;
	v23 =	vld.idx.msk [tilespmem:v30+s13+$0x0], $0xffff;
	[tilespmem:s31+$0x16440] =	vst v25  }
0x2fe: {  	v25 =	vor.u32 v0, v22;
	[tilespmem:s7+$0x16030] =	vst v31;
	v26 =	vld.idx.msk [tilespmem:v26+s13+$0x0], $0xffff  }
0x2ff: {  	v31 =	vor.u32 v7, v19;
	v30 =	vld.idx.msk [tilespmem:v32+s13+$0x0], $0xffff;
	[tilespmem:s30+$0x16420] =	vst v27  }
0x300: {  	v32 =	vor.u32 v14, v18;
	[tilespmem:s8+$0x16010] =	vst v33;
	v27 =	vld.idx.msk [tilespmem:v35+s13+$0x0], $0xffff  }
0x301: {  	v33 =	vld.idx.msk [tilespmem:v34+s13+$0x0], $0xffff;
	v34 =	vor.u32 v5, v20;
	[tilespmem:s0+$0x16400] =	vst v28  }
0x302: {  	v36 =	vor.u32 v12, v16;
	v35 =	vld.idx.msk [tilespmem:v29+s13+$0x0], $0xffff;
	[tilespmem:s1+$0x16470] =	vst v24;
	s1 =	smov.u32 s31;
	s31 =	smov.u32 s30;
	s30 =	smov.u32 s0  }
0x303: {  	v38 =	vor.u32 v3, v21;
	s0 =	smov.u32 s6;
	v37 =	vld.idx.msk [tilespmem:v25+s13+$0x0], $0xffff;
	[tilespmem:s6+$0x16060] =	vst v23;
	s6 =	smov.u32 s7;
	s7 =	smov.u32 s8  }
0x304: {  	v40 =	vor.u32 v10, v17;
	v39 =	vld.idx.msk [tilespmem:v31+s13+$0x0], $0xffff;
	[tilespmem:s1+$0x16450] =	vst v26  }
0x305: {  	v41 =	vor.u32 v1, v22;
	[tilespmem:s6+$0x16040] =	vst v30;
	v23 =	vld.idx.msk [tilespmem:v32+s13+$0x0], $0xffff  }
.Ltmp5:
0x306: {  	s5 =	sadd.s32 $0x80, s5;
	s10 =	sadd.s32 $0x100, s10;
	v28 =	vor.u32 v8, v19;
	v29 =	vld.idx.msk [tilespmem:v34+s13+$0x0], $0xffff;
	[tilespmem:s31+$0x16430] =	vst v27;
	(pc) =	sbr.rel @p0 .LBB2_9-.Ltmp5, $4  }
0x307: {  	s23 =	sand.u32 $0x380, s5;
	v24 =	vor.u32 v15, v18;
	v18 =	vmovc v16;
	v16 =	vmov v17;
	v17 =	vmov v19;
	s8 =	sand.u32 $0x1800, s10;
	[tilespmem:s7+$0x16020] =	vst v33;
	v25 =	vld.idx.msk [tilespmem:v36+s13+$0x0], $0xffff  }
0x308: {  	v19 =	vmovc v20;
	s8 =	sor.u32 s23, s8;
	v30 =	vor.u32 v6, v20;
	v20 =	vmov v21;
	v21 =	vmov v22;
	v31 =	vld.idx.msk [tilespmem:v38+s13+$0x0], $0xffff;
	[tilespmem:s30+$0x16410] =	vst v35  }
0x309: {  	v26 =	vor.u32 v13, v18;
	[tilespmem:s8+$0x16000] =	vst v37;
	v27 =	vld.idx.msk [tilespmem:v40+s13+$0x0], $0xffff  }
0x30a: {  	v22 =	vmov s22;
	s22 =	sadd.s32 $0x1, s22;
	v32 =	vor.u32 v4, v20;
	v33 =	vld.idx.msk [tilespmem:v41+s13+$0x0], $0xffff;
	[tilespmem:s0+$0x16070] =	vst v39  }
0x30b: {  	v34 =	vshll.u32 v22, $0x9;
	v49 =	vshll.u32 v22, $0x7  }
0x30c: {  	v34 =	vand.u32 $0x3000, v34;
	v22 =	vand.u32 $0x380, v49  }
0x30d: {  	v22 =	vor.u32 v22, v34  }
0x30e: {  	v34 =	vor.u32 v0, v22;
	_ =	sdelay $0x4  }
0x30f: {  	v34 =	vld.idx.msk [tilespmem:v34+s13+$0x0], $0xffff  }
0x310: {  	v35 =	vor.u32 v1, v22  }
0x311: {  	s5 =	sadd.s32 $0x80, s5;
	s10 =	sadd.s32 $0x100, s10  }
0x312: {  	s10 =	sand.u32 $0x1800, s10;
	s5 =	sand.u32 $0x380, s5  }
0x313: {  	s5 =	sor.u32 s5, s10  }
0x314: {  	[tilespmem:s5+$0x16000] =	vst v34  }
0x315: {  	v50 =	vor.u32 v2, v21;
	v35 =	vld.idx.msk [tilespmem:v35+s13+$0x0], $0xffff  }
0x316: {  	v36 =	vor.u32 v2, v22;
	_ =	sdelay $0x2  }
0x317: {  	[tilespmem:s8+$0x16010] =	vst v33  }
0x318: {  	v33 =	vld.idx.msk [tilespmem:v50+s13+$0x0], $0xffff;
	[tilespmem:s5+$0x16010] =	vst v35  }
0x319: {  	v51 =	vor.u32 v3, v21;
	v35 =	vld.idx.msk [tilespmem:v36+s13+$0x0], $0xffff  }
0x31a: {  	v52 =	vor.u32 v3, v22;
	_ =	sdelay $0x2  }
0x31b: {  	[tilespmem:s8+$0x16020] =	vst v33  }
0x31c: {  	v33 =	vld.idx.msk [tilespmem:v51+s13+$0x0], $0xffff;
	[tilespmem:s5+$0x16020] =	vst v35  }
0x31d: {  	v53 =	vor.u32 v4, v21;
	v35 =	vld.idx.msk [tilespmem:v52+s13+$0x0], $0xffff  }
0x31e: {  	v54 =	vor.u32 v4, v22;
	_ =	sdelay $0x1  }
0x31f: {  	[tilespmem:s7+$0x16030] =	vst v31  }
0x320: {  	v31 =	vld.idx.msk [tilespmem:v32+s13+$0x0], $0xffff;
	[tilespmem:s8+$0x16030] =	vst v33  }
0x321: {  	v55 =	vor.u32 v5, v20;
	v33 =	vld.idx.msk [tilespmem:v53+s13+$0x0], $0xffff;
	[tilespmem:s5+$0x16030] =	vst v35  }
0x322: {  	v56 =	vor.u32 v5, v21;
	v35 =	vld.idx.msk [tilespmem:v54+s13+$0x0], $0xffff  }
0x323: {  	v57 =	vor.u32 v5, v22;
	_ =	sdelay $0x1  }
0x324: {  	[tilespmem:s7+$0x16040] =	vst v31  }
0x325: {  	v31 =	vld.idx.msk [tilespmem:v55+s13+$0x0], $0xffff;
	[tilespmem:s8+$0x16040] =	vst v33  }
0x326: {  	v58 =	vor.u32 v6, v20;
	v33 =	vld.idx.msk [tilespmem:v56+s13+$0x0], $0xffff;
	[tilespmem:s5+$0x16040] =	vst v35  }
0x327: {  	v59 =	vor.u32 v6, v21;
	[tilespmem:s6+$0x16050] =	vst v29;
	v35 =	vld.idx.msk [tilespmem:v57+s13+$0x0], $0xffff  }
0x328: {  	v29 =	vld.idx.msk [tilespmem:v30+s13+$0x0], $0xffff;
	v60 =	vor.u32 v6, v22  }
0x329: {  	v61 =	vor.u32 v7, v19  }
0x32a: {  	[tilespmem:s7+$0x16050] =	vst v31  }
0x32b: {  	v31 =	vld.idx.msk [tilespmem:v58+s13+$0x0], $0xffff;
	[tilespmem:s8+$0x16050] =	vst v33  }
0x32c: {  	v62 =	vor.u32 v7, v20;
	v33 =	vld.idx.msk [tilespmem:v59+s13+$0x0], $0xffff;
	[tilespmem:s5+$0x16050] =	vst v35  }
0x32d: {  	v63 =	vor.u32 v7, v21;
	[tilespmem:s6+$0x16060] =	vst v29;
	v37 =	vld.idx.msk [tilespmem:v60+s13+$0x0], $0xffff  }
0x32e: {  	[tilespmem:s1+$0x16460] =	vst v23;
	v38 =	vor.u32 v7, v22;
	v29 =	vld.idx.msk [tilespmem:v61+s13+$0x0], $0xffff  }
0x32f: {  	v39 =	vor.u32 v8, v19;
	[tilespmem:s31+$0x16440] =	vst v25  }
0x330: {  	v28 =	vld.idx.msk [tilespmem:v28+s13+$0x0], $0xffff;
	[tilespmem:s7+$0x16060] =	vst v31  }
0x331: {  	v31 =	vld.idx.msk [tilespmem:v62+s13+$0x0], $0xffff;
	[tilespmem:s8+$0x16060] =	vst v33  }
0x332: {  	v40 =	vor.u32 v8, v20;
	v23 =	vld.idx.msk [tilespmem:v63+s13+$0x0], $0xffff;
	[tilespmem:s5+$0x16060] =	vst v37  }
0x333: {  	v41 =	vor.u32 v8, v21;
	[tilespmem:s6+$0x16070] =	vst v29;
	v25 =	vld.idx.msk [tilespmem:v38+s13+$0x0], $0xffff  }
0x334: {  	[tilespmem:s30+$0x16420] =	vst v27;
	v42 =	vor.u32 v8, v22;
	v30 =	vld.idx.msk [tilespmem:v39+s13+$0x0], $0xffff  }
0x335: {  	v45 =	vor.u32 v9, v19;
	v24 =	vld.idx.msk [tilespmem:v24+s13+$0x0], $0xffff;
	[tilespmem:s0+$0x16400] =	vst v28  }
0x336: {  	v44 =	vor.u32 v9, v17;
	v26 =	vld.idx.msk [tilespmem:v26+s13+$0x0], $0xffff;
	[tilespmem:s7+$0x16070] =	vst v31  }
0x337: {  	v43 =	vor.u32 v11, v16;
	v32 =	vld.idx.msk [tilespmem:v40+s13+$0x0], $0xffff;
	[tilespmem:s8+$0x16070] =	vst v23  }
0x338: {  	v46 =	vor.u32 v9, v20;
	v27 =	vld.idx.msk [tilespmem:v41+s13+$0x0], $0xffff;
	[tilespmem:s5+$0x16070] =	vst v25  }
0x339: {  	v47 =	vor.u32 v9, v21;
	[tilespmem:s6+$0x16400] =	vst v30;
	v25 =	vld.idx.msk [tilespmem:v42+s13+$0x0], $0xffff  }
0x33a: {  	v49 =	vor.u32 v9, v22;
	[tilespmem:s1+$0x16470] =	vst v24;
	v31 =	vld.idx.msk [tilespmem:v45+s13+$0x0], $0xffff  }
0x33b: {  	[tilespmem:s31+$0x16450] =	vst v26;
	v29 =	vld.idx.msk [tilespmem:v44+s13+$0x0], $0xffff;
	v52 =	vor.u32 v10, v19  }
0x33c: {  	v48 =	vld.idx.msk [tilespmem:v43+s13+$0x0], $0xffff;
	v51 =	vor.u32 v10, v17;
	[tilespmem:s7+$0x16400] =	vst v32  }
0x33d: {  	v50 =	vor.u32 v14, v18;
	v23 =	vld.idx.msk [tilespmem:v46+s13+$0x0], $0xffff;
	[tilespmem:s8+$0x16400] =	vst v27  }
0x33e: {  	v53 =	vor.u32 v10, v20;
	v24 =	vld.idx.msk [tilespmem:v47+s13+$0x0], $0xffff;
	[tilespmem:s5+$0x16400] =	vst v25  }
0x33f: {  	[tilespmem:s6+$0x16410] =	vst v31;
	v54 =	vor.u32 v10, v21;
	v26 =	vld.idx.msk [tilespmem:v49+s13+$0x0], $0xffff  }
0x340: {  	[tilespmem:s0+$0x16410] =	vst v29;
	v56 =	vor.u32 v10, v22;
	v32 =	vld.idx.msk [tilespmem:v52+s13+$0x0], $0xffff  }
0x341: {  	[tilespmem:s30+$0x16430] =	vst v48;
	v30 =	vld.idx.msk [tilespmem:v51+s13+$0x0], $0xffff;
	v59 =	vor.u32 v11, v19  }
0x342: {  	v55 =	vld.idx.msk [tilespmem:v50+s13+$0x0], $0xffff;
	v58 =	vor.u32 v11, v17;
	[tilespmem:s7+$0x16410] =	vst v23  }
0x343: {  	v57 =	vor.u32 v12, v16;
	v27 =	vld.idx.msk [tilespmem:v53+s13+$0x0], $0xffff;
	[tilespmem:s8+$0x16410] =	vst v24  }
0x344: {  	v60 =	vor.u32 v11, v20;
	v25 =	vld.idx.msk [tilespmem:v54+s13+$0x0], $0xffff;
	[tilespmem:s5+$0x16410] =	vst v26  }
0x345: {  	v61 =	vor.u32 v11, v21;
	[tilespmem:s6+$0x16420] =	vst v32;
	v62 =	vld.idx.msk [tilespmem:v56+s13+$0x0], $0xffff  }
0x346: {  	v36 =	vor.u32 v11, v22;
	[tilespmem:s0+$0x16420] =	vst v30;
	v23 =	vld.idx.msk [tilespmem:v59+s13+$0x0], $0xffff  }
0x347: {  	v39 =	vor.u32 v12, v19;
	[tilespmem:s31+$0x16460] =	vst v55;
	v31 =	vld.idx.msk [tilespmem:v58+s13+$0x0], $0xffff  }
0x348: {  	v63 =	vld.idx.msk [tilespmem:v57+s13+$0x0], $0xffff;
	v37 =	vor.u32 v15, v18;
	[tilespmem:s7+$0x16420] =	vst v27  }
0x349: {  	v38 =	vor.u32 v12, v17;
	v24 =	vld.idx.msk [tilespmem:v60+s13+$0x0], $0xffff;
	[tilespmem:s8+$0x16420] =	vst v25  }
0x34a: {  	v40 =	vor.u32 v12, v20;
	v26 =	vld.idx.msk [tilespmem:v61+s13+$0x0], $0xffff;
	[tilespmem:s5+$0x16420] =	vst v62  }
0x34b: {  	v41 =	vor.u32 v12, v21;
	[tilespmem:s6+$0x16430] =	vst v23;
	v42 =	vld.idx.msk [tilespmem:v36+s13+$0x0], $0xffff  }
0x34c: {  	v43 =	vor.u32 v12, v22;
	[tilespmem:s0+$0x16430] =	vst v31;
	v27 =	vld.idx.msk [tilespmem:v39+s13+$0x0], $0xffff  }
0x34d: {  	v44 =	vor.u32 v13, v16;
	[tilespmem:s30+$0x16440] =	vst v63;
	v18 =	vld.idx.msk [tilespmem:v37+s13+$0x0], $0xffff  }
0x34e: {  	v46 =	vor.u32 v13, v19;
	v32 =	vld.idx.msk [tilespmem:v38+s13+$0x0], $0xffff;
	[tilespmem:s7+$0x16430] =	vst v24  }
0x34f: {  	v45 =	vor.u32 v13, v17;
	v25 =	vld.idx.msk [tilespmem:v40+s13+$0x0], $0xffff;
	[tilespmem:s8+$0x16430] =	vst v26  }
0x350: {  	v47 =	vor.u32 v13, v20;
	v28 =	vld.idx.msk [tilespmem:v41+s13+$0x0], $0xffff;
	[tilespmem:s5+$0x16430] =	vst v42  }
0x351: {  	v48 =	vor.u32 v13, v21;
	[tilespmem:s6+$0x16440] =	vst v27;
	v29 =	vld.idx.msk [tilespmem:v43+s13+$0x0], $0xffff  }
0x352: {  	v50 =	vor.u32 v13, v22;
	[tilespmem:s31+$0x16470] =	vst v18;
	v49 =	vld.idx.msk [tilespmem:v44+s13+$0x0], $0xffff  }
0x353: {  	v51 =	vor.u32 v14, v16;
	v24 =	vld.idx.msk [tilespmem:v46+s13+$0x0], $0xffff;
	[tilespmem:s0+$0x16440] =	vst v32  }
0x354: {  	v53 =	vor.u32 v14, v19;
	v23 =	vld.idx.msk [tilespmem:v45+s13+$0x0], $0xffff;
	[tilespmem:s7+$0x16440] =	vst v25  }
0x355: {  	v52 =	vor.u32 v14, v17;
	v26 =	vld.idx.msk [tilespmem:v47+s13+$0x0], $0xffff;
	[tilespmem:s8+$0x16440] =	vst v28  }
0x356: {  	v54 =	vor.u32 v14, v20;
	v18 =	vld.idx.msk [tilespmem:v48+s13+$0x0], $0xffff;
	[tilespmem:s5+$0x16440] =	vst v29  }
0x357: {  	v55 =	vor.u32 v14, v21;
	[tilespmem:s30+$0x16450] =	vst v49;
	v56 =	vld.idx.msk [tilespmem:v50+s13+$0x0], $0xffff  }
0x358: {  	v58 =	vor.u32 v14, v22;
	[tilespmem:s6+$0x16450] =	vst v24;
	v57 =	vld.idx.msk [tilespmem:v51+s13+$0x0], $0xffff  }
0x359: {  	v16 =	vor.u32 v15, v16;
	v24 =	vld.idx.msk [tilespmem:v53+s13+$0x0], $0xffff;
	[tilespmem:s0+$0x16450] =	vst v23  }
0x35a: {  	v59 =	vor.u32 v15, v19;
	v27 =	vld.idx.msk [tilespmem:v52+s13+$0x0], $0xffff;
	[tilespmem:s7+$0x16450] =	vst v26  }
0x35b: {  	v17 =	vor.u32 v15, v17;
	v60 =	vld.idx.msk [tilespmem:v54+s13+$0x0], $0xffff;
	[tilespmem:s8+$0x16450] =	vst v18  }
0x35c: {  	v61 =	vor.u32 v15, v20;
	v62 =	vld.idx.msk [tilespmem:v55+s13+$0x0], $0xffff;
	[tilespmem:s5+$0x16450] =	vst v56  }
0x35d: {  	v63 =	vor.u32 v15, v21;
	[tilespmem:s30+$0x16460] =	vst v57;
	v23 =	vld.idx.msk [tilespmem:v58+s13+$0x0], $0xffff  }
0x35e: {  	v22 =	vor.u32 v15, v22;
	[tilespmem:s6+$0x16460] =	vst v24;
	v16 =	vld.idx.msk [tilespmem:v16+s13+$0x0], $0xffff  }
0x35f: {  	v19 =	vld.idx.msk [tilespmem:v59+s13+$0x0], $0xffff;
	[tilespmem:s0+$0x16460] =	vst v27  }
0x360: {  	v17 =	vld.idx.msk [tilespmem:v17+s13+$0x0], $0xffff;
	[tilespmem:s7+$0x16460] =	vst v60  }
0x361: {  	v18 =	vld.idx.msk [tilespmem:v61+s13+$0x0], $0xffff;
	[tilespmem:s8+$0x16460] =	vst v62  }
0x362: {  	v20 =	vld.idx.msk [tilespmem:v63+s13+$0x0], $0xffff;
	[tilespmem:s5+$0x16460] =	vst v23  }
0x363: {  	[tilespmem:s30+$0x16470] =	vst v16;
	v16 =	vld.idx.msk [tilespmem:v22+s13+$0x0], $0xffff  }
0x364: {  	[tilespmem:s6+$0x16470] =	vst v19  }
.Ltmp6:
0x365: {  	[tilespmem:s0+$0x16470] =	vst v17;
	(pc) =	sbr.rel @p1 .LBB2_12-.Ltmp6, $4  }
0x366: {  	[tilespmem:s7+$0x16470] =	vst v18  }
0x367: {  	s31 =	sshll.u32 s29, $0x5;
	[tilespmem:s8+$0x16470] =	vst v20  }
0x368: {  	s0 =	sadd.s32 s2, s31;
	[tilespmem:s5+$0x16470] =	vst v16  }
0x369: {  	[hbm4b:s0+s3] =	stream.linear.scatter [tilespmem:s21], [sflag:$0x8], $0x2000, $0x38;
	[tilespmem:$0x18000] =	vst v63  }
.Ltmp7:
0x36a: {  	(pc) =	sbr.rel .LBB2_2-.Ltmp7, $4  }
0x36b: {  	_ = 	snop  }
0x36c: {  	s0 =	sshll.u32 s29, $0x6  }
0x36d: {  	s28 =	sadd.s32 $0x1, s28;
	s0 =	sadd.s32 s0, s9  }
0x36e: {  	[tilespmem:s13], [sflag:$0x4] =	stream.linear.gather [hbm4b:s0+s3], $0x4000, $0x38;
	[tilespmem:$0x18000] =	vst v63  }
.LBB2_13:
0x36f: {  	_ =	sfence.sel $0x180000  }
0x370: {  	[bflag:$0x0] =	sbarrier.arrive $0xFFFF  }
0x371: {  	_ =	strace $0x90000047  }
0x372: {  	s0 =	stileid.u32;
	[bflag:$0x2] =	sbarrier.arrive $0xFFFF  }
0x373: {  	p0 =	sne.s32 s0, $0x0;
	s0 =	rddreg [dreg:$0x2]  }
0x374: {  	s0 =	sadd.s32 @!p0 $0x100000, s0  }
0x375: {  	[sflag:s0] =	ssyncadd.tile.s32 @!p0 $0x1;
	_ =	shalt  }
.Lfunc_end2:
_tile_overlayer_lowered:
.L_overlay_start_2:
0x376: {  	(tag) =	ssettag $0x2  }
0x377: {  	s0 =	rddreg [dreg:$0x0];
	s2 =	stileid.u32  }
0x378: {  	s1 =	rddreg [dreg:$0x1];
	p0 =	sne.s32 s2, $0x0  }
0x379: {  	s3 =	rddreg [dreg:$0x2];
	[bflag:$0x3] =	sbarrier.arrive $0xFFFF;
	s2 =	simm.s32 @!p0 $0x1C09  }
0x37a: {  	[timem:s3], [sflag:s2] =	dma.local @!p0 [hbm:s0], s1  }
0x37b: {  	s0 =	simm.s32 @!p0 $0x9  }
0x37c: {  	_ =	swait.ge @!p0 [sflag:s0], s1  }
0x37d: {  	s1 =	ssub.s32 @!p0 $0x0, s1;
	[sflag:s0] =	ssyncset.done @!p0 $0x0  }
0x37e: {  	[sflag:s0] =	ssyncadd.s32 @!p0 s1  }
0x37f: {  	[bflag:$0x3] =	sbarrier.arrive $0xFFFF  }
0x380: {  	_ =	shalt  }

</sc_bundles>
